<compile_context>
chip_gen: v7x
topology: tpu7x:2x2x1
jax: 0.10.2.dev20260603
libtpu: 0.0.44.dev20260713+nightly
codegen_flags: <defaults>
</compile_context>

<pallas_src>
import functools

import jax
import jax.numpy as jnp
from jax import lax
from jax.experimental import pallas as pl
from jax.experimental.pallas import tpu as pltpu
from jax.experimental.pallas import tpu_sc as plsc

VOCAB = 1000000
D_EMBED = 64
BATCH = 16384

_info = plsc.get_sparse_core_info()
_NC, _NS = _info.num_cores, _info.num_subcores
_NW = _NC * _NS
_B_PER_W = BATCH // _NW
_L = 16
_NG = _B_PER_W // _L
_RING = 8
_DB = D_EMBED // 8


def _build_gather():
    mesh = plsc.VectorSubcoreMesh(core_axis_name="c", subcore_axis_name="s")

    @functools.partial(
        pl.kernel,
        mesh=mesh,
        out_type=jax.ShapeDtypeStruct((D_EMBED, BATCH), jnp.float32),
        scratch_types=[
            pltpu.VMEM((_B_PER_W,), jnp.int32),
            pltpu.VMEM((_RING, _DB, 8, 128), jnp.float32),
            pltpu.VMEM((D_EMBED, _B_PER_W), jnp.float32),
            pltpu.SemaphoreType.DMA((_RING,)),
        ],
        compiler_params=pltpu.CompilerParams(
            use_tc_tiling_on_sc=True, needs_layout_passes=False
        ),
    )
    def gather_kernel(idx_hbm, table_hbm, out_hbm, idx_v, ring_v, h_v, sems):
        wid = lax.axis_index("s") * _NC + lax.axis_index("c")
        base = wid * _B_PER_W
        pltpu.sync_copy(idx_hbm.at[pl.ds(base, _B_PER_W)], idx_v)

        iota = lax.iota(jnp.int32, _L)
        dblk_lo = iota // 8
        dsub_lo = iota % 8

        def issue(j, cb):
            pltpu.make_async_copy(
                table_hbm.at[:, :, pl.ds(pl.multiple_of(cb, 128), 128)],
                ring_v.at[j % _RING],
                sems.at[j % _RING],
            ).start()

        def select(j, col, kl):
            pltpu.make_async_copy(
                table_hbm.at[:, :, pl.ds(0, 128)],
                ring_v.at[j % _RING],
                sems.at[j % _RING],
            ).wait()
            col16 = jnp.zeros((_L,), jnp.int32) + col
            k16 = jnp.zeros((_L,), jnp.int32) + kl
            ring16 = jnp.zeros((_L,), jnp.int32) + (j % _RING)
            for half in range(4):
                x = plsc.load_gather(
                    ring_v,
                    [ring16, dblk_lo + 2 * half, dsub_lo, col16],
                )
                plsc.store_scatter(h_v, [iota + half * _L, k16], x)
            return None

        def group(q, _):
            k0 = q * _L
            v16 = idx_v[pl.ds(k0, _L)]
            cb16 = v16 & jnp.int32(-128)
            vs16 = idx_v[pl.ds(jnp.maximum(k0 - _RING, 0), _L)]
            co16 = vs16 & jnp.int32(127)
            for j in range(_L):
                if j < _RING:
                    @pl.when(q > 0)
                    def _():
                        select(j, co16[j], k0 + j - _RING)
                else:
                    col = jnp.where(q > 0, co16[j], v16[j - _RING] & 127)
                    select(j, col, k0 + j - _RING)
                issue(j, cb16[j])
            return 0

        lax.fori_loop(0, _NG, group, 0, unroll=False)
        vlast = idx_v[pl.ds(_B_PER_W - _L, _L)]
        clast = vlast & jnp.int32(127)
        for j in range(_RING):
            select(j + _RING, clast[j + _RING], _B_PER_W - _RING + j)
        pltpu.sync_copy(h_v, out_hbm.at[:, pl.ds(base, _B_PER_W)])

    return gather_kernel


_gather = _build_gather()


def kernel(indices, W):
    idx = indices.astype(jnp.int32)
    table3 = jnp.reshape(jnp.transpose(W), (8, 8, VOCAB))
    out_t = _gather(idx, table3)
    return jnp.transpose(out_t)

# --- scband reference (transcript-rebuilt; emitter-appended) ---
"""Pipeline reference for scband-discrete-embedding-7876970021074 (READ-ONLY COPY).

The authoritative reference and input builder live on the scoring server;
editing this copy changes nothing except your own understanding.
"""

import jax, jax.numpy as jnp
import numpy as np

VOCAB = 1000000
D_EMBED = 64
BATCH = 16384


def setup_inputs(seed: int = 0) -> dict:
    key = jax.random.key(seed)
    k_idx, k_w = jax.random.split(key)
    indices = jax.random.randint(k_idx, (BATCH,), 0, VOCAB, dtype=jnp.int64 if jax.config.jax_enable_x64 else jnp.int32)
    # Embedding table for attribute 'item_id'; nn.Embedding default init is N(0,1).
    W = jax.random.normal(k_w, (VOCAB, D_EMBED), dtype=jnp.float32)
    # Unknown token at index 0 is zero-initialised.
    W = W.at[0].set(0.0)
    return {"indices": indices, "W": W}


def reference(indices, W):
    # DiscreteEmbedding.forward('item_id', indices) -> embeddings['item_id'](indices)
    return jnp.take(W, indices, axis=0)

if __name__ == "__main__":
    import jax
    _d = setup_inputs()
    print(jax.jit(kernel)(*tuple(_d.values())))

</pallas_src>

<mosaic_0001>
#map = affine_map<(d0, d1) -> (0)>
#map1 = affine_map<(d0, d1) -> (0, 0, 0)>
#map2 = affine_map<(d0, d1) -> (0, 0)>
module attributes {stable_mosaic.version = 14 : i64} {
  func.func @gather_kernel(%arg0: i32, %arg1: i32, %arg2: memref<16384xi32, #tpu.memory_space<hbm>>, %arg3: memref<8x8x1000000xf32, #tpu.memory_space<hbm>>, %arg4: memref<64x16384xf32, #tpu.memory_space<hbm>>, %arg5: memref<512xi32, #tpu.memory_space<vmem>>, %arg6: memref<8x8x8x128xf32, #tpu.memory_space<vmem>>, %arg7: memref<64x512xf32, #tpu.memory_space<vmem>>, %arg8: memref<8x!tpu.dma_semaphore, #tpu.memory_space<semaphore_mem>>) attributes {dimension_semantics = [#tpu.dimension_semantics<core_parallel>, #tpu.dimension_semantics<subcore_parallel>], iteration_bounds = array<i64: 2, 16>, scalar_prefetch = 0 : i64, scratch_operands = 4 : i64, tpu.core_type = #tpu.core_type<sc_vector_subcore>, window_params = [{transform_indices = #map}, {transform_indices = #map1}, {transform_indices = #map2}]} {
    %mul3A = arith.constant 2 : i32
    %mul3A_0 = arith.muli %arg1, %mul3A : i32
    %add3A = arith.addi %mul3A_0, %arg0 : i32
    %mul3A_1 = arith.constant 512 : i32
    %mul3A_2 = arith.muli %add3A, %mul3A_1 : i32
    "tpu.region"() ({
      %run_scoped3A = tpu.sem_alloc : memref<!tpu.dma_semaphore, #tpu.memory_space<semaphore_mem>>
      %dma_start3A = tpu.memref_slice %arg2[%mul3A_2] : memref<16384xi32, #tpu.memory_space<hbm>> -> memref<512xi32, #tpu.memory_space<hbm>>
      %dma_start3A_579 = tpu.memref_slice %arg2[%mul3A_2] : memref<16384xi32, #tpu.memory_space<hbm>> -> memref<512xi32, #tpu.memory_space<hbm>>
      tpu.enqueue_dma source(%dma_start3A_579 : memref<512xi32, #tpu.memory_space<hbm>>) target(%arg5 : memref<512xi32, #tpu.memory_space<vmem>>) target_semaphore(%run_scoped3A : memref<!tpu.dma_semaphore, #tpu.memory_space<semaphore_mem>>)
      %dma_wait3A_580 = tpu.memref_slice %arg2[%mul3A_2] : memref<16384xi32, #tpu.memory_space<hbm>> -> memref<512xi32, #tpu.memory_space<hbm>>
      %dma_wait3A_581 = tpu.memref_slice %arg2[%mul3A_2] : memref<16384xi32, #tpu.memory_space<hbm>> -> memref<512xi32, #tpu.memory_space<hbm>>
      tpu.wait_dma2 semaphore(%run_scoped3A : memref<!tpu.dma_semaphore, #tpu.memory_space<semaphore_mem>>) src(%dma_wait3A_581 : memref<512xi32, #tpu.memory_space<hbm>>) dst(%arg5 : memref<512xi32, #tpu.memory_space<vmem>>)
      tpu.yield
    }) : () -> ()
    %iota3A = tpu.iota {dimensions = array<i32: 0>} : vector<16xi32>
    %jit3A = arith.constant 8 : i32
    %div3A = vector.broadcast %jit3A : i32 to vector<16xi32>
    %div3A_3 = arith.divsi %iota3A, %div3A : vector<16xi32>
    %sign3A = arith.constant 0 : i32
    %sign3A_4 = vector.broadcast %sign3A : i32 to vector<16xi32>
    %sign3A_5 = arith.cmpi sgt, %iota3A, %sign3A_4 : vector<16xi32>
    %sign3A_6 = arith.extui %sign3A_5 : vector<16xi1> to vector<16xi32>
    %sign3A_7 = arith.constant 0 : i32
    %sign3A_8 = vector.broadcast %sign3A_7 : i32 to vector<16xi32>
    %sign3A_9 = arith.cmpi slt, %iota3A, %sign3A_8 : vector<16xi32>
    %sign3A_10 = arith.extui %sign3A_9 : vector<16xi1> to vector<16xi32>
    %sign3A_11 = arith.subi %sign3A_6, %sign3A_10 : vector<16xi32>
    %sign3A_12 = arith.constant 0 : i32
    %sign3A_13 = arith.cmpi sgt, %jit3A, %sign3A_12 : i32
    %sign3A_14 = arith.extui %sign3A_13 : i1 to i32
    %sign3A_15 = arith.constant 0 : i32
    %sign3A_16 = arith.cmpi slt, %jit3A, %sign3A_15 : i32
    %sign3A_17 = arith.extui %sign3A_16 : i1 to i32
    %sign3A_18 = arith.subi %sign3A_14, %sign3A_17 : i32
    %ne3A = vector.broadcast %sign3A_18 : i32 to vector<16xi32>
    %ne3A_19 = arith.cmpi ne, %sign3A_11, %ne3A : vector<16xi32>
    %rem3A = vector.broadcast %jit3A : i32 to vector<16xi32>
    %rem3A_20 = arith.remsi %iota3A, %rem3A : vector<16xi32>
    %ne3A_21 = arith.constant 0 : i32
    %ne3A_22 = vector.broadcast %ne3A_21 : i32 to vector<16xi32>
    %ne3A_23 = arith.cmpi ne, %rem3A_20, %ne3A_22 : vector<16xi32>
    %and3A = arith.andi %ne3A_19, %ne3A_23 : vector<16xi1>
    %sub3A = arith.constant 1 : i32
    %sub3A_24 = vector.broadcast %sub3A : i32 to vector<16xi32>
    %sub3A_25 = arith.subi %div3A_3, %sub3A_24 : vector<16xi32>
    %select_n3A = arith.select %and3A, %sub3A_25, %div3A_3 : vector<16xi1>, vector<16xi32>
    %jit3A_26 = arith.constant 8 : i32
    %eq3A = arith.constant 0 : i32
    %eq3A_27 = arith.cmpi eq, %jit3A_26, %eq3A : i32
    %jit3A_28 = arith.constant 1 : i32
    %select_n3A_29 = arith.select %eq3A_27, %jit3A_28, %jit3A_26 : i32
    %rem3A_30 = vector.broadcast %select_n3A_29 : i32 to vector<16xi32>
    %rem3A_31 = arith.remsi %iota3A, %rem3A_30 : vector<16xi32>
    %ne3A_32 = arith.constant 0 : i32
    %ne3A_33 = vector.broadcast %ne3A_32 : i32 to vector<16xi32>
    %ne3A_34 = arith.cmpi ne, %rem3A_31, %ne3A_33 : vector<16xi32>
    %lt3A = arith.constant 0 : i32
    %lt3A_35 = vector.broadcast %lt3A : i32 to vector<16xi32>
    %lt3A_36 = arith.cmpi slt, %rem3A_31, %lt3A_35 : vector<16xi32>
    %lt3A_37 = arith.constant 0 : i32
    %lt3A_38 = arith.cmpi slt, %select_n3A_29, %lt3A_37 : i32
    %ne3A_39 = vector.broadcast %lt3A_38 : i1 to vector<16xi1>
    %ne3A_40 = vector.broadcast %ne3A_39 : vector<16xi1> to vector<16xi1>
    %ne3A_41 = arith.xori %lt3A_36, %ne3A_40 : vector<16xi1>
    %and3A_42 = arith.andi %ne3A_41, %ne3A_34 : vector<16xi1>
    %add3A_43 = vector.broadcast %select_n3A_29 : i32 to vector<16xi32>
    %add3A_44 = arith.addi %rem3A_31, %add3A_43 : vector<16xi32>
    %select_n3A_45 = arith.select %and3A_42, %add3A_44, %rem3A_31 : vector<16xi1>, vector<16xi32>
    %scan3A = arith.constant 0 : i32
    %scan3A_46 = arith.constant 0 : i32
    %scan3A_47 = arith.constant 32 : i32
    %scan3A_48 = arith.addi %scan3A_46, %scan3A_47 : i32
    %scan3A_49 = arith.constant 1 : i32
    %scan3A_50 = scf.for %scan3A_579 = %scan3A_46 to %scan3A_48 step %scan3A_49 iter_args(%scan3A_580 = %scan3A) -> (i32)  : i32 {
      %mul3A_581 = arith.constant 16 : i32
      %mul3A_582 = arith.muli %scan3A_579, %mul3A_581 : i32
      %get3A_583 = arith.index_cast %mul3A_582 : i32 to index
      %get3A_584 = tpu.vector_load %arg5[%get3A_583] {strides = array<i32>} : memref<512xi32, #tpu.memory_space<vmem>>, vector<16xi32>,
      %and3A_585 = arith.constant -128 : i32
      %and3A_586 = vector.broadcast %and3A_585 : i32 to vector<16xi32>
      %and3A_587 = arith.andi %get3A_584, %and3A_586 : vector<16xi32>
      %sub3A_588 = arith.constant 8 : i32
      %sub3A_589 = arith.subi %mul3A_582, %sub3A_588 : i32
      %max3A = arith.constant 0 : i32
      %max3A_590 = arith.maxsi %sub3A_589, %max3A : i32
      %get3A_591 = arith.index_cast %max3A_590 : i32 to index
      %get3A_592 = tpu.vector_load %arg5[%get3A_591] {strides = array<i32>} : memref<512xi32, #tpu.memory_space<vmem>>, vector<16xi32>,
      %and3A_593 = arith.constant 127 : i32
      %and3A_594 = vector.broadcast %and3A_593 : i32 to vector<16xi32>
      %and3A_595 = arith.andi %get3A_592, %and3A_594 : vector<16xi32>
      %gt3A = arith.constant 0 : i32
      %gt3A_596 = arith.cmpi sgt, %scan3A_579, %gt3A : i32
      %convert_element_type3A = arith.extui %gt3A_596 : i1 to i32
      %cond3A = arith.constant 0 : i32
      %cond3A_597 = arith.cmpi ne, %convert_element_type3A, %cond3A : i32
      scf.if %cond3A_597 {
        %slice3A_1608 = vector.extract_strided_slice %and3A_595 {offsets = [0], sizes = [1], strides = [1]} : vector<16xi32> to vector<1xi32>
        %squeeze3A_1609 = vector.extract %slice3A_1608[0] : i32 from vector<1xi32>
        %add3A_1610 = arith.constant 0 : i32
        %add3A_1611 = arith.addi %mul3A_582, %add3A_1610 : i32
        %sub3A_1612 = arith.constant 8 : i32
        %sub3A_1613 = arith.subi %add3A_1611, %sub3A_1612 : i32
        %dma_wait3A_1614 = arith.constant 0 : i32
        %dma_wait3A_1615 = arith.constant 0 : i32
        %dma_wait3A_1616 = arith.constant 0 : i32
        %dma_wait3A_1617 = arith.constant 0 : i32
        %dma_wait3A_1618 = arith.constant 0 : i32
        %dma_wait3A_1619 = tpu.memref_slice %arg6[%dma_wait3A_1614, %dma_wait3A_1616, %dma_wait3A_1617, %dma_wait3A_1618] : memref<8x8x8x128xf32, #tpu.memory_space<vmem>> -> memref<1x8x8x128xf32, #tpu.memory_space<vmem>>
        %dma_wait3A_1620 = tpu.memref_squeeze %dma_wait3A_1619 : memref<1x8x8x128xf32, #tpu.memory_space<vmem>> -> memref<8x8x128xf32, #tpu.memory_space<vmem>>
        %dma_wait3A_1621 = arith.constant 0 : i32
        %dma_wait3A_1622 = arith.constant 0 : i32
        %dma_wait3A_1623 = arith.constant 0 : i32
        %dma_wait3A_1624 = tpu.memref_slice %arg3[%dma_wait3A_1621, %dma_wait3A_1622, %dma_wait3A_1623] : memref<8x8x1000000xf32, #tpu.memory_space<hbm>> -> memref<8x8x128xf32, #tpu.memory_space<hbm>>
        %dma_wait3A_1625 = tpu.memref_slice %arg8[%dma_wait3A_1615] : memref<8x!tpu.dma_semaphore, #tpu.memory_space<semaphore_mem>> -> memref<1x!tpu.dma_semaphore, #tpu.memory_space<semaphore_mem>>
        %dma_wait3A_1626 = tpu.memref_squeeze %dma_wait3A_1625 : memref<1x!tpu.dma_semaphore, #tpu.memory_space<semaphore_mem>> -> memref<!tpu.dma_semaphore, #tpu.memory_space<semaphore_mem>>
        %dma_wait3A_1627 = arith.constant 0 : i32
        %dma_wait3A_1628 = arith.constant 0 : i32
        %dma_wait3A_1629 = arith.constant 0 : i32
        %dma_wait3A_1630 = tpu.memref_slice %arg6[%dma_wait3A_1614, %dma_wait3A_1627, %dma_wait3A_1628, %dma_wait3A_1629] : memref<8x8x8x128xf32, #tpu.memory_space<vmem>> -> memref<1x8x8x128xf32, #tpu.memory_space<vmem>>
        %dma_wait3A_1631 = tpu.memref_squeeze %dma_wait3A_1630 : memref<1x8x8x128xf32, #tpu.memory_space<vmem>> -> memref<8x8x128xf32, #tpu.memory_space<vmem>>
        %dma_wait3A_1632 = arith.constant 0 : i32
        %dma_wait3A_1633 = arith.constant 0 : i32
        %dma_wait3A_1634 = arith.constant 0 : i32
        %dma_wait3A_1635 = tpu.memref_slice %arg3[%dma_wait3A_1632, %dma_wait3A_1633, %dma_wait3A_1634] : memref<8x8x1000000xf32, #tpu.memory_space<hbm>> -> memref<8x8x128xf32, #tpu.memory_space<hbm>>
        tpu.wait_dma2 semaphore(%dma_wait3A_1626 : memref<!tpu.dma_semaphore, #tpu.memory_space<semaphore_mem>>) src(%dma_wait3A_1635 : memref<8x8x128xf32, #tpu.memory_space<hbm>>) dst(%dma_wait3A_1631 : memref<8x8x128xf32, #tpu.memory_space<vmem>>)
        %broadcast_in_dim3A_1636 = arith.constant 0 : i32
        %broadcast_in_dim3A_1637 = vector.broadcast %broadcast_in_dim3A_1636 : i32 to vector<16xi32>
        %add3A_1638 = vector.broadcast %squeeze3A_1609 : i32 to vector<16xi32>
        %add3A_1639 = arith.addi %broadcast_in_dim3A_1637, %add3A_1638 : vector<16xi32>
        %broadcast_in_dim3A_1640 = arith.constant 0 : i32
        %broadcast_in_dim3A_1641 = vector.broadcast %broadcast_in_dim3A_1640 : i32 to vector<16xi32>
        %add3A_1642 = vector.broadcast %sub3A_1613 : i32 to vector<16xi32>
        %add3A_1643 = arith.addi %broadcast_in_dim3A_1641, %add3A_1642 : vector<16xi32>
        %broadcast_in_dim3A_1644 = arith.constant 0 : i32
        %broadcast_in_dim3A_1645 = vector.broadcast %broadcast_in_dim3A_1644 : i32 to vector<16xi32>
        %add3A_1646 = arith.constant 0 : i32
        %add3A_1647 = vector.broadcast %add3A_1646 : i32 to vector<16xi32>
        %add3A_1648 = arith.addi %broadcast_in_dim3A_1645, %add3A_1647 : vector<16xi32>
        %add3A_1649 = arith.constant 0 : i32
        %add3A_1650 = vector.broadcast %add3A_1649 : i32 to vector<16xi32>
        %add3A_1651 = arith.addi %select_n3A, %add3A_1650 : vector<16xi32>
        %gather3A_1652 = tpu.vector_load_idx %arg6[%add3A_1648, %add3A_1651, %select_n3A_45, %add3A_1639] : memref<8x8x8x128xf32, #tpu.memory_space<vmem>>[vector<16xi32>, vector<16xi32>, vector<16xi32>, vector<16xi32>], vector<16xf32>,
        %add3A_1653 = arith.constant 0 : i32
        %add3A_1654 = vector.broadcast %add3A_1653 : i32 to vector<16xi32>
        %add3A_1655 = arith.addi %iota3A, %add3A_1654 : vector<16xi32>
        tpu.vector_store_idx %arg7[%add3A_1655, %add3A_1643], %gather3A_1652 : memref<64x512xf32, #tpu.memory_space<vmem>>[vector<16xi32>, vector<16xi32>], vector<16xf32>,
        %add3A_1656 = arith.constant 2 : i32
        %add3A_1657 = vector.broadcast %add3A_1656 : i32 to vector<16xi32>
        %add3A_1658 = arith.addi %select_n3A, %add3A_1657 : vector<16xi32>
        %gather3A_1659 = tpu.vector_load_idx %arg6[%add3A_1648, %add3A_1658, %select_n3A_45, %add3A_1639] : memref<8x8x8x128xf32, #tpu.memory_space<vmem>>[vector<16xi32>, vector<16xi32>, vector<16xi32>, vector<16xi32>], vector<16xf32>,
        %add3A_1660 = arith.constant 16 : i32
        %add3A_1661 = vector.broadcast %add3A_1660 : i32 to vector<16xi32>
        %add3A_1662 = arith.addi %iota3A, %add3A_1661 : vector<16xi32>
        tpu.vector_store_idx %arg7[%add3A_1662, %add3A_1643], %gather3A_1659 : memref<64x512xf32, #tpu.memory_space<vmem>>[vector<16xi32>, vector<16xi32>], vector<16xf32>,
        %add3A_1663 = arith.constant 4 : i32
        %add3A_1664 = vector.broadcast %add3A_1663 : i32 to vector<16xi32>
        %add3A_1665 = arith.addi %select_n3A, %add3A_1664 : vector<16xi32>
        %gather3A_1666 = tpu.vector_load_idx %arg6[%add3A_1648, %add3A_1665, %select_n3A_45, %add3A_1639] : memref<8x8x8x128xf32, #tpu.memory_space<vmem>>[vector<16xi32>, vector<16xi32>, vector<16xi32>, vector<16xi32>], vector<16xf32>,
        %add3A_1667 = arith.constant 32 : i32
        %add3A_1668 = vector.broadcast %add3A_1667 : i32 to vector<16xi32>
        %add3A_1669 = arith.addi %iota3A, %add3A_1668 : vector<16xi32>
        tpu.vector_store_idx %arg7[%add3A_1669, %add3A_1643], %gather3A_1666 : memref<64x512xf32, #tpu.memory_space<vmem>>[vector<16xi32>, vector<16xi32>], vector<16xf32>,
        %add3A_1670 = arith.constant 6 : i32
        %add3A_1671 = vector.broadcast %add3A_1670 : i32 to vector<16xi32>
        %add3A_1672 = arith.addi %select_n3A, %add3A_1671 : vector<16xi32>
        %gather3A_1673 = tpu.vector_load_idx %arg6[%add3A_1648, %add3A_1672, %select_n3A_45, %add3A_1639] : memref<8x8x8x128xf32, #tpu.memory_space<vmem>>[vector<16xi32>, vector<16xi32>, vector<16xi32>, vector<16xi32>], vector<16xf32>,
        %add3A_1674 = arith.constant 48 : i32
        %add3A_1675 = vector.broadcast %add3A_1674 : i32 to vector<16xi32>
        %add3A_1676 = arith.addi %iota3A, %add3A_1675 : vector<16xi32>
        tpu.vector_store_idx %arg7[%add3A_1676, %add3A_1643], %gather3A_1673 : memref<64x512xf32, #tpu.memory_space<vmem>>[vector<16xi32>, vector<16xi32>], vector<16xf32>,
      } else {
      }
      %slice3A_598 = vector.extract_strided_slice %and3A_587 {offsets = [0], sizes = [1], strides = [1]} : vector<16xi32> to vector<1xi32>
      %squeeze3A_599 = vector.extract %slice3A_598[0] : i32 from vector<1xi32>
      %multiple_of3A = tpu.assume_multiple %squeeze3A_599, 128 : i32
      %dma_start3A = arith.constant 0 : i32
      %dma_start3A_600 = arith.constant 0 : i32
      %dma_start3A_601 = arith.constant 0 : i32
      %dma_start3A_602 = arith.constant 0 : i32
      %dma_start3A_603 = arith.constant 0 : i32
      %dma_start3A_604 = tpu.memref_slice %arg6[%dma_start3A, %dma_start3A_601, %dma_start3A_602, %dma_start3A_603] : memref<8x8x8x128xf32, #tpu.memory_space<vmem>> -> memref<1x8x8x128xf32, #tpu.memory_space<vmem>>
      %dma_start3A_605 = tpu.memref_squeeze %dma_start3A_604 : memref<1x8x8x128xf32, #tpu.memory_space<vmem>> -> memref<8x8x128xf32, #tpu.memory_space<vmem>>
      %dma_start3A_606 = arith.constant 0 : i32
      %dma_start3A_607 = arith.constant 0 : i32
      %dma_start3A_608 = tpu.memref_slice %arg3[%dma_start3A_606, %dma_start3A_607, %multiple_of3A] : memref<8x8x1000000xf32, #tpu.memory_space<hbm>> -> memref<8x8x128xf32, #tpu.memory_space<hbm>>
      %dma_start3A_609 = tpu.memref_slice %arg8[%dma_start3A_600] : memref<8x!tpu.dma_semaphore, #tpu.memory_space<semaphore_mem>> -> memref<1x!tpu.dma_semaphore, #tpu.memory_space<semaphore_mem>>
      %dma_start3A_610 = tpu.memref_squeeze %dma_start3A_609 : memref<1x!tpu.dma_semaphore, #tpu.memory_space<semaphore_mem>> -> memref<!tpu.dma_semaphore, #tpu.memory_space<semaphore_mem>>
      %dma_start3A_611 = arith.constant 0 : i32
      %dma_start3A_612 = arith.constant 0 : i32
      %dma_start3A_613 = arith.constant 0 : i32
      %dma_start3A_614 = tpu.memref_slice %arg6[%dma_start3A, %dma_start3A_611, %dma_start3A_612, %dma_start3A_613] : memref<8x8x8x128xf32, #tpu.memory_space<vmem>> -> memref<1x8x8x128xf32, #tpu.memory_space<vmem>>
      %dma_start3A_615 = tpu.memref_squeeze %dma_start3A_614 : memref<1x8x8x128xf32, #tpu.memory_space<vmem>> -> memref<8x8x128xf32, #tpu.memory_space<vmem>>
      %dma_start3A_616 = arith.constant 0 : i32
      %dma_start3A_617 = arith.constant 0 : i32
      %dma_start3A_618 = tpu.memref_slice %arg3[%dma_start3A_616, %dma_start3A_617, %multiple_of3A] : memref<8x8x1000000xf32, #tpu.memory_space<hbm>> -> memref<8x8x128xf32, #tpu.memory_space<hbm>>
      tpu.enqueue_dma source(%dma_start3A_618 : memref<8x8x128xf32, #tpu.memory_space<hbm>>) target(%dma_start3A_615 : memref<8x8x128xf32, #tpu.memory_space<vmem>>) target_semaphore(%dma_start3A_610 : memref<!tpu.dma_semaphore, #tpu.memory_space<semaphore_mem>>)
      %gt3A_619 = arith.constant 0 : i32
      %gt3A_620 = arith.cmpi sgt, %scan3A_579, %gt3A_619 : i32
      %convert_element_type3A_621 = arith.extui %gt3A_620 : i1 to i32
      %cond3A_622 = arith.constant 0 : i32
      %cond3A_623 = arith.cmpi ne, %convert_element_type3A_621, %cond3A_622 : i32
      scf.if %cond3A_623 {
        %slice3A_1608 = vector.extract_strided_slice %and3A_595 {offsets = [1], sizes = [1], strides = [1]} : vector<16xi32> to vector<1xi32>
        %squeeze3A_1609 = vector.extract %slice3A_1608[0] : i32 from vector<1xi32>
        %add3A_1610 = arith.constant 1 : i32
        %add3A_1611 = arith.addi %mul3A_582, %add3A_1610 : i32
        %sub3A_1612 = arith.constant 8 : i32
        %sub3A_1613 = arith.subi %add3A_1611, %sub3A_1612 : i32
        %dma_wait3A_1614 = arith.constant 1 : i32
        %dma_wait3A_1615 = arith.constant 1 : i32
        %dma_wait3A_1616 = arith.constant 0 : i32
        %dma_wait3A_1617 = arith.constant 0 : i32
        %dma_wait3A_1618 = arith.constant 0 : i32
        %dma_wait3A_1619 = tpu.memref_slice %arg6[%dma_wait3A_1614, %dma_wait3A_1616, %dma_wait3A_1617, %dma_wait3A_1618] : memref<8x8x8x128xf32, #tpu.memory_space<vmem>> -> memref<1x8x8x128xf32, #tpu.memory_space<vmem>>
        %dma_wait3A_1620 = tpu.memref_squeeze %dma_wait3A_1619 : memref<1x8x8x128xf32, #tpu.memory_space<vmem>> -> memref<8x8x128xf32, #tpu.memory_space<vmem>>
        %dma_wait3A_1621 = arith.constant 0 : i32
        %dma_wait3A_1622 = arith.constant 0 : i32
        %dma_wait3A_1623 = arith.constant 0 : i32
        %dma_wait3A_1624 = tpu.memref_slice %arg3[%dma_wait3A_1621, %dma_wait3A_1622, %dma_wait3A_1623] : memref<8x8x1000000xf32, #tpu.memory_space<hbm>> -> memref<8x8x128xf32, #tpu.memory_space<hbm>>
        %dma_wait3A_1625 = tpu.memref_slice %arg8[%dma_wait3A_1615] : memref<8x!tpu.dma_semaphore, #tpu.memory_space<semaphore_mem>> -> memref<1x!tpu.dma_semaphore, #tpu.memory_space<semaphore_mem>>
        %dma_wait3A_1626 = tpu.memref_squeeze %dma_wait3A_1625 : memref<1x!tpu.dma_semaphore, #tpu.memory_space<semaphore_mem>> -> memref<!tpu.dma_semaphore, #tpu.memory_space<semaphore_mem>>
        %dma_wait3A_1627 = arith.constant 0 : i32
        %dma_wait3A_1628 = arith.constant 0 : i32
        %dma_wait3A_1629 = arith.constant 0 : i32
        %dma_wait3A_1630 = tpu.memref_slice %arg6[%dma_wait3A_1614, %dma_wait3A_1627, %dma_wait3A_1628, %dma_wait3A_1629] : memref<8x8x8x128xf32, #tpu.memory_space<vmem>> -> memref<1x8x8x128xf32, #tpu.memory_space<vmem>>
        %dma_wait3A_1631 = tpu.memref_squeeze %dma_wait3A_1630 : memref<1x8x8x128xf32, #tpu.memory_space<vmem>> -> memref<8x8x128xf32, #tpu.memory_space<vmem>>
        %dma_wait3A_1632 = arith.constant 0 : i32
        %dma_wait3A_1633 = arith.constant 0 : i32
        %dma_wait3A_1634 = arith.constant 0 : i32
        %dma_wait3A_1635 = tpu.memref_slice %arg3[%dma_wait3A_1632, %dma_wait3A_1633, %dma_wait3A_1634] : memref<8x8x1000000xf32, #tpu.memory_space<hbm>> -> memref<8x8x128xf32, #tpu.memory_space<hbm>>
        tpu.wait_dma2 semaphore(%dma_wait3A_1626 : memref<!tpu.dma_semaphore, #tpu.memory_space<semaphore_mem>>) src(%dma_wait3A_1635 : memref<8x8x128xf32, #tpu.memory_space<hbm>>) dst(%dma_wait3A_1631 : memref<8x8x128xf32, #tpu.memory_space<vmem>>)
        %broadcast_in_dim3A_1636 = arith.constant 0 : i32
        %broadcast_in_dim3A_1637 = vector.broadcast %broadcast_in_dim3A_1636 : i32 to vector<16xi32>
        %add3A_1638 = vector.broadcast %squeeze3A_1609 : i32 to vector<16xi32>
        %add3A_1639 = arith.addi %broadcast_in_dim3A_1637, %add3A_1638 : vector<16xi32>
        %broadcast_in_dim3A_1640 = arith.constant 0 : i32
        %broadcast_in_dim3A_1641 = vector.broadcast %broadcast_in_dim3A_1640 : i32 to vector<16xi32>
        %add3A_1642 = vector.broadcast %sub3A_1613 : i32 to vector<16xi32>
        %add3A_1643 = arith.addi %broadcast_in_dim3A_1641, %add3A_1642 : vector<16xi32>
        %broadcast_in_dim3A_1644 = arith.constant 0 : i32
        %broadcast_in_dim3A_1645 = vector.broadcast %broadcast_in_dim3A_1644 : i32 to vector<16xi32>
        %add3A_1646 = arith.constant 1 : i32
        %add3A_1647 = vector.broadcast %add3A_1646 : i32 to vector<16xi32>
        %add3A_1648 = arith.addi %broadcast_in_dim3A_1645, %add3A_1647 : vector<16xi32>
        %add3A_1649 = arith.constant 0 : i32
        %add3A_1650 = vector.broadcast %add3A_1649 : i32 to vector<16xi32>
        %add3A_1651 = arith.addi %select_n3A, %add3A_1650 : vector<16xi32>
        %gather3A_1652 = tpu.vector_load_idx %arg6[%add3A_1648, %add3A_1651, %select_n3A_45, %add3A_1639] : memref<8x8x8x128xf32, #tpu.memory_space<vmem>>[vector<16xi32>, vector<16xi32>, vector<16xi32>, vector<16xi32>], vector<16xf32>,
        %add3A_1653 = arith.constant 0 : i32
        %add3A_1654 = vector.broadcast %add3A_1653 : i32 to vector<16xi32>
        %add3A_1655 = arith.addi %iota3A, %add3A_1654 : vector<16xi32>
        tpu.vector_store_idx %arg7[%add3A_1655, %add3A_1643], %gather3A_1652 : memref<64x512xf32, #tpu.memory_space<vmem>>[vector<16xi32>, vector<16xi32>], vector<16xf32>,
        %add3A_1656 = arith.constant 2 : i32
        %add3A_1657 = vector.broadcast %add3A_1656 : i32 to vector<16xi32>
        %add3A_1658 = arith.addi %select_n3A, %add3A_1657 : vector<16xi32>
        %gather3A_1659 = tpu.vector_load_idx %arg6[%add3A_1648, %add3A_1658, %select_n3A_45, %add3A_1639] : memref<8x8x8x128xf32, #tpu.memory_space<vmem>>[vector<16xi32>, vector<16xi32>, vector<16xi32>, vector<16xi32>], vector<16xf32>,
        %add3A_1660 = arith.constant 16 : i32
        %add3A_1661 = vector.broadcast %add3A_1660 : i32 to vector<16xi32>
        %add3A_1662 = arith.addi %iota3A, %add3A_1661 : vector<16xi32>
        tpu.vector_store_idx %arg7[%add3A_1662, %add3A_1643], %gather3A_1659 : memref<64x512xf32, #tpu.memory_space<vmem>>[vector<16xi32>, vector<16xi32>], vector<16xf32>,
        %add3A_1663 = arith.constant 4 : i32
        %add3A_1664 = vector.broadcast %add3A_1663 : i32 to vector<16xi32>
        %add3A_1665 = arith.addi %select_n3A, %add3A_1664 : vector<16xi32>
        %gather3A_1666 = tpu.vector_load_idx %arg6[%add3A_1648, %add3A_1665, %select_n3A_45, %add3A_1639] : memref<8x8x8x128xf32, #tpu.memory_space<vmem>>[vector<16xi32>, vector<16xi32>, vector<16xi32>, vector<16xi32>], vector<16xf32>,
        %add3A_1667 = arith.constant 32 : i32
        %add3A_1668 = vector.broadcast %add3A_1667 : i32 to vector<16xi32>
        %add3A_1669 = arith.addi %iota3A, %add3A_1668 : vector<16xi32>
        tpu.vector_store_idx %arg7[%add3A_1669, %add3A_1643], %gather3A_1666 : memref<64x512xf32, #tpu.memory_space<vmem>>[vector<16xi32>, vector<16xi32>], vector<16xf32>,
        %add3A_1670 = arith.constant 6 : i32
        %add3A_1671 = vector.broadcast %add3A_1670 : i32 to vector<16xi32>
        %add3A_1672 = arith.addi %select_n3A, %add3A_1671 : vector<16xi32>
        %gather3A_1673 = tpu.vector_load_idx %arg6[%add3A_1648, %add3A_1672, %select_n3A_45, %add3A_1639] : memref<8x8x8x128xf32, #tpu.memory_space<vmem>>[vector<16xi32>, vector<16xi32>, vector<16xi32>, vector<16xi32>], vector<16xf32>,
        %add3A_1674 = arith.constant 48 : i32
        %add3A_1675 = vector.broadcast %add3A_1674 : i32 to vector<16xi32>
        %add3A_1676 = arith.addi %iota3A, %add3A_1675 : vector<16xi32>
        tpu.vector_store_idx %arg7[%add3A_1676, %add3A_1643], %gather3A_1673 : memref<64x512xf32, #tpu.memory_space<vmem>>[vector<16xi32>, vector<16xi32>], vector<16xf32>,
      } else {
      }
      %slice3A_624 = vector.extract_strided_slice %and3A_587 {offsets = [1], sizes = [1], strides = [1]} : vector<16xi32> to vector<1xi32>
      %squeeze3A_625 = vector.extract %slice3A_624[0] : i32 from vector<1xi32>
      %multiple_of3A_626 = tpu.assume_multiple %squeeze3A_625, 128 : i32
      %dma_start3A_627 = arith.constant 1 : i32
      %dma_start3A_628 = arith.constant 1 : i32
      %dma_start3A_629 = arith.constant 0 : i32
      %dma_start3A_630 = arith.constant 0 : i32
      %dma_start3A_631 = arith.constant 0 : i32
      %dma_start3A_632 = tpu.memref_slice %arg6[%dma_start3A_627, %dma_start3A_629, %dma_start3A_630, %dma_start3A_631] : memref<8x8x8x128xf32, #tpu.memory_space<vmem>> -> memref<1x8x8x128xf32, #tpu.memory_space<vmem>>
      %dma_start3A_633 = tpu.memref_squeeze %dma_start3A_632 : memref<1x8x8x128xf32, #tpu.memory_space<vmem>> -> memref<8x8x128xf32, #tpu.memory_space<vmem>>
      %dma_start3A_634 = arith.constant 0 : i32
      %dma_start3A_635 = arith.constant 0 : i32
      %dma_start3A_636 = tpu.memref_slice %arg3[%dma_start3A_634, %dma_start3A_635, %multiple_of3A_626] : memref<8x8x1000000xf32, #tpu.memory_space<hbm>> -> memref<8x8x128xf32, #tpu.memory_space<hbm>>
      %dma_start3A_637 = tpu.memref_slice %arg8[%dma_start3A_628] : memref<8x!tpu.dma_semaphore, #tpu.memory_space<semaphore_mem>> -> memref<1x!tpu.dma_semaphore, #tpu.memory_space<semaphore_mem>>
      %dma_start3A_638 = tpu.memref_squeeze %dma_start3A_637 : memref<1x!tpu.dma_semaphore, #tpu.memory_space<semaphore_mem>> -> memref<!tpu.dma_semaphore, #tpu.memory_space<semaphore_mem>>
      %dma_start3A_639 = arith.constant 0 : i32
      %dma_start3A_640 = arith.constant 0 : i32
      %dma_start3A_641 = arith.constant 0 : i32
      %dma_start3A_642 = tpu.memref_slice %arg6[%dma_start3A_627, %dma_start3A_639, %dma_start3A_640, %dma_start3A_641] : memref<8x8x8x128xf32, #tpu.memory_space<vmem>> -> memref<1x8x8x128xf32, #tpu.memory_space<vmem>>
      %dma_start3A_643 = tpu.memref_squeeze %dma_start3A_642 : memref<1x8x8x128xf32, #tpu.memory_space<vmem>> -> memref<8x8x128xf32, #tpu.memory_space<vmem>>
      %dma_start3A_644 = arith.constant 0 : i32
      %dma_start3A_645 = arith.constant 0 : i32
      %dma_start3A_646 = tpu.memref_slice %arg3[%dma_start3A_644, %dma_start3A_645, %multiple_of3A_626] : memref<8x8x1000000xf32, #tpu.memory_space<hbm>> -> memref<8x8x128xf32, #tpu.memory_space<hbm>>
      tpu.enqueue_dma source(%dma_start3A_646 : memref<8x8x128xf32, #tpu.memory_space<hbm>>) target(%dma_start3A_643 : memref<8x8x128xf32, #tpu.memory_space<vmem>>) target_semaphore(%dma_start3A_638 : memref<!tpu.dma_semaphore, #tpu.memory_space<semaphore_mem>>)
      %gt3A_647 = arith.constant 0 : i32
      %gt3A_648 = arith.cmpi sgt, %scan3A_579, %gt3A_647 : i32
      %convert_element_type3A_649 = arith.extui %gt3A_648 : i1 to i32
      %cond3A_650 = arith.constant 0 : i32
      %cond3A_651 = arith.cmpi ne, %convert_element_type3A_649, %cond3A_650 : i32
      scf.if %cond3A_651 {
        %slice3A_1608 = vector.extract_strided_slice %and3A_595 {offsets = [2], sizes = [1], strides = [1]} : vector<16xi32> to vector<1xi32>
        %squeeze3A_1609 = vector.extract %slice3A_1608[0] : i32 from vector<1xi32>
        %add3A_1610 = arith.constant 2 : i32
        %add3A_1611 = arith.addi %mul3A_582, %add3A_1610 : i32
        %sub3A_1612 = arith.constant 8 : i32
        %sub3A_1613 = arith.subi %add3A_1611, %sub3A_1612 : i32
        %dma_wait3A_1614 = arith.constant 2 : i32
        %dma_wait3A_1615 = arith.constant 2 : i32
        %dma_wait3A_1616 = arith.constant 0 : i32
        %dma_wait3A_1617 = arith.constant 0 : i32
        %dma_wait3A_1618 = arith.constant 0 : i32
        %dma_wait3A_1619 = tpu.memref_slice %arg6[%dma_wait3A_1614, %dma_wait3A_1616, %dma_wait3A_1617, %dma_wait3A_1618] : memref<8x8x8x128xf32, #tpu.memory_space<vmem>> -> memref<1x8x8x128xf32, #tpu.memory_space<vmem>>
        %dma_wait3A_1620 = tpu.memref_squeeze %dma_wait3A_1619 : memref<1x8x8x128xf32, #tpu.memory_space<vmem>> -> memref<8x8x128xf32, #tpu.memory_space<vmem>>
        %dma_wait3A_1621 = arith.constant 0 : i32
        %dma_wait3A_1622 = arith.constant 0 : i32
        %dma_wait3A_1623 = arith.constant 0 : i32
        %dma_wait3A_1624 = tpu.memref_slice %arg3[%dma_wait3A_1621, %dma_wait3A_1622, %dma_wait3A_1623] : memref<8x8x1000000xf32, #tpu.memory_space<hbm>> -> memref<8x8x128xf32, #tpu.memory_space<hbm>>
        %dma_wait3A_1625 = tpu.memref_slice %arg8[%dma_wait3A_1615] : memref<8x!tpu.dma_semaphore, #tpu.memory_space<semaphore_mem>> -> memref<1x!tpu.dma_semaphore, #tpu.memory_space<semaphore_mem>>
        %dma_wait3A_1626 = tpu.memref_squeeze %dma_wait3A_1625 : memref<1x!tpu.dma_semaphore, #tpu.memory_space<semaphore_mem>> -> memref<!tpu.dma_semaphore, #tpu.memory_space<semaphore_mem>>
        %dma_wait3A_1627 = arith.constant 0 : i32
        %dma_wait3A_1628 = arith.constant 0 : i32
        %dma_wait3A_1629 = arith.constant 0 : i32
        %dma_wait3A_1630 = tpu.memref_slice %arg6[%dma_wait3A_1614, %dma_wait3A_1627, %dma_wait3A_1628, %dma_wait3A_1629] : memref<8x8x8x128xf32, #tpu.memory_space<vmem>> -> memref<1x8x8x128xf32, #tpu.memory_space<vmem>>
        %dma_wait3A_1631 = tpu.memref_squeeze %dma_wait3A_1630 : memref<1x8x8x128xf32, #tpu.memory_space<vmem>> -> memref<8x8x128xf32, #tpu.memory_space<vmem>>
        %dma_wait3A_1632 = arith.constant 0 : i32
        %dma_wait3A_1633 = arith.constant 0 : i32
        %dma_wait3A_1634 = arith.constant 0 : i32
        %dma_wait3A_1635 = tpu.memref_slice %arg3[%dma_wait3A_1632, %dma_wait3A_1633, %dma_wait3A_1634] : memref<8x8x1000000xf32, #tpu.memory_space<hbm>> -> memref<8x8x128xf32, #tpu.memory_space<hbm>>
        tpu.wait_dma2 semaphore(%dma_wait3A_1626 : memref<!tpu.dma_semaphore, #tpu.memory_space<semaphore_mem>>) src(%dma_wait3A_1635 : memref<8x8x128xf32, #tpu.memory_space<hbm>>) dst(%dma_wait3A_1631 : memref<8x8x128xf32, #tpu.memory_space<vmem>>)
        %broadcast_in_dim3A_1636 = arith.constant 0 : i32
        %broadcast_in_dim3A_1637 = vector.broadcast %broadcast_in_dim3A_1636 : i32 to vector<16xi32>
        %add3A_1638 = vector.broadcast %squeeze3A_1609 : i32 to vector<16xi32>
        %add3A_1639 = arith.addi %broadcast_in_dim3A_1637, %add3A_1638 : vector<16xi32>
        %broadcast_in_dim3A_1640 = arith.constant 0 : i32
        %broadcast_in_dim3A_1641 = vector.broadcast %broadcast_in_dim3A_1640 : i32 to vector<16xi32>
        %add3A_1642 = vector.broadcast %sub3A_1613 : i32 to vector<16xi32>
        %add3A_1643 = arith.addi %broadcast_in_dim3A_1641, %add3A_1642 : vector<16xi32>
        %broadcast_in_dim3A_1644 = arith.constant 0 : i32
        %broadcast_in_dim3A_1645 = vector.broadcast %broadcast_in_dim3A_1644 : i32 to vector<16xi32>
        %add3A_1646 = arith.constant 2 : i32
        %add3A_1647 = vector.broadcast %add3A_1646 : i32 to vector<16xi32>
        %add3A_1648 = arith.addi %broadcast_in_dim3A_1645, %add3A_1647 : vector<16xi32>
        %add3A_1649 = arith.constant 0 : i32
        %add3A_1650 = vector.broadcast %add3A_1649 : i32 to vector<16xi32>
        %add3A_1651 = arith.addi %select_n3A, %add3A_1650 : vector<16xi32>
        %gather3A_1652 = tpu.vector_load_idx %arg6[%add3A_1648, %add3A_1651, %select_n3A_45, %add3A_1639] : memref<8x8x8x128xf32, #tpu.memory_space<vmem>>[vector<16xi32>, vector<16xi32>, vector<16xi32>, vector<16xi32>], vector<16xf32>,
        %add3A_1653 = arith.constant 0 : i32
        %add3A_1654 = vector.broadcast %add3A_1653 : i32 to vector<16xi32>
        %add3A_1655 = arith.addi %iota3A, %add3A_1654 : vector<16xi32>
        tpu.vector_store_idx %arg7[%add3A_1655, %add3A_1643], %gather3A_1652 : memref<64x512xf32, #tpu.memory_space<vmem>>[vector<16xi32>, vector<16xi32>], vector<16xf32>,
        %add3A_1656 = arith.constant 2 : i32
        %add3A_1657 = vector.broadcast %add3A_1656 : i32 to vector<16xi32>
        %add3A_1658 = arith.addi %select_n3A, %add3A_1657 : vector<16xi32>
        %gather3A_1659 = tpu.vector_load_idx %arg6[%add3A_1648, %add3A_1658, %select_n3A_45, %add3A_1639] : memref<8x8x8x128xf32, #tpu.memory_space<vmem>>[vector<16xi32>, vector<16xi32>, vector<16xi32>, vector<16xi32>], vector<16xf32>,
        %add3A_1660 = arith.constant 16 : i32
        %add3A_1661 = vector.broadcast %add3A_1660 : i32 to vector<16xi32>
        %add3A_1662 = arith.addi %iota3A, %add3A_1661 : vector<16xi32>
        tpu.vector_store_idx %arg7[%add3A_1662, %add3A_1643], %gather3A_1659 : memref<64x512xf32, #tpu.memory_space<vmem>>[vector<16xi32>, vector<16xi32>], vector<16xf32>,
        %add3A_1663 = arith.constant 4 : i32
        %add3A_1664 = vector.broadcast %add3A_1663 : i32 to vector<16xi32>
        %add3A_1665 = arith.addi %select_n3A, %add3A_1664 : vector<16xi32>
        %gather3A_1666 = tpu.vector_load_idx %arg6[%add3A_1648, %add3A_1665, %select_n3A_45, %add3A_1639] : memref<8x8x8x128xf32, #tpu.memory_space<vmem>>[vector<16xi32>, vector<16xi32>, vector<16xi32>, vector<16xi32>], vector<16xf32>,
        %add3A_1667 = arith.constant 32 : i32
        %add3A_1668 = vector.broadcast %add3A_1667 : i32 to vector<16xi32>
        %add3A_1669 = arith.addi %iota3A, %add3A_1668 : vector<16xi32>
        tpu.vector_store_idx %arg7[%add3A_1669, %add3A_1643], %gather3A_1666 : memref<64x512xf32, #tpu.memory_space<vmem>>[vector<16xi32>, vector<16xi32>], vector<16xf32>,
        %add3A_1670 = arith.constant 6 : i32
        %add3A_1671 = vector.broadcast %add3A_1670 : i32 to vector<16xi32>
        %add3A_1672 = arith.addi %select_n3A, %add3A_1671 : vector<16xi32>
        %gather3A_1673 = tpu.vector_load_idx %arg6[%add3A_1648, %add3A_1672, %select_n3A_45, %add3A_1639] : memref<8x8x8x128xf32, #tpu.memory_space<vmem>>[vector<16xi32>, vector<16xi32>, vector<16xi32>, vector<16xi32>], vector<16xf32>,
        %add3A_1674 = arith.constant 48 : i32
        %add3A_1675 = vector.broadcast %add3A_1674 : i32 to vector<16xi32>
        %add3A_1676 = arith.addi %iota3A, %add3A_1675 : vector<16xi32>
        tpu.vector_store_idx %arg7[%add3A_1676, %add3A_1643], %gather3A_1673 : memref<64x512xf32, #tpu.memory_space<vmem>>[vector<16xi32>, vector<16xi32>], vector<16xf32>,
      } else {
      }
      %slice3A_652 = vector.extract_strided_slice %and3A_587 {offsets = [2], sizes = [1], strides = [1]} : vector<16xi32> to vector<1xi32>
      %squeeze3A_653 = vector.extract %slice3A_652[0] : i32 from vector<1xi32>
      %multiple_of3A_654 = tpu.assume_multiple %squeeze3A_653, 128 : i32
      %dma_start3A_655 = arith.constant 2 : i32
      %dma_start3A_656 = arith.constant 2 : i32
      %dma_start3A_657 = arith.constant 0 : i32
      %dma_start3A_658 = arith.constant 0 : i32
      %dma_start3A_659 = arith.constant 0 : i32
      %dma_start3A_660 = tpu.memref_slice %arg6[%dma_start3A_655, %dma_start3A_657, %dma_start3A_658, %dma_start3A_659] : memref<8x8x8x128xf32, #tpu.memory_space<vmem>> -> memref<1x8x8x128xf32, #tpu.memory_space<vmem>>
      %dma_start3A_661 = tpu.memref_squeeze %dma_start3A_660 : memref<1x8x8x128xf32, #tpu.memory_space<vmem>> -> memref<8x8x128xf32, #tpu.memory_space<vmem>>
      %dma_start3A_662 = arith.constant 0 : i32
      %dma_start3A_663 = arith.constant 0 : i32
      %dma_start3A_664 = tpu.memref_slice %arg3[%dma_start3A_662, %dma_start3A_663, %multiple_of3A_654] : memref<8x8x1000000xf32, #tpu.memory_space<hbm>> -> memref<8x8x128xf32, #tpu.memory_space<hbm>>
      %dma_start3A_665 = tpu.memref_slice %arg8[%dma_start3A_656] : memref<8x!tpu.dma_semaphore, #tpu.memory_space<semaphore_mem>> -> memref<1x!tpu.dma_semaphore, #tpu.memory_space<semaphore_mem>>
      %dma_start3A_666 = tpu.memref_squeeze %dma_start3A_665 : memref<1x!tpu.dma_semaphore, #tpu.memory_space<semaphore_mem>> -> memref<!tpu.dma_semaphore, #tpu.memory_space<semaphore_mem>>
      %dma_start3A_667 = arith.constant 0 : i32
      %dma_start3A_668 = arith.constant 0 : i32
      %dma_start3A_669 = arith.constant 0 : i32
      %dma_start3A_670 = tpu.memref_slice %arg6[%dma_start3A_655, %dma_start3A_667, %dma_start3A_668, %dma_start3A_669] : memref<8x8x8x128xf32, #tpu.memory_space<vmem>> -> memref<1x8x8x128xf32, #tpu.memory_space<vmem>>
      %dma_start3A_671 = tpu.memref_squeeze %dma_start3A_670 : memref<1x8x8x128xf32, #tpu.memory_space<vmem>> -> memref<8x8x128xf32, #tpu.memory_space<vmem>>
      %dma_start3A_672 = arith.constant 0 : i32
      %dma_start3A_673 = arith.constant 0 : i32
      %dma_start3A_674 = tpu.memref_slice %arg3[%dma_start3A_672, %dma_start3A_673, %multiple_of3A_654] : memref<8x8x1000000xf32, #tpu.memory_space<hbm>> -> memref<8x8x128xf32, #tpu.memory_space<hbm>>
      tpu.enqueue_dma source(%dma_start3A_674 : memref<8x8x128xf32, #tpu.memory_space<hbm>>) target(%dma_start3A_671 : memref<8x8x128xf32, #tpu.memory_space<vmem>>) target_semaphore(%dma_start3A_666 : memref<!tpu.dma_semaphore, #tpu.memory_space<semaphore_mem>>)
      %gt3A_675 = arith.constant 0 : i32
      %gt3A_676 = arith.cmpi sgt, %scan3A_579, %gt3A_675 : i32
      %convert_element_type3A_677 = arith.extui %gt3A_676 : i1 to i32
      %cond3A_678 = arith.constant 0 : i32
      %cond3A_679 = arith.cmpi ne, %convert_element_type3A_677, %cond3A_678 : i32
      scf.if %cond3A_679 {
        %slice3A_1608 = vector.extract_strided_slice %and3A_595 {offsets = [3], sizes = [1], strides = [1]} : vector<16xi32> to vector<1xi32>
        %squeeze3A_1609 = vector.extract %slice3A_1608[0] : i32 from vector<1xi32>
        %add3A_1610 = arith.constant 3 : i32
        %add3A_1611 = arith.addi %mul3A_582, %add3A_1610 : i32
        %sub3A_1612 = arith.constant 8 : i32
        %sub3A_1613 = arith.subi %add3A_1611, %sub3A_1612 : i32
        %dma_wait3A_1614 = arith.constant 3 : i32
        %dma_wait3A_1615 = arith.constant 3 : i32
        %dma_wait3A_1616 = arith.constant 0 : i32
        %dma_wait3A_1617 = arith.constant 0 : i32
        %dma_wait3A_1618 = arith.constant 0 : i32
        %dma_wait3A_1619 = tpu.memref_slice %arg6[%dma_wait3A_1614, %dma_wait3A_1616, %dma_wait3A_1617, %dma_wait3A_1618] : memref<8x8x8x128xf32, #tpu.memory_space<vmem>> -> memref<1x8x8x128xf32, #tpu.memory_space<vmem>>
        %dma_wait3A_1620 = tpu.memref_squeeze %dma_wait3A_1619 : memref<1x8x8x128xf32, #tpu.memory_space<vmem>> -> memref<8x8x128xf32, #tpu.memory_space<vmem>>
        %dma_wait3A_1621 = arith.constant 0 : i32
        %dma_wait3A_1622 = arith.constant 0 : i32
        %dma_wait3A_1623 = arith.constant 0 : i32
        %dma_wait3A_1624 = tpu.memref_slice %arg3[%dma_wait3A_1621, %dma_wait3A_1622, %dma_wait3A_1623] : memref<8x8x1000000xf32, #tpu.memory_space<hbm>> -> memref<8x8x128xf32, #tpu.memory_space<hbm>>
        %dma_wait3A_1625 = tpu.memref_slice %arg8[%dma_wait3A_1615] : memref<8x!tpu.dma_semaphore, #tpu.memory_space<semaphore_mem>> -> memref<1x!tpu.dma_semaphore, #tpu.memory_space<semaphore_mem>>
        %dma_wait3A_1626 = tpu.memref_squeeze %dma_wait3A_1625 : memref<1x!tpu.dma_semaphore, #tpu.memory_space<semaphore_mem>> -> memref<!tpu.dma_semaphore, #tpu.memory_space<semaphore_mem>>
        %dma_wait3A_1627 = arith.constant 0 : i32
        %dma_wait3A_1628 = arith.constant 0 : i32
        %dma_wait3A_1629 = arith.constant 0 : i32
        %dma_wait3A_1630 = tpu.memref_slice %arg6[%dma_wait3A_1614, %dma_wait3A_1627, %dma_wait3A_1628, %dma_wait3A_1629] : memref<8x8x8x128xf32, #tpu.memory_space<vmem>> -> memref<1x8x8x128xf32, #tpu.memory_space<vmem>>
        %dma_wait3A_1631 = tpu.memref_squeeze %dma_wait3A_1630 : memref<1x8x8x128xf32, #tpu.memory_space<vmem>> -> memref<8x8x128xf32, #tpu.memory_space<vmem>>
        %dma_wait3A_1632 = arith.constant 0 : i32
        %dma_wait3A_1633 = arith.constant 0 : i32
        %dma_wait3A_1634 = arith.constant 0 : i32
        %dma_wait3A_1635 = tpu.memref_slice %arg3[%dma_wait3A_1632, %dma_wait3A_1633, %dma_wait3A_1634] : memref<8x8x1000000xf32, #tpu.memory_space<hbm>> -> memref<8x8x128xf32, #tpu.memory_space<hbm>>
        tpu.wait_dma2 semaphore(%dma_wait3A_1626 : memref<!tpu.dma_semaphore, #tpu.memory_space<semaphore_mem>>) src(%dma_wait3A_1635 : memref<8x8x128xf32, #tpu.memory_space<hbm>>) dst(%dma_wait3A_1631 : memref<8x8x128xf32, #tpu.memory_space<vmem>>)
        %broadcast_in_dim3A_1636 = arith.constant 0 : i32
        %broadcast_in_dim3A_1637 = vector.broadcast %broadcast_in_dim3A_1636 : i32 to vector<16xi32>
        %add3A_1638 = vector.broadcast %squeeze3A_1609 : i32 to vector<16xi32>
        %add3A_1639 = arith.addi %broadcast_in_dim3A_1637, %add3A_1638 : vector<16xi32>
        %broadcast_in_dim3A_1640 = arith.constant 0 : i32
        %broadcast_in_dim3A_1641 = vector.broadcast %broadcast_in_dim3A_1640 : i32 to vector<16xi32>
        %add3A_1642 = vector.broadcast %sub3A_1613 : i32 to vector<16xi32>
        %add3A_1643 = arith.addi %broadcast_in_dim3A_1641, %add3A_1642 : vector<16xi32>
        %broadcast_in_dim3A_1644 = arith.constant 0 : i32
        %broadcast_in_dim3A_1645 = vector.broadcast %broadcast_in_dim3A_1644 : i32 to vector<16xi32>
        %add3A_1646 = arith.constant 3 : i32
        %add3A_1647 = vector.broadcast %add3A_1646 : i32 to vector<16xi32>
        %add3A_1648 = arith.addi %broadcast_in_dim3A_1645, %add3A_1647 : vector<16xi32>
        %add3A_1649 = arith.constant 0 : i32
        %add3A_1650 = vector.broadcast %add3A_1649 : i32 to vector<16xi32>
        %add3A_1651 = arith.addi %select_n3A, %add3A_1650 : vector<16xi32>
        %gather3A_1652 = tpu.vector_load_idx %arg6[%add3A_1648, %add3A_1651, %select_n3A_45, %add3A_1639] : memref<8x8x8x128xf32, #tpu.memory_space<vmem>>[vector<16xi32>, vector<16xi32>, vector<16xi32>, vector<16xi32>], vector<16xf32>,
        %add3A_1653 = arith.constant 0 : i32
        %add3A_1654 = vector.broadcast %add3A_1653 : i32 to vector<16xi32>
        %add3A_1655 = arith.addi %iota3A, %add3A_1654 : vector<16xi32>
        tpu.vector_store_idx %arg7[%add3A_1655, %add3A_1643], %gather3A_1652 : memref<64x512xf32, #tpu.memory_space<vmem>>[vector<16xi32>, vector<16xi32>], vector<16xf32>,
        %add3A_1656 = arith.constant 2 : i32
        %add3A_1657 = vector.broadcast %add3A_1656 : i32 to vector<16xi32>
        %add3A_1658 = arith.addi %select_n3A, %add3A_1657 : vector<16xi32>
        %gather3A_1659 = tpu.vector_load_idx %arg6[%add3A_1648, %add3A_1658, %select_n3A_45, %add3A_1639] : memref<8x8x8x128xf32, #tpu.memory_space<vmem>>[vector<16xi32>, vector<16xi32>, vector<16xi32>, vector<16xi32>], vector<16xf32>,
        %add3A_1660 = arith.constant 16 : i32
        %add3A_1661 = vector.broadcast %add3A_1660 : i32 to vector<16xi32>
        %add3A_1662 = arith.addi %iota3A, %add3A_1661 : vector<16xi32>
        tpu.vector_store_idx %arg7[%add3A_1662, %add3A_1643], %gather3A_1659 : memref<64x512xf32, #tpu.memory_space<vmem>>[vector<16xi32>, vector<16xi32>], vector<16xf32>,
        %add3A_1663 = arith.constant 4 : i32
        %add3A_1664 = vector.broadcast %add3A_1663 : i32 to vector<16xi32>
        %add3A_1665 = arith.addi %select_n3A, %add3A_1664 : vector<16xi32>
        %gather3A_1666 = tpu.vector_load_idx %arg6[%add3A_1648, %add3A_1665, %select_n3A_45, %add3A_1639] : memref<8x8x8x128xf32, #tpu.memory_space<vmem>>[vector<16xi32>, vector<16xi32>, vector<16xi32>, vector<16xi32>], vector<16xf32>,
        %add3A_1667 = arith.constant 32 : i32
        %add3A_1668 = vector.broadcast %add3A_1667 : i32 to vector<16xi32>
        %add3A_1669 = arith.addi %iota3A, %add3A_1668 : vector<16xi32>
        tpu.vector_store_idx %arg7[%add3A_1669, %add3A_1643], %gather3A_1666 : memref<64x512xf32, #tpu.memory_space<vmem>>[vector<16xi32>, vector<16xi32>], vector<16xf32>,
        %add3A_1670 = arith.constant 6 : i32
        %add3A_1671 = vector.broadcast %add3A_1670 : i32 to vector<16xi32>
        %add3A_1672 = arith.addi %select_n3A, %add3A_1671 : vector<16xi32>
        %gather3A_1673 = tpu.vector_load_idx %arg6[%add3A_1648, %add3A_1672, %select_n3A_45, %add3A_1639] : memref<8x8x8x128xf32, #tpu.memory_space<vmem>>[vector<16xi32>, vector<16xi32>, vector<16xi32>, vector<16xi32>], vector<16xf32>,
        %add3A_1674 = arith.constant 48 : i32
        %add3A_1675 = vector.broadcast %add3A_1674 : i32 to vector<16xi32>
        %add3A_1676 = arith.addi %iota3A, %add3A_1675 : vector<16xi32>
        tpu.vector_store_idx %arg7[%add3A_1676, %add3A_1643], %gather3A_1673 : memref<64x512xf32, #tpu.memory_space<vmem>>[vector<16xi32>, vector<16xi32>], vector<16xf32>,
      } else {
      }
      %slice3A_680 = vector.extract_strided_slice %and3A_587 {offsets = [3], sizes = [1], strides = [1]} : vector<16xi32> to vector<1xi32>
      %squeeze3A_681 = vector.extract %slice3A_680[0] : i32 from vector<1xi32>
      %multiple_of3A_682 = tpu.assume_multiple %squeeze3A_681, 128 : i32
      %dma_start3A_683 = arith.constant 3 : i32
      %dma_start3A_684 = arith.constant 3 : i32
      %dma_start3A_685 = arith.constant 0 : i32
      %dma_start3A_686 = arith.constant 0 : i32
      %dma_start3A_687 = arith.constant 0 : i32
      %dma_start3A_688 = tpu.memref_slice %arg6[%dma_start3A_683, %dma_start3A_685, %dma_start3A_686, %dma_start3A_687] : memref<8x8x8x128xf32, #tpu.memory_space<vmem>> -> memref<1x8x8x128xf32, #tpu.memory_space<vmem>>
      %dma_start3A_689 = tpu.memref_squeeze %dma_start3A_688 : memref<1x8x8x128xf32, #tpu.memory_space<vmem>> -> memref<8x8x128xf32, #tpu.memory_space<vmem>>
      %dma_start3A_690 = arith.constant 0 : i32
      %dma_start3A_691 = arith.constant 0 : i32
      %dma_start3A_692 = tpu.memref_slice %arg3[%dma_start3A_690, %dma_start3A_691, %multiple_of3A_682] : memref<8x8x1000000xf32, #tpu.memory_space<hbm>> -> memref<8x8x128xf32, #tpu.memory_space<hbm>>
      %dma_start3A_693 = tpu.memref_slice %arg8[%dma_start3A_684] : memref<8x!tpu.dma_semaphore, #tpu.memory_space<semaphore_mem>> -> memref<1x!tpu.dma_semaphore, #tpu.memory_space<semaphore_mem>>
      %dma_start3A_694 = tpu.memref_squeeze %dma_start3A_693 : memref<1x!tpu.dma_semaphore, #tpu.memory_space<semaphore_mem>> -> memref<!tpu.dma_semaphore, #tpu.memory_space<semaphore_mem>>
      %dma_start3A_695 = arith.constant 0 : i32
      %dma_start3A_696 = arith.constant 0 : i32
      %dma_start3A_697 = arith.constant 0 : i32
      %dma_start3A_698 = tpu.memref_slice %arg6[%dma_start3A_683, %dma_start3A_695, %dma_start3A_696, %dma_start3A_697] : memref<8x8x8x128xf32, #tpu.memory_space<vmem>> -> memref<1x8x8x128xf32, #tpu.memory_space<vmem>>
      %dma_start3A_699 = tpu.memref_squeeze %dma_start3A_698 : memref<1x8x8x128xf32, #tpu.memory_space<vmem>> -> memref<8x8x128xf32, #tpu.memory_space<vmem>>
      %dma_start3A_700 = arith.constant 0 : i32
      %dma_start3A_701 = arith.constant 0 : i32
      %dma_start3A_702 = tpu.memref_slice %arg3[%dma_start3A_700, %dma_start3A_701, %multiple_of3A_682] : memref<8x8x1000000xf32, #tpu.memory_space<hbm>> -> memref<8x8x128xf32, #tpu.memory_space<hbm>>
      tpu.enqueue_dma source(%dma_start3A_702 : memref<8x8x128xf32, #tpu.memory_space<hbm>>) target(%dma_start3A_699 : memref<8x8x128xf32, #tpu.memory_space<vmem>>) target_semaphore(%dma_start3A_694 : memref<!tpu.dma_semaphore, #tpu.memory_space<semaphore_mem>>)
      %gt3A_703 = arith.constant 0 : i32
      %gt3A_704 = arith.cmpi sgt, %scan3A_579, %gt3A_703 : i32
      %convert_element_type3A_705 = arith.extui %gt3A_704 : i1 to i32
      %cond3A_706 = arith.constant 0 : i32
      %cond3A_707 = arith.cmpi ne, %convert_element_type3A_705, %cond3A_706 : i32
      scf.if %cond3A_707 {
        %slice3A_1608 = vector.extract_strided_slice %and3A_595 {offsets = [4], sizes = [1], strides = [1]} : vector<16xi32> to vector<1xi32>
        %squeeze3A_1609 = vector.extract %slice3A_1608[0] : i32 from vector<1xi32>
        %add3A_1610 = arith.constant 4 : i32
        %add3A_1611 = arith.addi %mul3A_582, %add3A_1610 : i32
        %sub3A_1612 = arith.constant 8 : i32
        %sub3A_1613 = arith.subi %add3A_1611, %sub3A_1612 : i32
        %dma_wait3A_1614 = arith.constant 4 : i32
        %dma_wait3A_1615 = arith.constant 4 : i32
        %dma_wait3A_1616 = arith.constant 0 : i32
        %dma_wait3A_1617 = arith.constant 0 : i32
        %dma_wait3A_1618 = arith.constant 0 : i32
        %dma_wait3A_1619 = tpu.memref_slice %arg6[%dma_wait3A_1614, %dma_wait3A_1616, %dma_wait3A_1617, %dma_wait3A_1618] : memref<8x8x8x128xf32, #tpu.memory_space<vmem>> -> memref<1x8x8x128xf32, #tpu.memory_space<vmem>>
        %dma_wait3A_1620 = tpu.memref_squeeze %dma_wait3A_1619 : memref<1x8x8x128xf32, #tpu.memory_space<vmem>> -> memref<8x8x128xf32, #tpu.memory_space<vmem>>
        %dma_wait3A_1621 = arith.constant 0 : i32
        %dma_wait3A_1622 = arith.constant 0 : i32
        %dma_wait3A_1623 = arith.constant 0 : i32
        %dma_wait3A_1624 = tpu.memref_slice %arg3[%dma_wait3A_1621, %dma_wait3A_1622, %dma_wait3A_1623] : memref<8x8x1000000xf32, #tpu.memory_space<hbm>> -> memref<8x8x128xf32, #tpu.memory_space<hbm>>
        %dma_wait3A_1625 = tpu.memref_slice %arg8[%dma_wait3A_1615] : memref<8x!tpu.dma_semaphore, #tpu.memory_space<semaphore_mem>> -> memref<1x!tpu.dma_semaphore, #tpu.memory_space<semaphore_mem>>
        %dma_wait3A_1626 = tpu.memref_squeeze %dma_wait3A_1625 : memref<1x!tpu.dma_semaphore, #tpu.memory_space<semaphore_mem>> -> memref<!tpu.dma_semaphore, #tpu.memory_space<semaphore_mem>>
        %dma_wait3A_1627 = arith.constant 0 : i32
        %dma_wait3A_1628 = arith.constant 0 : i32
        %dma_wait3A_1629 = arith.constant 0 : i32
        %dma_wait3A_1630 = tpu.memref_slice %arg6[%dma_wait3A_1614, %dma_wait3A_1627, %dma_wait3A_1628, %dma_wait3A_1629] : memref<8x8x8x128xf32, #tpu.memory_space<vmem>> -> memref<1x8x8x128xf32, #tpu.memory_space<vmem>>
        %dma_wait3A_1631 = tpu.memref_squeeze %dma_wait3A_1630 : memref<1x8x8x128xf32, #tpu.memory_space<vmem>> -> memref<8x8x128xf32, #tpu.memory_space<vmem>>
        %dma_wait3A_1632 = arith.constant 0 : i32
        %dma_wait3A_1633 = arith.constant 0 : i32
        %dma_wait3A_1634 = arith.constant 0 : i32
        %dma_wait3A_1635 = tpu.memref_slice %arg3[%dma_wait3A_1632, %dma_wait3A_1633, %dma_wait3A_1634] : memref<8x8x1000000xf32, #tpu.memory_space<hbm>> -> memref<8x8x128xf32, #tpu.memory_space<hbm>>
        tpu.wait_dma2 semaphore(%dma_wait3A_1626 : memref<!tpu.dma_semaphore, #tpu.memory_space<semaphore_mem>>) src(%dma_wait3A_1635 : memref<8x8x128xf32, #tpu.memory_space<hbm>>) dst(%dma_wait3A_1631 : memref<8x8x128xf32, #tpu.memory_space<vmem>>)
        %broadcast_in_dim3A_1636 = arith.constant 0 : i32
        %broadcast_in_dim3A_1637 = vector.broadcast %broadcast_in_dim3A_1636 : i32 to vector<16xi32>
        %add3A_1638 = vector.broadcast %squeeze3A_1609 : i32 to vector<16xi32>
        %add3A_1639 = arith.addi %broadcast_in_dim3A_1637, %add3A_1638 : vector<16xi32>
        %broadcast_in_dim3A_1640 = arith.constant 0 : i32
        %broadcast_in_dim3A_1641 = vector.broadcast %broadcast_in_dim3A_1640 : i32 to vector<16xi32>
        %add3A_1642 = vector.broadcast %sub3A_1613 : i32 to vector<16xi32>
        %add3A_1643 = arith.addi %broadcast_in_dim3A_1641, %add3A_1642 : vector<16xi32>
        %broadcast_in_dim3A_1644 = arith.constant 0 : i32
        %broadcast_in_dim3A_1645 = vector.broadcast %broadcast_in_dim3A_1644 : i32 to vector<16xi32>
        %add3A_1646 = arith.constant 4 : i32
        %add3A_1647 = vector.broadcast %add3A_1646 : i32 to vector<16xi32>
        %add3A_1648 = arith.addi %broadcast_in_dim3A_1645, %add3A_1647 : vector<16xi32>
        %add3A_1649 = arith.constant 0 : i32
        %add3A_1650 = vector.broadcast %add3A_1649 : i32 to vector<16xi32>
        %add3A_1651 = arith.addi %select_n3A, %add3A_1650 : vector<16xi32>
        %gather3A_1652 = tpu.vector_load_idx %arg6[%add3A_1648, %add3A_1651, %select_n3A_45, %add3A_1639] : memref<8x8x8x128xf32, #tpu.memory_space<vmem>>[vector<16xi32>, vector<16xi32>, vector<16xi32>, vector<16xi32>], vector<16xf32>,
        %add3A_1653 = arith.constant 0 : i32
        %add3A_1654 = vector.broadcast %add3A_1653 : i32 to vector<16xi32>
        %add3A_1655 = arith.addi %iota3A, %add3A_1654 : vector<16xi32>
        tpu.vector_store_idx %arg7[%add3A_1655, %add3A_1643], %gather3A_1652 : memref<64x512xf32, #tpu.memory_space<vmem>>[vector<16xi32>, vector<16xi32>], vector<16xf32>,
        %add3A_1656 = arith.constant 2 : i32
        %add3A_1657 = vector.broadcast %add3A_1656 : i32 to vector<16xi32>
        %add3A_1658 = arith.addi %select_n3A, %add3A_1657 : vector<16xi32>
        %gather3A_1659 = tpu.vector_load_idx %arg6[%add3A_1648, %add3A_1658, %select_n3A_45, %add3A_1639] : memref<8x8x8x128xf32, #tpu.memory_space<vmem>>[vector<16xi32>, vector<16xi32>, vector<16xi32>, vector<16xi32>], vector<16xf32>,
        %add3A_1660 = arith.constant 16 : i32
        %add3A_1661 = vector.broadcast %add3A_1660 : i32 to vector<16xi32>
        %add3A_1662 = arith.addi %iota3A, %add3A_1661 : vector<16xi32>
        tpu.vector_store_idx %arg7[%add3A_1662, %add3A_1643], %gather3A_1659 : memref<64x512xf32, #tpu.memory_space<vmem>>[vector<16xi32>, vector<16xi32>], vector<16xf32>,
        %add3A_1663 = arith.constant 4 : i32
        %add3A_1664 = vector.broadcast %add3A_1663 : i32 to vector<16xi32>
        %add3A_1665 = arith.addi %select_n3A, %add3A_1664 : vector<16xi32>
        %gather3A_1666 = tpu.vector_load_idx %arg6[%add3A_1648, %add3A_1665, %select_n3A_45, %add3A_1639] : memref<8x8x8x128xf32, #tpu.memory_space<vmem>>[vector<16xi32>, vector<16xi32>, vector<16xi32>, vector<16xi32>], vector<16xf32>,
        %add3A_1667 = arith.constant 32 : i32
        %add3A_1668 = vector.broadcast %add3A_1667 : i32 to vector<16xi32>
        %add3A_1669 = arith.addi %iota3A, %add3A_1668 : vector<16xi32>
        tpu.vector_store_idx %arg7[%add3A_1669, %add3A_1643], %gather3A_1666 : memref<64x512xf32, #tpu.memory_space<vmem>>[vector<16xi32>, vector<16xi32>], vector<16xf32>,
        %add3A_1670 = arith.constant 6 : i32
        %add3A_1671 = vector.broadcast %add3A_1670 : i32 to vector<16xi32>
        %add3A_1672 = arith.addi %select_n3A, %add3A_1671 : vector<16xi32>
        %gather3A_1673 = tpu.vector_load_idx %arg6[%add3A_1648, %add3A_1672, %select_n3A_45, %add3A_1639] : memref<8x8x8x128xf32, #tpu.memory_space<vmem>>[vector<16xi32>, vector<16xi32>, vector<16xi32>, vector<16xi32>], vector<16xf32>,
        %add3A_1674 = arith.constant 48 : i32
        %add3A_1675 = vector.broadcast %add3A_1674 : i32 to vector<16xi32>
        %add3A_1676 = arith.addi %iota3A, %add3A_1675 : vector<16xi32>
        tpu.vector_store_idx %arg7[%add3A_1676, %add3A_1643], %gather3A_1673 : memref<64x512xf32, #tpu.memory_space<vmem>>[vector<16xi32>, vector<16xi32>], vector<16xf32>,
      } else {
      }
      %slice3A_708 = vector.extract_strided_slice %and3A_587 {offsets = [4], sizes = [1], strides = [1]} : vector<16xi32> to vector<1xi32>
      %squeeze3A_709 = vector.extract %slice3A_708[0] : i32 from vector<1xi32>
      %multiple_of3A_710 = tpu.assume_multiple %squeeze3A_709, 128 : i32
      %dma_start3A_711 = arith.constant 4 : i32
      %dma_start3A_712 = arith.constant 4 : i32
      %dma_start3A_713 = arith.constant 0 : i32
      %dma_start3A_714 = arith.constant 0 : i32
      %dma_start3A_715 = arith.constant 0 : i32
      %dma_start3A_716 = tpu.memref_slice %arg6[%dma_start3A_711, %dma_start3A_713, %dma_start3A_714, %dma_start3A_715] : memref<8x8x8x128xf32, #tpu.memory_space<vmem>> -> memref<1x8x8x128xf32, #tpu.memory_space<vmem>>
      %dma_start3A_717 = tpu.memref_squeeze %dma_start3A_716 : memref<1x8x8x128xf32, #tpu.memory_space<vmem>> -> memref<8x8x128xf32, #tpu.memory_space<vmem>>
      %dma_start3A_718 = arith.constant 0 : i32
      %dma_start3A_719 = arith.constant 0 : i32
      %dma_start3A_720 = tpu.memref_slice %arg3[%dma_start3A_718, %dma_start3A_719, %multiple_of3A_710] : memref<8x8x1000000xf32, #tpu.memory_space<hbm>> -> memref<8x8x128xf32, #tpu.memory_space<hbm>>
      %dma_start3A_721 = tpu.memref_slice %arg8[%dma_start3A_712] : memref<8x!tpu.dma_semaphore, #tpu.memory_space<semaphore_mem>> -> memref<1x!tpu.dma_semaphore, #tpu.memory_space<semaphore_mem>>
      %dma_start3A_722 = tpu.memref_squeeze %dma_start3A_721 : memref<1x!tpu.dma_semaphore, #tpu.memory_space<semaphore_mem>> -> memref<!tpu.dma_semaphore, #tpu.memory_space<semaphore_mem>>
      %dma_start3A_723 = arith.constant 0 : i32
      %dma_start3A_724 = arith.constant 0 : i32
      %dma_start3A_725 = arith.constant 0 : i32
      %dma_start3A_726 = tpu.memref_slice %arg6[%dma_start3A_711, %dma_start3A_723, %dma_start3A_724, %dma_start3A_725] : memref<8x8x8x128xf32, #tpu.memory_space<vmem>> -> memref<1x8x8x128xf32, #tpu.memory_space<vmem>>
      %dma_start3A_727 = tpu.memref_squeeze %dma_start3A_726 : memref<1x8x8x128xf32, #tpu.memory_space<vmem>> -> memref<8x8x128xf32, #tpu.memory_space<vmem>>
      %dma_start3A_728 = arith.constant 0 : i32
      %dma_start3A_729 = arith.constant 0 : i32
      %dma_start3A_730 = tpu.memref_slice %arg3[%dma_start3A_728, %dma_start3A_729, %multiple_of3A_710] : memref<8x8x1000000xf32, #tpu.memory_space<hbm>> -> memref<8x8x128xf32, #tpu.memory_space<hbm>>
      tpu.enqueue_dma source(%dma_start3A_730 : memref<8x8x128xf32, #tpu.memory_space<hbm>>) target(%dma_start3A_727 : memref<8x8x128xf32, #tpu.memory_space<vmem>>) target_semaphore(%dma_start3A_722 : memref<!tpu.dma_semaphore, #tpu.memory_space<semaphore_mem>>)
      %gt3A_731 = arith.constant 0 : i32
      %gt3A_732 = arith.cmpi sgt, %scan3A_579, %gt3A_731 : i32
      %convert_element_type3A_733 = arith.extui %gt3A_732 : i1 to i32
      %cond3A_734 = arith.constant 0 : i32
      %cond3A_735 = arith.cmpi ne, %convert_element_type3A_733, %cond3A_734 : i32
      scf.if %cond3A_735 {
        %slice3A_1608 = vector.extract_strided_slice %and3A_595 {offsets = [5], sizes = [1], strides = [1]} : vector<16xi32> to vector<1xi32>
        %squeeze3A_1609 = vector.extract %slice3A_1608[0] : i32 from vector<1xi32>
        %add3A_1610 = arith.constant 5 : i32
        %add3A_1611 = arith.addi %mul3A_582, %add3A_1610 : i32
        %sub3A_1612 = arith.constant 8 : i32
        %sub3A_1613 = arith.subi %add3A_1611, %sub3A_1612 : i32
        %dma_wait3A_1614 = arith.constant 5 : i32
        %dma_wait3A_1615 = arith.constant 5 : i32
        %dma_wait3A_1616 = arith.constant 0 : i32
        %dma_wait3A_1617 = arith.constant 0 : i32
        %dma_wait3A_1618 = arith.constant 0 : i32
        %dma_wait3A_1619 = tpu.memref_slice %arg6[%dma_wait3A_1614, %dma_wait3A_1616, %dma_wait3A_1617, %dma_wait3A_1618] : memref<8x8x8x128xf32, #tpu.memory_space<vmem>> -> memref<1x8x8x128xf32, #tpu.memory_space<vmem>>
        %dma_wait3A_1620 = tpu.memref_squeeze %dma_wait3A_1619 : memref<1x8x8x128xf32, #tpu.memory_space<vmem>> -> memref<8x8x128xf32, #tpu.memory_space<vmem>>
        %dma_wait3A_1621 = arith.constant 0 : i32
        %dma_wait3A_1622 = arith.constant 0 : i32
        %dma_wait3A_1623 = arith.constant 0 : i32
        %dma_wait3A_1624 = tpu.memref_slice %arg3[%dma_wait3A_1621, %dma_wait3A_1622, %dma_wait3A_1623] : memref<8x8x1000000xf32, #tpu.memory_space<hbm>> -> memref<8x8x128xf32, #tpu.memory_space<hbm>>
        %dma_wait3A_1625 = tpu.memref_slice %arg8[%dma_wait3A_1615] : memref<8x!tpu.dma_semaphore, #tpu.memory_space<semaphore_mem>> -> memref<1x!tpu.dma_semaphore, #tpu.memory_space<semaphore_mem>>
        %dma_wait3A_1626 = tpu.memref_squeeze %dma_wait3A_1625 : memref<1x!tpu.dma_semaphore, #tpu.memory_space<semaphore_mem>> -> memref<!tpu.dma_semaphore, #tpu.memory_space<semaphore_mem>>
        %dma_wait3A_1627 = arith.constant 0 : i32
        %dma_wait3A_1628 = arith.constant 0 : i32
        %dma_wait3A_1629 = arith.constant 0 : i32
        %dma_wait3A_1630 = tpu.memref_slice %arg6[%dma_wait3A_1614, %dma_wait3A_1627, %dma_wait3A_1628, %dma_wait3A_1629] : memref<8x8x8x128xf32, #tpu.memory_space<vmem>> -> memref<1x8x8x128xf32, #tpu.memory_space<vmem>>
        %dma_wait3A_1631 = tpu.memref_squeeze %dma_wait3A_1630 : memref<1x8x8x128xf32, #tpu.memory_space<vmem>> -> memref<8x8x128xf32, #tpu.memory_space<vmem>>
        %dma_wait3A_1632 = arith.constant 0 : i32
        %dma_wait3A_1633 = arith.constant 0 : i32
        %dma_wait3A_1634 = arith.constant 0 : i32
        %dma_wait3A_1635 = tpu.memref_slice %arg3[%dma_wait3A_1632, %dma_wait3A_1633, %dma_wait3A_1634] : memref<8x8x1000000xf32, #tpu.memory_space<hbm>> -> memref<8x8x128xf32, #tpu.memory_space<hbm>>
        tpu.wait_dma2 semaphore(%dma_wait3A_1626 : memref<!tpu.dma_semaphore, #tpu.memory_space<semaphore_mem>>) src(%dma_wait3A_1635 : memref<8x8x128xf32, #tpu.memory_space<hbm>>) dst(%dma_wait3A_1631 : memref<8x8x128xf32, #tpu.memory_space<vmem>>)
        %broadcast_in_dim3A_1636 = arith.constant 0 : i32
        %broadcast_in_dim3A_1637 = vector.broadcast %broadcast_in_dim3A_1636 : i32 to vector<16xi32>
        %add3A_1638 = vector.broadcast %squeeze3A_1609 : i32 to vector<16xi32>
        %add3A_1639 = arith.addi %broadcast_in_dim3A_1637, %add3A_1638 : vector<16xi32>
        %broadcast_in_dim3A_1640 = arith.constant 0 : i32
        %broadcast_in_dim3A_1641 = vector.broadcast %broadcast_in_dim3A_1640 : i32 to vector<16xi32>
        %add3A_1642 = vector.broadcast %sub3A_1613 : i32 to vector<16xi32>
        %add3A_1643 = arith.addi %broadcast_in_dim3A_1641, %add3A_1642 : vector<16xi32>
        %broadcast_in_dim3A_1644 = arith.constant 0 : i32
        %broadcast_in_dim3A_1645 = vector.broadcast %broadcast_in_dim3A_1644 : i32 to vector<16xi32>
        %add3A_1646 = arith.constant 5 : i32
        %add3A_1647 = vector.broadcast %add3A_1646 : i32 to vector<16xi32>
        %add3A_1648 = arith.addi %broadcast_in_dim3A_1645, %add3A_1647 : vector<16xi32>
        %add3A_1649 = arith.constant 0 : i32
        %add3A_1650 = vector.broadcast %add3A_1649 : i32 to vector<16xi32>
        %add3A_1651 = arith.addi %select_n3A, %add3A_1650 : vector<16xi32>
        %gather3A_1652 = tpu.vector_load_idx %arg6[%add3A_1648, %add3A_1651, %select_n3A_45, %add3A_1639] : memref<8x8x8x128xf32, #tpu.memory_space<vmem>>[vector<16xi32>, vector<16xi32>, vector<16xi32>, vector<16xi32>], vector<16xf32>,
        %add3A_1653 = arith.constant 0 : i32
        %add3A_1654 = vector.broadcast %add3A_1653 : i32 to vector<16xi32>
        %add3A_1655 = arith.addi %iota3A, %add3A_1654 : vector<16xi32>
        tpu.vector_store_idx %arg7[%add3A_1655, %add3A_1643], %gather3A_1652 : memref<64x512xf32, #tpu.memory_space<vmem>>[vector<16xi32>, vector<16xi32>], vector<16xf32>,
        %add3A_1656 = arith.constant 2 : i32
        %add3A_1657 = vector.broadcast %add3A_1656 : i32 to vector<16xi32>
        %add3A_1658 = arith.addi %select_n3A, %add3A_1657 : vector<16xi32>
        %gather3A_1659 = tpu.vector_load_idx %arg6[%add3A_1648, %add3A_1658, %select_n3A_45, %add3A_1639] : memref<8x8x8x128xf32, #tpu.memory_space<vmem>>[vector<16xi32>, vector<16xi32>, vector<16xi32>, vector<16xi32>], vector<16xf32>,
        %add3A_1660 = arith.constant 16 : i32
        %add3A_1661 = vector.broadcast %add3A_1660 : i32 to vector<16xi32>
        %add3A_1662 = arith.addi %iota3A, %add3A_1661 : vector<16xi32>
        tpu.vector_store_idx %arg7[%add3A_1662, %add3A_1643], %gather3A_1659 : memref<64x512xf32, #tpu.memory_space<vmem>>[vector<16xi32>, vector<16xi32>], vector<16xf32>,
        %add3A_1663 = arith.constant 4 : i32
        %add3A_1664 = vector.broadcast %add3A_1663 : i32 to vector<16xi32>
        %add3A_1665 = arith.addi %select_n3A, %add3A_1664 : vector<16xi32>
        %gather3A_1666 = tpu.vector_load_idx %arg6[%add3A_1648, %add3A_1665, %select_n3A_45, %add3A_1639] : memref<8x8x8x128xf32, #tpu.memory_space<vmem>>[vector<16xi32>, vector<16xi32>, vector<16xi32>, vector<16xi32>], vector<16xf32>,
        %add3A_1667 = arith.constant 32 : i32
        %add3A_1668 = vector.broadcast %add3A_1667 : i32 to vector<16xi32>
        %add3A_1669 = arith.addi %iota3A, %add3A_1668 : vector<16xi32>
        tpu.vector_store_idx %arg7[%add3A_1669, %add3A_1643], %gather3A_1666 : memref<64x512xf32, #tpu.memory_space<vmem>>[vector<16xi32>, vector<16xi32>], vector<16xf32>,
        %add3A_1670 = arith.constant 6 : i32
        %add3A_1671 = vector.broadcast %add3A_1670 : i32 to vector<16xi32>
        %add3A_1672 = arith.addi %select_n3A, %add3A_1671 : vector<16xi32>
        %gather3A_1673 = tpu.vector_load_idx %arg6[%add3A_1648, %add3A_1672, %select_n3A_45, %add3A_1639] : memref<8x8x8x128xf32, #tpu.memory_space<vmem>>[vector<16xi32>, vector<16xi32>, vector<16xi32>, vector<16xi32>], vector<16xf32>,
        %add3A_1674 = arith.constant 48 : i32
        %add3A_1675 = vector.broadcast %add3A_1674 : i32 to vector<16xi32>
        %add3A_1676 = arith.addi %iota3A, %add3A_1675 : vector<16xi32>
        tpu.vector_store_idx %arg7[%add3A_1676, %add3A_1643], %gather3A_1673 : memref<64x512xf32, #tpu.memory_space<vmem>>[vector<16xi32>, vector<16xi32>], vector<16xf32>,
      } else {
      }
      %slice3A_736 = vector.extract_strided_slice %and3A_587 {offsets = [5], sizes = [1], strides = [1]} : vector<16xi32> to vector<1xi32>
      %squeeze3A_737 = vector.extract %slice3A_736[0] : i32 from vector<1xi32>
      %multiple_of3A_738 = tpu.assume_multiple %squeeze3A_737, 128 : i32
      %dma_start3A_739 = arith.constant 5 : i32
      %dma_start3A_740 = arith.constant 5 : i32
      %dma_start3A_741 = arith.constant 0 : i32
      %dma_start3A_742 = arith.constant 0 : i32
      %dma_start3A_743 = arith.constant 0 : i32
      %dma_start3A_744 = tpu.memref_slice %arg6[%dma_start3A_739, %dma_start3A_741, %dma_start3A_742, %dma_start3A_743] : memref<8x8x8x128xf32, #tpu.memory_space<vmem>> -> memref<1x8x8x128xf32, #tpu.memory_space<vmem>>
      %dma_start3A_745 = tpu.memref_squeeze %dma_start3A_744 : memref<1x8x8x128xf32, #tpu.memory_space<vmem>> -> memref<8x8x128xf32, #tpu.memory_space<vmem>>
      %dma_start3A_746 = arith.constant 0 : i32
      %dma_start3A_747 = arith.constant 0 : i32
      %dma_start3A_748 = tpu.memref_slice %arg3[%dma_start3A_746, %dma_start3A_747, %multiple_of3A_738] : memref<8x8x1000000xf32, #tpu.memory_space<hbm>> -> memref<8x8x128xf32, #tpu.memory_space<hbm>>
      %dma_start3A_749 = tpu.memref_slice %arg8[%dma_start3A_740] : memref<8x!tpu.dma_semaphore, #tpu.memory_space<semaphore_mem>> -> memref<1x!tpu.dma_semaphore, #tpu.memory_space<semaphore_mem>>
      %dma_start3A_750 = tpu.memref_squeeze %dma_start3A_749 : memref<1x!tpu.dma_semaphore, #tpu.memory_space<semaphore_mem>> -> memref<!tpu.dma_semaphore, #tpu.memory_space<semaphore_mem>>
      %dma_start3A_751 = arith.constant 0 : i32
      %dma_start3A_752 = arith.constant 0 : i32
      %dma_start3A_753 = arith.constant 0 : i32
      %dma_start3A_754 = tpu.memref_slice %arg6[%dma_start3A_739, %dma_start3A_751, %dma_start3A_752, %dma_start3A_753] : memref<8x8x8x128xf32, #tpu.memory_space<vmem>> -> memref<1x8x8x128xf32, #tpu.memory_space<vmem>>
      %dma_start3A_755 = tpu.memref_squeeze %dma_start3A_754 : memref<1x8x8x128xf32, #tpu.memory_space<vmem>> -> memref<8x8x128xf32, #tpu.memory_space<vmem>>
      %dma_start3A_756 = arith.constant 0 : i32
      %dma_start3A_757 = arith.constant 0 : i32
      %dma_start3A_758 = tpu.memref_slice %arg3[%dma_start3A_756, %dma_start3A_757, %multiple_of3A_738] : memref<8x8x1000000xf32, #tpu.memory_space<hbm>> -> memref<8x8x128xf32, #tpu.memory_space<hbm>>
      tpu.enqueue_dma source(%dma_start3A_758 : memref<8x8x128xf32, #tpu.memory_space<hbm>>) target(%dma_start3A_755 : memref<8x8x128xf32, #tpu.memory_space<vmem>>) target_semaphore(%dma_start3A_750 : memref<!tpu.dma_semaphore, #tpu.memory_space<semaphore_mem>>)
      %gt3A_759 = arith.constant 0 : i32
      %gt3A_760 = arith.cmpi sgt, %scan3A_579, %gt3A_759 : i32
      %convert_element_type3A_761 = arith.extui %gt3A_760 : i1 to i32
      %cond3A_762 = arith.constant 0 : i32
      %cond3A_763 = arith.cmpi ne, %convert_element_type3A_761, %cond3A_762 : i32
      scf.if %cond3A_763 {
        %slice3A_1608 = vector.extract_strided_slice %and3A_595 {offsets = [6], sizes = [1], strides = [1]} : vector<16xi32> to vector<1xi32>
        %squeeze3A_1609 = vector.extract %slice3A_1608[0] : i32 from vector<1xi32>
        %add3A_1610 = arith.constant 6 : i32
        %add3A_1611 = arith.addi %mul3A_582, %add3A_1610 : i32
        %sub3A_1612 = arith.constant 8 : i32
        %sub3A_1613 = arith.subi %add3A_1611, %sub3A_1612 : i32
        %dma_wait3A_1614 = arith.constant 6 : i32
        %dma_wait3A_1615 = arith.constant 6 : i32
        %dma_wait3A_1616 = arith.constant 0 : i32
        %dma_wait3A_1617 = arith.constant 0 : i32
        %dma_wait3A_1618 = arith.constant 0 : i32
        %dma_wait3A_1619 = tpu.memref_slice %arg6[%dma_wait3A_1614, %dma_wait3A_1616, %dma_wait3A_1617, %dma_wait3A_1618] : memref<8x8x8x128xf32, #tpu.memory_space<vmem>> -> memref<1x8x8x128xf32, #tpu.memory_space<vmem>>
        %dma_wait3A_1620 = tpu.memref_squeeze %dma_wait3A_1619 : memref<1x8x8x128xf32, #tpu.memory_space<vmem>> -> memref<8x8x128xf32, #tpu.memory_space<vmem>>
        %dma_wait3A_1621 = arith.constant 0 : i32
        %dma_wait3A_1622 = arith.constant 0 : i32
        %dma_wait3A_1623 = arith.constant 0 : i32
        %dma_wait3A_1624 = tpu.memref_slice %arg3[%dma_wait3A_1621, %dma_wait3A_1622, %dma_wait3A_1623] : memref<8x8x1000000xf32, #tpu.memory_space<hbm>> -> memref<8x8x128xf32, #tpu.memory_space<hbm>>
        %dma_wait3A_1625 = tpu.memref_slice %arg8[%dma_wait3A_1615] : memref<8x!tpu.dma_semaphore, #tpu.memory_space<semaphore_mem>> -> memref<1x!tpu.dma_semaphore, #tpu.memory_space<semaphore_mem>>
        %dma_wait3A_1626 = tpu.memref_squeeze %dma_wait3A_1625 : memref<1x!tpu.dma_semaphore, #tpu.memory_space<semaphore_mem>> -> memref<!tpu.dma_semaphore, #tpu.memory_space<semaphore_mem>>
        %dma_wait3A_1627 = arith.constant 0 : i32
        %dma_wait3A_1628 = arith.constant 0 : i32
        %dma_wait3A_1629 = arith.constant 0 : i32
        %dma_wait3A_1630 = tpu.memref_slice %arg6[%dma_wait3A_1614, %dma_wait3A_1627, %dma_wait3A_1628, %dma_wait3A_1629] : memref<8x8x8x128xf32, #tpu.memory_space<vmem>> -> memref<1x8x8x128xf32, #tpu.memory_space<vmem>>
        %dma_wait3A_1631 = tpu.memref_squeeze %dma_wait3A_1630 : memref<1x8x8x128xf32, #tpu.memory_space<vmem>> -> memref<8x8x128xf32, #tpu.memory_space<vmem>>
        %dma_wait3A_1632 = arith.constant 0 : i32
        %dma_wait3A_1633 = arith.constant 0 : i32
        %dma_wait3A_1634 = arith.constant 0 : i32
        %dma_wait3A_1635 = tpu.memref_slice %arg3[%dma_wait3A_1632, %dma_wait3A_1633, %dma_wait3A_1634] : memref<8x8x1000000xf32, #tpu.memory_space<hbm>> -> memref<8x8x128xf32, #tpu.memory_space<hbm>>
        tpu.wait_dma2 semaphore(%dma_wait3A_1626 : memref<!tpu.dma_semaphore, #tpu.memory_space<semaphore_mem>>) src(%dma_wait3A_1635 : memref<8x8x128xf32, #tpu.memory_space<hbm>>) dst(%dma_wait3A_1631 : memref<8x8x128xf32, #tpu.memory_space<vmem>>)
        %broadcast_in_dim3A_1636 = arith.constant 0 : i32
        %broadcast_in_dim3A_1637 = vector.broadcast %broadcast_in_dim3A_1636 : i32 to vector<16xi32>
        %add3A_1638 = vector.broadcast %squeeze3A_1609 : i32 to vector<16xi32>
        %add3A_1639 = arith.addi %broadcast_in_dim3A_1637, %add3A_1638 : vector<16xi32>
        %broadcast_in_dim3A_1640 = arith.constant 0 : i32
        %broadcast_in_dim3A_1641 = vector.broadcast %broadcast_in_dim3A_1640 : i32 to vector<16xi32>
        %add3A_1642 = vector.broadcast %sub3A_1613 : i32 to vector<16xi32>
        %add3A_1643 = arith.addi %broadcast_in_dim3A_1641, %add3A_1642 : vector<16xi32>
        %broadcast_in_dim3A_1644 = arith.constant 0 : i32
        %broadcast_in_dim3A_1645 = vector.broadcast %broadcast_in_dim3A_1644 : i32 to vector<16xi32>
        %add3A_1646 = arith.constant 6 : i32
        %add3A_1647 = vector.broadcast %add3A_1646 : i32 to vector<16xi32>
        %add3A_1648 = arith.addi %broadcast_in_dim3A_1645, %add3A_1647 : vector<16xi32>
        %add3A_1649 = arith.constant 0 : i32
        %add3A_1650 = vector.broadcast %add3A_1649 : i32 to vector<16xi32>
        %add3A_1651 = arith.addi %select_n3A, %add3A_1650 : vector<16xi32>
        %gather3A_1652 = tpu.vector_load_idx %arg6[%add3A_1648, %add3A_1651, %select_n3A_45, %add3A_1639] : memref<8x8x8x128xf32, #tpu.memory_space<vmem>>[vector<16xi32>, vector<16xi32>, vector<16xi32>, vector<16xi32>], vector<16xf32>,
        %add3A_1653 = arith.constant 0 : i32
        %add3A_1654 = vector.broadcast %add3A_1653 : i32 to vector<16xi32>
        %add3A_1655 = arith.addi %iota3A, %add3A_1654 : vector<16xi32>
        tpu.vector_store_idx %arg7[%add3A_1655, %add3A_1643], %gather3A_1652 : memref<64x512xf32, #tpu.memory_space<vmem>>[vector<16xi32>, vector<16xi32>], vector<16xf32>,
        %add3A_1656 = arith.constant 2 : i32
        %add3A_1657 = vector.broadcast %add3A_1656 : i32 to vector<16xi32>
        %add3A_1658 = arith.addi %select_n3A, %add3A_1657 : vector<16xi32>
        %gather3A_1659 = tpu.vector_load_idx %arg6[%add3A_1648, %add3A_1658, %select_n3A_45, %add3A_1639] : memref<8x8x8x128xf32, #tpu.memory_space<vmem>>[vector<16xi32>, vector<16xi32>, vector<16xi32>, vector<16xi32>], vector<16xf32>,
        %add3A_1660 = arith.constant 16 : i32
        %add3A_1661 = vector.broadcast %add3A_1660 : i32 to vector<16xi32>
        %add3A_1662 = arith.addi %iota3A, %add3A_1661 : vector<16xi32>
        tpu.vector_store_idx %arg7[%add3A_1662, %add3A_1643], %gather3A_1659 : memref<64x512xf32, #tpu.memory_space<vmem>>[vector<16xi32>, vector<16xi32>], vector<16xf32>,
        %add3A_1663 = arith.constant 4 : i32
        %add3A_1664 = vector.broadcast %add3A_1663 : i32 to vector<16xi32>
        %add3A_1665 = arith.addi %select_n3A, %add3A_1664 : vector<16xi32>
        %gather3A_1666 = tpu.vector_load_idx %arg6[%add3A_1648, %add3A_1665, %select_n3A_45, %add3A_1639] : memref<8x8x8x128xf32, #tpu.memory_space<vmem>>[vector<16xi32>, vector<16xi32>, vector<16xi32>, vector<16xi32>], vector<16xf32>,
        %add3A_1667 = arith.constant 32 : i32
        %add3A_1668 = vector.broadcast %add3A_1667 : i32 to vector<16xi32>
        %add3A_1669 = arith.addi %iota3A, %add3A_1668 : vector<16xi32>
        tpu.vector_store_idx %arg7[%add3A_1669, %add3A_1643], %gather3A_1666 : memref<64x512xf32, #tpu.memory_space<vmem>>[vector<16xi32>, vector<16xi32>], vector<16xf32>,
        %add3A_1670 = arith.constant 6 : i32
        %add3A_1671 = vector.broadcast %add3A_1670 : i32 to vector<16xi32>
        %add3A_1672 = arith.addi %select_n3A, %add3A_1671 : vector<16xi32>
        %gather3A_1673 = tpu.vector_load_idx %arg6[%add3A_1648, %add3A_1672, %select_n3A_45, %add3A_1639] : memref<8x8x8x128xf32, #tpu.memory_space<vmem>>[vector<16xi32>, vector<16xi32>, vector<16xi32>, vector<16xi32>], vector<16xf32>,
        %add3A_1674 = arith.constant 48 : i32
        %add3A_1675 = vector.broadcast %add3A_1674 : i32 to vector<16xi32>
        %add3A_1676 = arith.addi %iota3A, %add3A_1675 : vector<16xi32>
        tpu.vector_store_idx %arg7[%add3A_1676, %add3A_1643], %gather3A_1673 : memref<64x512xf32, #tpu.memory_space<vmem>>[vector<16xi32>, vector<16xi32>], vector<16xf32>,
      } else {
      }
      %slice3A_764 = vector.extract_strided_slice %and3A_587 {offsets = [6], sizes = [1], strides = [1]} : vector<16xi32> to vector<1xi32>
      %squeeze3A_765 = vector.extract %slice3A_764[0] : i32 from vector<1xi32>
      %multiple_of3A_766 = tpu.assume_multiple %squeeze3A_765, 128 : i32
      %dma_start3A_767 = arith.constant 6 : i32
      %dma_start3A_768 = arith.constant 6 : i32
      %dma_start3A_769 = arith.constant 0 : i32
      %dma_start3A_770 = arith.constant 0 : i32
      %dma_start3A_771 = arith.constant 0 : i32
      %dma_start3A_772 = tpu.memref_slice %arg6[%dma_start3A_767, %dma_start3A_769, %dma_start3A_770, %dma_start3A_771] : memref<8x8x8x128xf32, #tpu.memory_space<vmem>> -> memref<1x8x8x128xf32, #tpu.memory_space<vmem>>
      %dma_start3A_773 = tpu.memref_squeeze %dma_start3A_772 : memref<1x8x8x128xf32, #tpu.memory_space<vmem>> -> memref<8x8x128xf32, #tpu.memory_space<vmem>>
      %dma_start3A_774 = arith.constant 0 : i32
      %dma_start3A_775 = arith.constant 0 : i32
      %dma_start3A_776 = tpu.memref_slice %arg3[%dma_start3A_774, %dma_start3A_775, %multiple_of3A_766] : memref<8x8x1000000xf32, #tpu.memory_space<hbm>> -> memref<8x8x128xf32, #tpu.memory_space<hbm>>
      %dma_start3A_777 = tpu.memref_slice %arg8[%dma_start3A_768] : memref<8x!tpu.dma_semaphore, #tpu.memory_space<semaphore_mem>> -> memref<1x!tpu.dma_semaphore, #tpu.memory_space<semaphore_mem>>
      %dma_start3A_778 = tpu.memref_squeeze %dma_start3A_777 : memref<1x!tpu.dma_semaphore, #tpu.memory_space<semaphore_mem>> -> memref<!tpu.dma_semaphore, #tpu.memory_space<semaphore_mem>>
      %dma_start3A_779 = arith.constant 0 : i32
      %dma_start3A_780 = arith.constant 0 : i32
      %dma_start3A_781 = arith.constant 0 : i32
      %dma_start3A_782 = tpu.memref_slice %arg6[%dma_start3A_767, %dma_start3A_779, %dma_start3A_780, %dma_start3A_781] : memref<8x8x8x128xf32, #tpu.memory_space<vmem>> -> memref<1x8x8x128xf32, #tpu.memory_space<vmem>>
      %dma_start3A_783 = tpu.memref_squeeze %dma_start3A_782 : memref<1x8x8x128xf32, #tpu.memory_space<vmem>> -> memref<8x8x128xf32, #tpu.memory_space<vmem>>
      %dma_start3A_784 = arith.constant 0 : i32
      %dma_start3A_785 = arith.constant 0 : i32
      %dma_start3A_786 = tpu.memref_slice %arg3[%dma_start3A_784, %dma_start3A_785, %multiple_of3A_766] : memref<8x8x1000000xf32, #tpu.memory_space<hbm>> -> memref<8x8x128xf32, #tpu.memory_space<hbm>>
      tpu.enqueue_dma source(%dma_start3A_786 : memref<8x8x128xf32, #tpu.memory_space<hbm>>) target(%dma_start3A_783 : memref<8x8x128xf32, #tpu.memory_space<vmem>>) target_semaphore(%dma_start3A_778 : memref<!tpu.dma_semaphore, #tpu.memory_space<semaphore_mem>>)
      %gt3A_787 = arith.constant 0 : i32
      %gt3A_788 = arith.cmpi sgt, %scan3A_579, %gt3A_787 : i32
      %convert_element_type3A_789 = arith.extui %gt3A_788 : i1 to i32
      %cond3A_790 = arith.constant 0 : i32
      %cond3A_791 = arith.cmpi ne, %convert_element_type3A_789, %cond3A_790 : i32
      scf.if %cond3A_791 {
        %slice3A_1608 = vector.extract_strided_slice %and3A_595 {offsets = [7], sizes = [1], strides = [1]} : vector<16xi32> to vector<1xi32>
        %squeeze3A_1609 = vector.extract %slice3A_1608[0] : i32 from vector<1xi32>
        %add3A_1610 = arith.constant 7 : i32
        %add3A_1611 = arith.addi %mul3A_582, %add3A_1610 : i32
        %sub3A_1612 = arith.constant 8 : i32
        %sub3A_1613 = arith.subi %add3A_1611, %sub3A_1612 : i32
        %dma_wait3A_1614 = arith.constant 7 : i32
        %dma_wait3A_1615 = arith.constant 7 : i32
        %dma_wait3A_1616 = arith.constant 0 : i32
        %dma_wait3A_1617 = arith.constant 0 : i32
        %dma_wait3A_1618 = arith.constant 0 : i32
        %dma_wait3A_1619 = tpu.memref_slice %arg6[%dma_wait3A_1614, %dma_wait3A_1616, %dma_wait3A_1617, %dma_wait3A_1618] : memref<8x8x8x128xf32, #tpu.memory_space<vmem>> -> memref<1x8x8x128xf32, #tpu.memory_space<vmem>>
        %dma_wait3A_1620 = tpu.memref_squeeze %dma_wait3A_1619 : memref<1x8x8x128xf32, #tpu.memory_space<vmem>> -> memref<8x8x128xf32, #tpu.memory_space<vmem>>
        %dma_wait3A_1621 = arith.constant 0 : i32
        %dma_wait3A_1622 = arith.constant 0 : i32
        %dma_wait3A_1623 = arith.constant 0 : i32
        %dma_wait3A_1624 = tpu.memref_slice %arg3[%dma_wait3A_1621, %dma_wait3A_1622, %dma_wait3A_1623] : memref<8x8x1000000xf32, #tpu.memory_space<hbm>> -> memref<8x8x128xf32, #tpu.memory_space<hbm>>
        %dma_wait3A_1625 = tpu.memref_slice %arg8[%dma_wait3A_1615] : memref<8x!tpu.dma_semaphore, #tpu.memory_space<semaphore_mem>> -> memref<1x!tpu.dma_semaphore, #tpu.memory_space<semaphore_mem>>
        %dma_wait3A_1626 = tpu.memref_squeeze %dma_wait3A_1625 : memref<1x!tpu.dma_semaphore, #tpu.memory_space<semaphore_mem>> -> memref<!tpu.dma_semaphore, #tpu.memory_space<semaphore_mem>>
        %dma_wait3A_1627 = arith.constant 0 : i32
        %dma_wait3A_1628 = arith.constant 0 : i32
        %dma_wait3A_1629 = arith.constant 0 : i32
        %dma_wait3A_1630 = tpu.memref_slice %arg6[%dma_wait3A_1614, %dma_wait3A_1627, %dma_wait3A_1628, %dma_wait3A_1629] : memref<8x8x8x128xf32, #tpu.memory_space<vmem>> -> memref<1x8x8x128xf32, #tpu.memory_space<vmem>>
        %dma_wait3A_1631 = tpu.memref_squeeze %dma_wait3A_1630 : memref<1x8x8x128xf32, #tpu.memory_space<vmem>> -> memref<8x8x128xf32, #tpu.memory_space<vmem>>
        %dma_wait3A_1632 = arith.constant 0 : i32
        %dma_wait3A_1633 = arith.constant 0 : i32
        %dma_wait3A_1634 = arith.constant 0 : i32
        %dma_wait3A_1635 = tpu.memref_slice %arg3[%dma_wait3A_1632, %dma_wait3A_1633, %dma_wait3A_1634] : memref<8x8x1000000xf32, #tpu.memory_space<hbm>> -> memref<8x8x128xf32, #tpu.memory_space<hbm>>
        tpu.wait_dma2 semaphore(%dma_wait3A_1626 : memref<!tpu.dma_semaphore, #tpu.memory_space<semaphore_mem>>) src(%dma_wait3A_1635 : memref<8x8x128xf32, #tpu.memory_space<hbm>>) dst(%dma_wait3A_1631 : memref<8x8x128xf32, #tpu.memory_space<vmem>>)
        %broadcast_in_dim3A_1636 = arith.constant 0 : i32
        %broadcast_in_dim3A_1637 = vector.broadcast %broadcast_in_dim3A_1636 : i32 to vector<16xi32>
        %add3A_1638 = vector.broadcast %squeeze3A_1609 : i32 to vector<16xi32>
        %add3A_1639 = arith.addi %broadcast_in_dim3A_1637, %add3A_1638 : vector<16xi32>
        %broadcast_in_dim3A_1640 = arith.constant 0 : i32
        %broadcast_in_dim3A_1641 = vector.broadcast %broadcast_in_dim3A_1640 : i32 to vector<16xi32>
        %add3A_1642 = vector.broadcast %sub3A_1613 : i32 to vector<16xi32>
        %add3A_1643 = arith.addi %broadcast_in_dim3A_1641, %add3A_1642 : vector<16xi32>
        %broadcast_in_dim3A_1644 = arith.constant 0 : i32
        %broadcast_in_dim3A_1645 = vector.broadcast %broadcast_in_dim3A_1644 : i32 to vector<16xi32>
        %add3A_1646 = arith.constant 7 : i32
        %add3A_1647 = vector.broadcast %add3A_1646 : i32 to vector<16xi32>
        %add3A_1648 = arith.addi %broadcast_in_dim3A_1645, %add3A_1647 : vector<16xi32>
        %add3A_1649 = arith.constant 0 : i32
        %add3A_1650 = vector.broadcast %add3A_1649 : i32 to vector<16xi32>
        %add3A_1651 = arith.addi %select_n3A, %add3A_1650 : vector<16xi32>
        %gather3A_1652 = tpu.vector_load_idx %arg6[%add3A_1648, %add3A_1651, %select_n3A_45, %add3A_1639] : memref<8x8x8x128xf32, #tpu.memory_space<vmem>>[vector<16xi32>, vector<16xi32>, vector<16xi32>, vector<16xi32>], vector<16xf32>,
        %add3A_1653 = arith.constant 0 : i32
        %add3A_1654 = vector.broadcast %add3A_1653 : i32 to vector<16xi32>
        %add3A_1655 = arith.addi %iota3A, %add3A_1654 : vector<16xi32>
        tpu.vector_store_idx %arg7[%add3A_1655, %add3A_1643], %gather3A_1652 : memref<64x512xf32, #tpu.memory_space<vmem>>[vector<16xi32>, vector<16xi32>], vector<16xf32>,
        %add3A_1656 = arith.constant 2 : i32
        %add3A_1657 = vector.broadcast %add3A_1656 : i32 to vector<16xi32>
        %add3A_1658 = arith.addi %select_n3A, %add3A_1657 : vector<16xi32>
        %gather3A_1659 = tpu.vector_load_idx %arg6[%add3A_1648, %add3A_1658, %select_n3A_45, %add3A_1639] : memref<8x8x8x128xf32, #tpu.memory_space<vmem>>[vector<16xi32>, vector<16xi32>, vector<16xi32>, vector<16xi32>], vector<16xf32>,
        %add3A_1660 = arith.constant 16 : i32
        %add3A_1661 = vector.broadcast %add3A_1660 : i32 to vector<16xi32>
        %add3A_1662 = arith.addi %iota3A, %add3A_1661 : vector<16xi32>
        tpu.vector_store_idx %arg7[%add3A_1662, %add3A_1643], %gather3A_1659 : memref<64x512xf32, #tpu.memory_space<vmem>>[vector<16xi32>, vector<16xi32>], vector<16xf32>,
        %add3A_1663 = arith.constant 4 : i32
        %add3A_1664 = vector.broadcast %add3A_1663 : i32 to vector<16xi32>
        %add3A_1665 = arith.addi %select_n3A, %add3A_1664 : vector<16xi32>
        %gather3A_1666 = tpu.vector_load_idx %arg6[%add3A_1648, %add3A_1665, %select_n3A_45, %add3A_1639] : memref<8x8x8x128xf32, #tpu.memory_space<vmem>>[vector<16xi32>, vector<16xi32>, vector<16xi32>, vector<16xi32>], vector<16xf32>,
        %add3A_1667 = arith.constant 32 : i32
        %add3A_1668 = vector.broadcast %add3A_1667 : i32 to vector<16xi32>
        %add3A_1669 = arith.addi %iota3A, %add3A_1668 : vector<16xi32>
        tpu.vector_store_idx %arg7[%add3A_1669, %add3A_1643], %gather3A_1666 : memref<64x512xf32, #tpu.memory_space<vmem>>[vector<16xi32>, vector<16xi32>], vector<16xf32>,
        %add3A_1670 = arith.constant 6 : i32
        %add3A_1671 = vector.broadcast %add3A_1670 : i32 to vector<16xi32>
        %add3A_1672 = arith.addi %select_n3A, %add3A_1671 : vector<16xi32>
        %gather3A_1673 = tpu.vector_load_idx %arg6[%add3A_1648, %add3A_1672, %select_n3A_45, %add3A_1639] : memref<8x8x8x128xf32, #tpu.memory_space<vmem>>[vector<16xi32>, vector<16xi32>, vector<16xi32>, vector<16xi32>], vector<16xf32>,
        %add3A_1674 = arith.constant 48 : i32
        %add3A_1675 = vector.broadcast %add3A_1674 : i32 to vector<16xi32>
        %add3A_1676 = arith.addi %iota3A, %add3A_1675 : vector<16xi32>
        tpu.vector_store_idx %arg7[%add3A_1676, %add3A_1643], %gather3A_1673 : memref<64x512xf32, #tpu.memory_space<vmem>>[vector<16xi32>, vector<16xi32>], vector<16xf32>,
      } else {
      }
      %slice3A_792 = vector.extract_strided_slice %and3A_587 {offsets = [7], sizes = [1], strides = [1]} : vector<16xi32> to vector<1xi32>
      %squeeze3A_793 = vector.extract %slice3A_792[0] : i32 from vector<1xi32>
      %multiple_of3A_794 = tpu.assume_multiple %squeeze3A_793, 128 : i32
      %dma_start3A_795 = arith.constant 7 : i32
      %dma_start3A_796 = arith.constant 7 : i32
      %dma_start3A_797 = arith.constant 0 : i32
      %dma_start3A_798 = arith.constant 0 : i32
      %dma_start3A_799 = arith.constant 0 : i32
      %dma_start3A_800 = tpu.memref_slice %arg6[%dma_start3A_795, %dma_start3A_797, %dma_start3A_798, %dma_start3A_799] : memref<8x8x8x128xf32, #tpu.memory_space<vmem>> -> memref<1x8x8x128xf32, #tpu.memory_space<vmem>>
      %dma_start3A_801 = tpu.memref_squeeze %dma_start3A_800 : memref<1x8x8x128xf32, #tpu.memory_space<vmem>> -> memref<8x8x128xf32, #tpu.memory_space<vmem>>
      %dma_start3A_802 = arith.constant 0 : i32
      %dma_start3A_803 = arith.constant 0 : i32
      %dma_start3A_804 = tpu.memref_slice %arg3[%dma_start3A_802, %dma_start3A_803, %multiple_of3A_794] : memref<8x8x1000000xf32, #tpu.memory_space<hbm>> -> memref<8x8x128xf32, #tpu.memory_space<hbm>>
      %dma_start3A_805 = tpu.memref_slice %arg8[%dma_start3A_796] : memref<8x!tpu.dma_semaphore, #tpu.memory_space<semaphore_mem>> -> memref<1x!tpu.dma_semaphore, #tpu.memory_space<semaphore_mem>>
      %dma_start3A_806 = tpu.memref_squeeze %dma_start3A_805 : memref<1x!tpu.dma_semaphore, #tpu.memory_space<semaphore_mem>> -> memref<!tpu.dma_semaphore, #tpu.memory_space<semaphore_mem>>
      %dma_start3A_807 = arith.constant 0 : i32
      %dma_start3A_808 = arith.constant 0 : i32
      %dma_start3A_809 = arith.constant 0 : i32
      %dma_start3A_810 = tpu.memref_slice %arg6[%dma_start3A_795, %dma_start3A_807, %dma_start3A_808, %dma_start3A_809] : memref<8x8x8x128xf32, #tpu.memory_space<vmem>> -> memref<1x8x8x128xf32, #tpu.memory_space<vmem>>
      %dma_start3A_811 = tpu.memref_squeeze %dma_start3A_810 : memref<1x8x8x128xf32, #tpu.memory_space<vmem>> -> memref<8x8x128xf32, #tpu.memory_space<vmem>>
      %dma_start3A_812 = arith.constant 0 : i32
      %dma_start3A_813 = arith.constant 0 : i32
      %dma_start3A_814 = tpu.memref_slice %arg3[%dma_start3A_812, %dma_start3A_813, %multiple_of3A_794] : memref<8x8x1000000xf32, #tpu.memory_space<hbm>> -> memref<8x8x128xf32, #tpu.memory_space<hbm>>
      tpu.enqueue_dma source(%dma_start3A_814 : memref<8x8x128xf32, #tpu.memory_space<hbm>>) target(%dma_start3A_811 : memref<8x8x128xf32, #tpu.memory_space<vmem>>) target_semaphore(%dma_start3A_806 : memref<!tpu.dma_semaphore, #tpu.memory_space<semaphore_mem>>)
      %gt3A_815 = arith.constant 0 : i32
      %gt3A_816 = arith.cmpi sgt, %scan3A_579, %gt3A_815 : i32
      %slice3A_817 = vector.extract_strided_slice %and3A_595 {offsets = [8], sizes = [1], strides = [1]} : vector<16xi32> to vector<1xi32>
      %squeeze3A_818 = vector.extract %slice3A_817[0] : i32 from vector<1xi32>
      %slice3A_819 = vector.extract_strided_slice %get3A_584 {offsets = [0], sizes = [1], strides = [1]} : vector<16xi32> to vector<1xi32>
      %squeeze3A_820 = vector.extract %slice3A_819[0] : i32 from vector<1xi32>
      %and3A_821 = arith.constant 127 : i32
      %and3A_822 = arith.andi %squeeze3A_820, %and3A_821 : i32
      %select_n3A_823 = arith.select %gt3A_816, %squeeze3A_818, %and3A_822 : i32
      %add3A_824 = arith.constant 8 : i32
      %add3A_825 = arith.addi %mul3A_582, %add3A_824 : i32
      %sub3A_826 = arith.constant 8 : i32
      %sub3A_827 = arith.subi %add3A_825, %sub3A_826 : i32
      %dma_wait3A_828 = arith.constant 0 : i32
      %dma_wait3A_829 = arith.constant 0 : i32
      %dma_wait3A_830 = arith.constant 0 : i32
      %dma_wait3A_831 = arith.constant 0 : i32
      %dma_wait3A_832 = arith.constant 0 : i32
      %dma_wait3A_833 = tpu.memref_slice %arg6[%dma_wait3A_828, %dma_wait3A_830, %dma_wait3A_831, %dma_wait3A_832] : memref<8x8x8x128xf32, #tpu.memory_space<vmem>> -> memref<1x8x8x128xf32, #tpu.memory_space<vmem>>
      %dma_wait3A_834 = tpu.memref_squeeze %dma_wait3A_833 : memref<1x8x8x128xf32, #tpu.memory_space<vmem>> -> memref<8x8x128xf32, #tpu.memory_space<vmem>>
      %dma_wait3A_835 = arith.constant 0 : i32
      %dma_wait3A_836 = arith.constant 0 : i32
      %dma_wait3A_837 = arith.constant 0 : i32
      %dma_wait3A_838 = tpu.memref_slice %arg3[%dma_wait3A_835, %dma_wait3A_836, %dma_wait3A_837] : memref<8x8x1000000xf32, #tpu.memory_space<hbm>> -> memref<8x8x128xf32, #tpu.memory_space<hbm>>
      %dma_wait3A_839 = tpu.memref_slice %arg8[%dma_wait3A_829] : memref<8x!tpu.dma_semaphore, #tpu.memory_space<semaphore_mem>> -> memref<1x!tpu.dma_semaphore, #tpu.memory_space<semaphore_mem>>
      %dma_wait3A_840 = tpu.memref_squeeze %dma_wait3A_839 : memref<1x!tpu.dma_semaphore, #tpu.memory_space<semaphore_mem>> -> memref<!tpu.dma_semaphore, #tpu.memory_space<semaphore_mem>>
      %dma_wait3A_841 = arith.constant 0 : i32
      %dma_wait3A_842 = arith.constant 0 : i32
      %dma_wait3A_843 = arith.constant 0 : i32
      %dma_wait3A_844 = tpu.memref_slice %arg6[%dma_wait3A_828, %dma_wait3A_841, %dma_wait3A_842, %dma_wait3A_843] : memref<8x8x8x128xf32, #tpu.memory_space<vmem>> -> memref<1x8x8x128xf32, #tpu.memory_space<vmem>>
      %dma_wait3A_845 = tpu.memref_squeeze %dma_wait3A_844 : memref<1x8x8x128xf32, #tpu.memory_space<vmem>> -> memref<8x8x128xf32, #tpu.memory_space<vmem>>
      %dma_wait3A_846 = arith.constant 0 : i32
      %dma_wait3A_847 = arith.constant 0 : i32
      %dma_wait3A_848 = arith.constant 0 : i32
      %dma_wait3A_849 = tpu.memref_slice %arg3[%dma_wait3A_846, %dma_wait3A_847, %dma_wait3A_848] : memref<8x8x1000000xf32, #tpu.memory_space<hbm>> -> memref<8x8x128xf32, #tpu.memory_space<hbm>>
      tpu.wait_dma2 semaphore(%dma_wait3A_840 : memref<!tpu.dma_semaphore, #tpu.memory_space<semaphore_mem>>) src(%dma_wait3A_849 : memref<8x8x128xf32, #tpu.memory_space<hbm>>) dst(%dma_wait3A_845 : memref<8x8x128xf32, #tpu.memory_space<vmem>>)
      %broadcast_in_dim3A_850 = arith.constant 0 : i32
      %broadcast_in_dim3A_851 = vector.broadcast %broadcast_in_dim3A_850 : i32 to vector<16xi32>
      %add3A_852 = vector.broadcast %select_n3A_823 : i32 to vector<16xi32>
      %add3A_853 = arith.addi %broadcast_in_dim3A_851, %add3A_852 : vector<16xi32>
      %broadcast_in_dim3A_854 = arith.constant 0 : i32
      %broadcast_in_dim3A_855 = vector.broadcast %broadcast_in_dim3A_854 : i32 to vector<16xi32>
      %add3A_856 = vector.broadcast %sub3A_827 : i32 to vector<16xi32>
      %add3A_857 = arith.addi %broadcast_in_dim3A_855, %add3A_856 : vector<16xi32>
      %broadcast_in_dim3A_858 = arith.constant 0 : i32
      %broadcast_in_dim3A_859 = vector.broadcast %broadcast_in_dim3A_858 : i32 to vector<16xi32>
      %add3A_860 = arith.constant 0 : i32
      %add3A_861 = vector.broadcast %add3A_860 : i32 to vector<16xi32>
      %add3A_862 = arith.addi %broadcast_in_dim3A_859, %add3A_861 : vector<16xi32>
      %add3A_863 = arith.constant 0 : i32
      %add3A_864 = vector.broadcast %add3A_863 : i32 to vector<16xi32>
      %add3A_865 = arith.addi %select_n3A, %add3A_864 : vector<16xi32>
      %gather3A_866 = tpu.vector_load_idx %arg6[%add3A_862, %add3A_865, %select_n3A_45, %add3A_853] : memref<8x8x8x128xf32, #tpu.memory_space<vmem>>[vector<16xi32>, vector<16xi32>, vector<16xi32>, vector<16xi32>], vector<16xf32>,
      %add3A_867 = arith.constant 0 : i32
      %add3A_868 = vector.broadcast %add3A_867 : i32 to vector<16xi32>
      %add3A_869 = arith.addi %iota3A, %add3A_868 : vector<16xi32>
      tpu.vector_store_idx %arg7[%add3A_869, %add3A_857], %gather3A_866 : memref<64x512xf32, #tpu.memory_space<vmem>>[vector<16xi32>, vector<16xi32>], vector<16xf32>,
      %add3A_870 = arith.constant 2 : i32
      %add3A_871 = vector.broadcast %add3A_870 : i32 to vector<16xi32>
      %add3A_872 = arith.addi %select_n3A, %add3A_871 : vector<16xi32>
      %gather3A_873 = tpu.vector_load_idx %arg6[%add3A_862, %add3A_872, %select_n3A_45, %add3A_853] : memref<8x8x8x128xf32, #tpu.memory_space<vmem>>[vector<16xi32>, vector<16xi32>, vector<16xi32>, vector<16xi32>], vector<16xf32>,
      %add3A_874 = arith.constant 16 : i32
      %add3A_875 = vector.broadcast %add3A_874 : i32 to vector<16xi32>
      %add3A_876 = arith.addi %iota3A, %add3A_875 : vector<16xi32>
      tpu.vector_store_idx %arg7[%add3A_876, %add3A_857], %gather3A_873 : memref<64x512xf32, #tpu.memory_space<vmem>>[vector<16xi32>, vector<16xi32>], vector<16xf32>,
      %add3A_877 = arith.constant 4 : i32
      %add3A_878 = vector.broadcast %add3A_877 : i32 to vector<16xi32>
      %add3A_879 = arith.addi %select_n3A, %add3A_878 : vector<16xi32>
      %gather3A_880 = tpu.vector_load_idx %arg6[%add3A_862, %add3A_879, %select_n3A_45, %add3A_853] : memref<8x8x8x128xf32, #tpu.memory_space<vmem>>[vector<16xi32>, vector<16xi32>, vector<16xi32>, vector<16xi32>], vector<16xf32>,
      %add3A_881 = arith.constant 32 : i32
      %add3A_882 = vector.broadcast %add3A_881 : i32 to vector<16xi32>
      %add3A_883 = arith.addi %iota3A, %add3A_882 : vector<16xi32>
      tpu.vector_store_idx %arg7[%add3A_883, %add3A_857], %gather3A_880 : memref<64x512xf32, #tpu.memory_space<vmem>>[vector<16xi32>, vector<16xi32>], vector<16xf32>,
      %add3A_884 = arith.constant 6 : i32
      %add3A_885 = vector.broadcast %add3A_884 : i32 to vector<16xi32>
      %add3A_886 = arith.addi %select_n3A, %add3A_885 : vector<16xi32>
      %gather3A_887 = tpu.vector_load_idx %arg6[%add3A_862, %add3A_886, %select_n3A_45, %add3A_853] : memref<8x8x8x128xf32, #tpu.memory_space<vmem>>[vector<16xi32>, vector<16xi32>, vector<16xi32>, vector<16xi32>], vector<16xf32>,
      %add3A_888 = arith.constant 48 : i32
      %add3A_889 = vector.broadcast %add3A_888 : i32 to vector<16xi32>
      %add3A_890 = arith.addi %iota3A, %add3A_889 : vector<16xi32>
      tpu.vector_store_idx %arg7[%add3A_890, %add3A_857], %gather3A_887 : memref<64x512xf32, #tpu.memory_space<vmem>>[vector<16xi32>, vector<16xi32>], vector<16xf32>,
      %slice3A_891 = vector.extract_strided_slice %and3A_587 {offsets = [8], sizes = [1], strides = [1]} : vector<16xi32> to vector<1xi32>
      %squeeze3A_892 = vector.extract %slice3A_891[0] : i32 from vector<1xi32>
      %multiple_of3A_893 = tpu.assume_multiple %squeeze3A_892, 128 : i32
      %dma_start3A_894 = arith.constant 0 : i32
      %dma_start3A_895 = arith.constant 0 : i32
      %dma_start3A_896 = arith.constant 0 : i32
      %dma_start3A_897 = arith.constant 0 : i32
      %dma_start3A_898 = arith.constant 0 : i32
      %dma_start3A_899 = tpu.memref_slice %arg6[%dma_start3A_894, %dma_start3A_896, %dma_start3A_897, %dma_start3A_898] : memref<8x8x8x128xf32, #tpu.memory_space<vmem>> -> memref<1x8x8x128xf32, #tpu.memory_space<vmem>>
      %dma_start3A_900 = tpu.memref_squeeze %dma_start3A_899 : memref<1x8x8x128xf32, #tpu.memory_space<vmem>> -> memref<8x8x128xf32, #tpu.memory_space<vmem>>
      %dma_start3A_901 = arith.constant 0 : i32
      %dma_start3A_902 = arith.constant 0 : i32
      %dma_start3A_903 = tpu.memref_slice %arg3[%dma_start3A_901, %dma_start3A_902, %multiple_of3A_893] : memref<8x8x1000000xf32, #tpu.memory_space<hbm>> -> memref<8x8x128xf32, #tpu.memory_space<hbm>>
      %dma_start3A_904 = tpu.memref_slice %arg8[%dma_start3A_895] : memref<8x!tpu.dma_semaphore, #tpu.memory_space<semaphore_mem>> -> memref<1x!tpu.dma_semaphore, #tpu.memory_space<semaphore_mem>>
      %dma_start3A_905 = tpu.memref_squeeze %dma_start3A_904 : memref<1x!tpu.dma_semaphore, #tpu.memory_space<semaphore_mem>> -> memref<!tpu.dma_semaphore, #tpu.memory_space<semaphore_mem>>
      %dma_start3A_906 = arith.constant 0 : i32
      %dma_start3A_907 = arith.constant 0 : i32
      %dma_start3A_908 = arith.constant 0 : i32
      %dma_start3A_909 = tpu.memref_slice %arg6[%dma_start3A_894, %dma_start3A_906, %dma_start3A_907, %dma_start3A_908] : memref<8x8x8x128xf32, #tpu.memory_space<vmem>> -> memref<1x8x8x128xf32, #tpu.memory_space<vmem>>
      %dma_start3A_910 = tpu.memref_squeeze %dma_start3A_909 : memref<1x8x8x128xf32, #tpu.memory_space<vmem>> -> memref<8x8x128xf32, #tpu.memory_space<vmem>>
      %dma_start3A_911 = arith.constant 0 : i32
      %dma_start3A_912 = arith.constant 0 : i32
      %dma_start3A_913 = tpu.memref_slice %arg3[%dma_start3A_911, %dma_start3A_912, %multiple_of3A_893] : memref<8x8x1000000xf32, #tpu.memory_space<hbm>> -> memref<8x8x128xf32, #tpu.memory_space<hbm>>
      tpu.enqueue_dma source(%dma_start3A_913 : memref<8x8x128xf32, #tpu.memory_space<hbm>>) target(%dma_start3A_910 : memref<8x8x128xf32, #tpu.memory_space<vmem>>) target_semaphore(%dma_start3A_905 : memref<!tpu.dma_semaphore, #tpu.memory_space<semaphore_mem>>)
      %gt3A_914 = arith.constant 0 : i32
      %gt3A_915 = arith.cmpi sgt, %scan3A_579, %gt3A_914 : i32
      %slice3A_916 = vector.extract_strided_slice %and3A_595 {offsets = [9], sizes = [1], strides = [1]} : vector<16xi32> to vector<1xi32>
      %squeeze3A_917 = vector.extract %slice3A_916[0] : i32 from vector<1xi32>
      %slice3A_918 = vector.extract_strided_slice %get3A_584 {offsets = [1], sizes = [1], strides = [1]} : vector<16xi32> to vector<1xi32>
      %squeeze3A_919 = vector.extract %slice3A_918[0] : i32 from vector<1xi32>
      %and3A_920 = arith.constant 127 : i32
      %and3A_921 = arith.andi %squeeze3A_919, %and3A_920 : i32
      %select_n3A_922 = arith.select %gt3A_915, %squeeze3A_917, %and3A_921 : i32
      %add3A_923 = arith.constant 9 : i32
      %add3A_924 = arith.addi %mul3A_582, %add3A_923 : i32
      %sub3A_925 = arith.constant 8 : i32
      %sub3A_926 = arith.subi %add3A_924, %sub3A_925 : i32
      %dma_wait3A_927 = arith.constant 1 : i32
      %dma_wait3A_928 = arith.constant 1 : i32
      %dma_wait3A_929 = arith.constant 0 : i32
      %dma_wait3A_930 = arith.constant 0 : i32
      %dma_wait3A_931 = arith.constant 0 : i32
      %dma_wait3A_932 = tpu.memref_slice %arg6[%dma_wait3A_927, %dma_wait3A_929, %dma_wait3A_930, %dma_wait3A_931] : memref<8x8x8x128xf32, #tpu.memory_space<vmem>> -> memref<1x8x8x128xf32, #tpu.memory_space<vmem>>
      %dma_wait3A_933 = tpu.memref_squeeze %dma_wait3A_932 : memref<1x8x8x128xf32, #tpu.memory_space<vmem>> -> memref<8x8x128xf32, #tpu.memory_space<vmem>>
      %dma_wait3A_934 = arith.constant 0 : i32
      %dma_wait3A_935 = arith.constant 0 : i32
      %dma_wait3A_936 = arith.constant 0 : i32
      %dma_wait3A_937 = tpu.memref_slice %arg3[%dma_wait3A_934, %dma_wait3A_935, %dma_wait3A_936] : memref<8x8x1000000xf32, #tpu.memory_space<hbm>> -> memref<8x8x128xf32, #tpu.memory_space<hbm>>
      %dma_wait3A_938 = tpu.memref_slice %arg8[%dma_wait3A_928] : memref<8x!tpu.dma_semaphore, #tpu.memory_space<semaphore_mem>> -> memref<1x!tpu.dma_semaphore, #tpu.memory_space<semaphore_mem>>
      %dma_wait3A_939 = tpu.memref_squeeze %dma_wait3A_938 : memref<1x!tpu.dma_semaphore, #tpu.memory_space<semaphore_mem>> -> memref<!tpu.dma_semaphore, #tpu.memory_space<semaphore_mem>>
      %dma_wait3A_940 = arith.constant 0 : i32
      %dma_wait3A_941 = arith.constant 0 : i32
      %dma_wait3A_942 = arith.constant 0 : i32
      %dma_wait3A_943 = tpu.memref_slice %arg6[%dma_wait3A_927, %dma_wait3A_940, %dma_wait3A_941, %dma_wait3A_942] : memref<8x8x8x128xf32, #tpu.memory_space<vmem>> -> memref<1x8x8x128xf32, #tpu.memory_space<vmem>>
      %dma_wait3A_944 = tpu.memref_squeeze %dma_wait3A_943 : memref<1x8x8x128xf32, #tpu.memory_space<vmem>> -> memref<8x8x128xf32, #tpu.memory_space<vmem>>
      %dma_wait3A_945 = arith.constant 0 : i32
      %dma_wait3A_946 = arith.constant 0 : i32
      %dma_wait3A_947 = arith.constant 0 : i32
      %dma_wait3A_948 = tpu.memref_slice %arg3[%dma_wait3A_945, %dma_wait3A_946, %dma_wait3A_947] : memref<8x8x1000000xf32, #tpu.memory_space<hbm>> -> memref<8x8x128xf32, #tpu.memory_space<hbm>>
      tpu.wait_dma2 semaphore(%dma_wait3A_939 : memref<!tpu.dma_semaphore, #tpu.memory_space<semaphore_mem>>) src(%dma_wait3A_948 : memref<8x8x128xf32, #tpu.memory_space<hbm>>) dst(%dma_wait3A_944 : memref<8x8x128xf32, #tpu.memory_space<vmem>>)
      %broadcast_in_dim3A_949 = arith.constant 0 : i32
      %broadcast_in_dim3A_950 = vector.broadcast %broadcast_in_dim3A_949 : i32 to vector<16xi32>
      %add3A_951 = vector.broadcast %select_n3A_922 : i32 to vector<16xi32>
      %add3A_952 = arith.addi %broadcast_in_dim3A_950, %add3A_951 : vector<16xi32>
      %broadcast_in_dim3A_953 = arith.constant 0 : i32
      %broadcast_in_dim3A_954 = vector.broadcast %broadcast_in_dim3A_953 : i32 to vector<16xi32>
      %add3A_955 = vector.broadcast %sub3A_926 : i32 to vector<16xi32>
      %add3A_956 = arith.addi %broadcast_in_dim3A_954, %add3A_955 : vector<16xi32>
      %broadcast_in_dim3A_957 = arith.constant 0 : i32
      %broadcast_in_dim3A_958 = vector.broadcast %broadcast_in_dim3A_957 : i32 to vector<16xi32>
      %add3A_959 = arith.constant 1 : i32
      %add3A_960 = vector.broadcast %add3A_959 : i32 to vector<16xi32>
      %add3A_961 = arith.addi %broadcast_in_dim3A_958, %add3A_960 : vector<16xi32>
      %add3A_962 = arith.constant 0 : i32
      %add3A_963 = vector.broadcast %add3A_962 : i32 to vector<16xi32>
      %add3A_964 = arith.addi %select_n3A, %add3A_963 : vector<16xi32>
      %gather3A_965 = tpu.vector_load_idx %arg6[%add3A_961, %add3A_964, %select_n3A_45, %add3A_952] : memref<8x8x8x128xf32, #tpu.memory_space<vmem>>[vector<16xi32>, vector<16xi32>, vector<16xi32>, vector<16xi32>], vector<16xf32>,
      %add3A_966 = arith.constant 0 : i32
      %add3A_967 = vector.broadcast %add3A_966 : i32 to vector<16xi32>
      %add3A_968 = arith.addi %iota3A, %add3A_967 : vector<16xi32>
      tpu.vector_store_idx %arg7[%add3A_968, %add3A_956], %gather3A_965 : memref<64x512xf32, #tpu.memory_space<vmem>>[vector<16xi32>, vector<16xi32>], vector<16xf32>,
      %add3A_969 = arith.constant 2 : i32
      %add3A_970 = vector.broadcast %add3A_969 : i32 to vector<16xi32>
      %add3A_971 = arith.addi %select_n3A, %add3A_970 : vector<16xi32>
      %gather3A_972 = tpu.vector_load_idx %arg6[%add3A_961, %add3A_971, %select_n3A_45, %add3A_952] : memref<8x8x8x128xf32, #tpu.memory_space<vmem>>[vector<16xi32>, vector<16xi32>, vector<16xi32>, vector<16xi32>], vector<16xf32>,
      %add3A_973 = arith.constant 16 : i32
      %add3A_974 = vector.broadcast %add3A_973 : i32 to vector<16xi32>
      %add3A_975 = arith.addi %iota3A, %add3A_974 : vector<16xi32>
      tpu.vector_store_idx %arg7[%add3A_975, %add3A_956], %gather3A_972 : memref<64x512xf32, #tpu.memory_space<vmem>>[vector<16xi32>, vector<16xi32>], vector<16xf32>,
      %add3A_976 = arith.constant 4 : i32
      %add3A_977 = vector.broadcast %add3A_976 : i32 to vector<16xi32>
      %add3A_978 = arith.addi %select_n3A, %add3A_977 : vector<16xi32>
      %gather3A_979 = tpu.vector_load_idx %arg6[%add3A_961, %add3A_978, %select_n3A_45, %add3A_952] : memref<8x8x8x128xf32, #tpu.memory_space<vmem>>[vector<16xi32>, vector<16xi32>, vector<16xi32>, vector<16xi32>], vector<16xf32>,
      %add3A_980 = arith.constant 32 : i32
      %add3A_981 = vector.broadcast %add3A_980 : i32 to vector<16xi32>
      %add3A_982 = arith.addi %iota3A, %add3A_981 : vector<16xi32>
      tpu.vector_store_idx %arg7[%add3A_982, %add3A_956], %gather3A_979 : memref<64x512xf32, #tpu.memory_space<vmem>>[vector<16xi32>, vector<16xi32>], vector<16xf32>,
      %add3A_983 = arith.constant 6 : i32
      %add3A_984 = vector.broadcast %add3A_983 : i32 to vector<16xi32>
      %add3A_985 = arith.addi %select_n3A, %add3A_984 : vector<16xi32>
      %gather3A_986 = tpu.vector_load_idx %arg6[%add3A_961, %add3A_985, %select_n3A_45, %add3A_952] : memref<8x8x8x128xf32, #tpu.memory_space<vmem>>[vector<16xi32>, vector<16xi32>, vector<16xi32>, vector<16xi32>], vector<16xf32>,
      %add3A_987 = arith.constant 48 : i32
      %add3A_988 = vector.broadcast %add3A_987 : i32 to vector<16xi32>
      %add3A_989 = arith.addi %iota3A, %add3A_988 : vector<16xi32>
      tpu.vector_store_idx %arg7[%add3A_989, %add3A_956], %gather3A_986 : memref<64x512xf32, #tpu.memory_space<vmem>>[vector<16xi32>, vector<16xi32>], vector<16xf32>,
      %slice3A_990 = vector.extract_strided_slice %and3A_587 {offsets = [9], sizes = [1], strides = [1]} : vector<16xi32> to vector<1xi32>
      %squeeze3A_991 = vector.extract %slice3A_990[0] : i32 from vector<1xi32>
      %multiple_of3A_992 = tpu.assume_multiple %squeeze3A_991, 128 : i32
      %dma_start3A_993 = arith.constant 1 : i32
      %dma_start3A_994 = arith.constant 1 : i32
      %dma_start3A_995 = arith.constant 0 : i32
      %dma_start3A_996 = arith.constant 0 : i32
      %dma_start3A_997 = arith.constant 0 : i32
      %dma_start3A_998 = tpu.memref_slice %arg6[%dma_start3A_993, %dma_start3A_995, %dma_start3A_996, %dma_start3A_997] : memref<8x8x8x128xf32, #tpu.memory_space<vmem>> -> memref<1x8x8x128xf32, #tpu.memory_space<vmem>>
      %dma_start3A_999 = tpu.memref_squeeze %dma_start3A_998 : memref<1x8x8x128xf32, #tpu.memory_space<vmem>> -> memref<8x8x128xf32, #tpu.memory_space<vmem>>
      %dma_start3A_1000 = arith.constant 0 : i32
      %dma_start3A_1001 = arith.constant 0 : i32
      %dma_start3A_1002 = tpu.memref_slice %arg3[%dma_start3A_1000, %dma_start3A_1001, %multiple_of3A_992] : memref<8x8x1000000xf32, #tpu.memory_space<hbm>> -> memref<8x8x128xf32, #tpu.memory_space<hbm>>
      %dma_start3A_1003 = tpu.memref_slice %arg8[%dma_start3A_994] : memref<8x!tpu.dma_semaphore, #tpu.memory_space<semaphore_mem>> -> memref<1x!tpu.dma_semaphore, #tpu.memory_space<semaphore_mem>>
      %dma_start3A_1004 = tpu.memref_squeeze %dma_start3A_1003 : memref<1x!tpu.dma_semaphore, #tpu.memory_space<semaphore_mem>> -> memref<!tpu.dma_semaphore, #tpu.memory_space<semaphore_mem>>
      %dma_start3A_1005 = arith.constant 0 : i32
      %dma_start3A_1006 = arith.constant 0 : i32
      %dma_start3A_1007 = arith.constant 0 : i32
      %dma_start3A_1008 = tpu.memref_slice %arg6[%dma_start3A_993, %dma_start3A_1005, %dma_start3A_1006, %dma_start3A_1007] : memref<8x8x8x128xf32, #tpu.memory_space<vmem>> -> memref<1x8x8x128xf32, #tpu.memory_space<vmem>>
      %dma_start3A_1009 = tpu.memref_squeeze %dma_start3A_1008 : memref<1x8x8x128xf32, #tpu.memory_space<vmem>> -> memref<8x8x128xf32, #tpu.memory_space<vmem>>
      %dma_start3A_1010 = arith.constant 0 : i32
      %dma_start3A_1011 = arith.constant 0 : i32
      %dma_start3A_1012 = tpu.memref_slice %arg3[%dma_start3A_1010, %dma_start3A_1011, %multiple_of3A_992] : memref<8x8x1000000xf32, #tpu.memory_space<hbm>> -> memref<8x8x128xf32, #tpu.memory_space<hbm>>
      tpu.enqueue_dma source(%dma_start3A_1012 : memref<8x8x128xf32, #tpu.memory_space<hbm>>) target(%dma_start3A_1009 : memref<8x8x128xf32, #tpu.memory_space<vmem>>) target_semaphore(%dma_start3A_1004 : memref<!tpu.dma_semaphore, #tpu.memory_space<semaphore_mem>>)
      %gt3A_1013 = arith.constant 0 : i32
      %gt3A_1014 = arith.cmpi sgt, %scan3A_579, %gt3A_1013 : i32
      %slice3A_1015 = vector.extract_strided_slice %and3A_595 {offsets = [10], sizes = [1], strides = [1]} : vector<16xi32> to vector<1xi32>
      %squeeze3A_1016 = vector.extract %slice3A_1015[0] : i32 from vector<1xi32>
      %slice3A_1017 = vector.extract_strided_slice %get3A_584 {offsets = [2], sizes = [1], strides = [1]} : vector<16xi32> to vector<1xi32>
      %squeeze3A_1018 = vector.extract %slice3A_1017[0] : i32 from vector<1xi32>
      %and3A_1019 = arith.constant 127 : i32
      %and3A_1020 = arith.andi %squeeze3A_1018, %and3A_1019 : i32
      %select_n3A_1021 = arith.select %gt3A_1014, %squeeze3A_1016, %and3A_1020 : i32
      %add3A_1022 = arith.constant 10 : i32
      %add3A_1023 = arith.addi %mul3A_582, %add3A_1022 : i32
      %sub3A_1024 = arith.constant 8 : i32
      %sub3A_1025 = arith.subi %add3A_1023, %sub3A_1024 : i32
      %dma_wait3A_1026 = arith.constant 2 : i32
      %dma_wait3A_1027 = arith.constant 2 : i32
      %dma_wait3A_1028 = arith.constant 0 : i32
      %dma_wait3A_1029 = arith.constant 0 : i32
      %dma_wait3A_1030 = arith.constant 0 : i32
      %dma_wait3A_1031 = tpu.memref_slice %arg6[%dma_wait3A_1026, %dma_wait3A_1028, %dma_wait3A_1029, %dma_wait3A_1030] : memref<8x8x8x128xf32, #tpu.memory_space<vmem>> -> memref<1x8x8x128xf32, #tpu.memory_space<vmem>>
      %dma_wait3A_1032 = tpu.memref_squeeze %dma_wait3A_1031 : memref<1x8x8x128xf32, #tpu.memory_space<vmem>> -> memref<8x8x128xf32, #tpu.memory_space<vmem>>
      %dma_wait3A_1033 = arith.constant 0 : i32
      %dma_wait3A_1034 = arith.constant 0 : i32
      %dma_wait3A_1035 = arith.constant 0 : i32
      %dma_wait3A_1036 = tpu.memref_slice %arg3[%dma_wait3A_1033, %dma_wait3A_1034, %dma_wait3A_1035] : memref<8x8x1000000xf32, #tpu.memory_space<hbm>> -> memref<8x8x128xf32, #tpu.memory_space<hbm>>
      %dma_wait3A_1037 = tpu.memref_slice %arg8[%dma_wait3A_1027] : memref<8x!tpu.dma_semaphore, #tpu.memory_space<semaphore_mem>> -> memref<1x!tpu.dma_semaphore, #tpu.memory_space<semaphore_mem>>
      %dma_wait3A_1038 = tpu.memref_squeeze %dma_wait3A_1037 : memref<1x!tpu.dma_semaphore, #tpu.memory_space<semaphore_mem>> -> memref<!tpu.dma_semaphore, #tpu.memory_space<semaphore_mem>>
      %dma_wait3A_1039 = arith.constant 0 : i32
      %dma_wait3A_1040 = arith.constant 0 : i32
      %dma_wait3A_1041 = arith.constant 0 : i32
      %dma_wait3A_1042 = tpu.memref_slice %arg6[%dma_wait3A_1026, %dma_wait3A_1039, %dma_wait3A_1040, %dma_wait3A_1041] : memref<8x8x8x128xf32, #tpu.memory_space<vmem>> -> memref<1x8x8x128xf32, #tpu.memory_space<vmem>>
      %dma_wait3A_1043 = tpu.memref_squeeze %dma_wait3A_1042 : memref<1x8x8x128xf32, #tpu.memory_space<vmem>> -> memref<8x8x128xf32, #tpu.memory_space<vmem>>
      %dma_wait3A_1044 = arith.constant 0 : i32
      %dma_wait3A_1045 = arith.constant 0 : i32
      %dma_wait3A_1046 = arith.constant 0 : i32
      %dma_wait3A_1047 = tpu.memref_slice %arg3[%dma_wait3A_1044, %dma_wait3A_1045, %dma_wait3A_1046] : memref<8x8x1000000xf32, #tpu.memory_space<hbm>> -> memref<8x8x128xf32, #tpu.memory_space<hbm>>
      tpu.wait_dma2 semaphore(%dma_wait3A_1038 : memref<!tpu.dma_semaphore, #tpu.memory_space<semaphore_mem>>) src(%dma_wait3A_1047 : memref<8x8x128xf32, #tpu.memory_space<hbm>>) dst(%dma_wait3A_1043 : memref<8x8x128xf32, #tpu.memory_space<vmem>>)
      %broadcast_in_dim3A_1048 = arith.constant 0 : i32
      %broadcast_in_dim3A_1049 = vector.broadcast %broadcast_in_dim3A_1048 : i32 to vector<16xi32>
      %add3A_1050 = vector.broadcast %select_n3A_1021 : i32 to vector<16xi32>
      %add3A_1051 = arith.addi %broadcast_in_dim3A_1049, %add3A_1050 : vector<16xi32>
      %broadcast_in_dim3A_1052 = arith.constant 0 : i32
      %broadcast_in_dim3A_1053 = vector.broadcast %broadcast_in_dim3A_1052 : i32 to vector<16xi32>
      %add3A_1054 = vector.broadcast %sub3A_1025 : i32 to vector<16xi32>
      %add3A_1055 = arith.addi %broadcast_in_dim3A_1053, %add3A_1054 : vector<16xi32>
      %broadcast_in_dim3A_1056 = arith.constant 0 : i32
      %broadcast_in_dim3A_1057 = vector.broadcast %broadcast_in_dim3A_1056 : i32 to vector<16xi32>
      %add3A_1058 = arith.constant 2 : i32
      %add3A_1059 = vector.broadcast %add3A_1058 : i32 to vector<16xi32>
      %add3A_1060 = arith.addi %broadcast_in_dim3A_1057, %add3A_1059 : vector<16xi32>
      %add3A_1061 = arith.constant 0 : i32
      %add3A_1062 = vector.broadcast %add3A_1061 : i32 to vector<16xi32>
      %add3A_1063 = arith.addi %select_n3A, %add3A_1062 : vector<16xi32>
      %gather3A_1064 = tpu.vector_load_idx %arg6[%add3A_1060, %add3A_1063, %select_n3A_45, %add3A_1051] : memref<8x8x8x128xf32, #tpu.memory_space<vmem>>[vector<16xi32>, vector<16xi32>, vector<16xi32>, vector<16xi32>], vector<16xf32>,
      %add3A_1065 = arith.constant 0 : i32
      %add3A_1066 = vector.broadcast %add3A_1065 : i32 to vector<16xi32>
      %add3A_1067 = arith.addi %iota3A, %add3A_1066 : vector<16xi32>
      tpu.vector_store_idx %arg7[%add3A_1067, %add3A_1055], %gather3A_1064 : memref<64x512xf32, #tpu.memory_space<vmem>>[vector<16xi32>, vector<16xi32>], vector<16xf32>,
      %add3A_1068 = arith.constant 2 : i32
      %add3A_1069 = vector.broadcast %add3A_1068 : i32 to vector<16xi32>
      %add3A_1070 = arith.addi %select_n3A, %add3A_1069 : vector<16xi32>
      %gather3A_1071 = tpu.vector_load_idx %arg6[%add3A_1060, %add3A_1070, %select_n3A_45, %add3A_1051] : memref<8x8x8x128xf32, #tpu.memory_space<vmem>>[vector<16xi32>, vector<16xi32>, vector<16xi32>, vector<16xi32>], vector<16xf32>,
      %add3A_1072 = arith.constant 16 : i32
      %add3A_1073 = vector.broadcast %add3A_1072 : i32 to vector<16xi32>
      %add3A_1074 = arith.addi %iota3A, %add3A_1073 : vector<16xi32>
      tpu.vector_store_idx %arg7[%add3A_1074, %add3A_1055], %gather3A_1071 : memref<64x512xf32, #tpu.memory_space<vmem>>[vector<16xi32>, vector<16xi32>], vector<16xf32>,
      %add3A_1075 = arith.constant 4 : i32
      %add3A_1076 = vector.broadcast %add3A_1075 : i32 to vector<16xi32>
      %add3A_1077 = arith.addi %select_n3A, %add3A_1076 : vector<16xi32>
      %gather3A_1078 = tpu.vector_load_idx %arg6[%add3A_1060, %add3A_1077, %select_n3A_45, %add3A_1051] : memref<8x8x8x128xf32, #tpu.memory_space<vmem>>[vector<16xi32>, vector<16xi32>, vector<16xi32>, vector<16xi32>], vector<16xf32>,
      %add3A_1079 = arith.constant 32 : i32
      %add3A_1080 = vector.broadcast %add3A_1079 : i32 to vector<16xi32>
      %add3A_1081 = arith.addi %iota3A, %add3A_1080 : vector<16xi32>
      tpu.vector_store_idx %arg7[%add3A_1081, %add3A_1055], %gather3A_1078 : memref<64x512xf32, #tpu.memory_space<vmem>>[vector<16xi32>, vector<16xi32>], vector<16xf32>,
      %add3A_1082 = arith.constant 6 : i32
      %add3A_1083 = vector.broadcast %add3A_1082 : i32 to vector<16xi32>
      %add3A_1084 = arith.addi %select_n3A, %add3A_1083 : vector<16xi32>
      %gather3A_1085 = tpu.vector_load_idx %arg6[%add3A_1060, %add3A_1084, %select_n3A_45, %add3A_1051] : memref<8x8x8x128xf32, #tpu.memory_space<vmem>>[vector<16xi32>, vector<16xi32>, vector<16xi32>, vector<16xi32>], vector<16xf32>,
      %add3A_1086 = arith.constant 48 : i32
      %add3A_1087 = vector.broadcast %add3A_1086 : i32 to vector<16xi32>
      %add3A_1088 = arith.addi %iota3A, %add3A_1087 : vector<16xi32>
      tpu.vector_store_idx %arg7[%add3A_1088, %add3A_1055], %gather3A_1085 : memref<64x512xf32, #tpu.memory_space<vmem>>[vector<16xi32>, vector<16xi32>], vector<16xf32>,
      %slice3A_1089 = vector.extract_strided_slice %and3A_587 {offsets = [10], sizes = [1], strides = [1]} : vector<16xi32> to vector<1xi32>
      %squeeze3A_1090 = vector.extract %slice3A_1089[0] : i32 from vector<1xi32>
      %multiple_of3A_1091 = tpu.assume_multiple %squeeze3A_1090, 128 : i32
      %dma_start3A_1092 = arith.constant 2 : i32
      %dma_start3A_1093 = arith.constant 2 : i32
      %dma_start3A_1094 = arith.constant 0 : i32
      %dma_start3A_1095 = arith.constant 0 : i32
      %dma_start3A_1096 = arith.constant 0 : i32
      %dma_start3A_1097 = tpu.memref_slice %arg6[%dma_start3A_1092, %dma_start3A_1094, %dma_start3A_1095, %dma_start3A_1096] : memref<8x8x8x128xf32, #tpu.memory_space<vmem>> -> memref<1x8x8x128xf32, #tpu.memory_space<vmem>>
      %dma_start3A_1098 = tpu.memref_squeeze %dma_start3A_1097 : memref<1x8x8x128xf32, #tpu.memory_space<vmem>> -> memref<8x8x128xf32, #tpu.memory_space<vmem>>
      %dma_start3A_1099 = arith.constant 0 : i32
      %dma_start3A_1100 = arith.constant 0 : i32
      %dma_start3A_1101 = tpu.memref_slice %arg3[%dma_start3A_1099, %dma_start3A_1100, %multiple_of3A_1091] : memref<8x8x1000000xf32, #tpu.memory_space<hbm>> -> memref<8x8x128xf32, #tpu.memory_space<hbm>>
      %dma_start3A_1102 = tpu.memref_slice %arg8[%dma_start3A_1093] : memref<8x!tpu.dma_semaphore, #tpu.memory_space<semaphore_mem>> -> memref<1x!tpu.dma_semaphore, #tpu.memory_space<semaphore_mem>>
      %dma_start3A_1103 = tpu.memref_squeeze %dma_start3A_1102 : memref<1x!tpu.dma_semaphore, #tpu.memory_space<semaphore_mem>> -> memref<!tpu.dma_semaphore, #tpu.memory_space<semaphore_mem>>
      %dma_start3A_1104 = arith.constant 0 : i32
      %dma_start3A_1105 = arith.constant 0 : i32
      %dma_start3A_1106 = arith.constant 0 : i32
      %dma_start3A_1107 = tpu.memref_slice %arg6[%dma_start3A_1092, %dma_start3A_1104, %dma_start3A_1105, %dma_start3A_1106] : memref<8x8x8x128xf32, #tpu.memory_space<vmem>> -> memref<1x8x8x128xf32, #tpu.memory_space<vmem>>
      %dma_start3A_1108 = tpu.memref_squeeze %dma_start3A_1107 : memref<1x8x8x128xf32, #tpu.memory_space<vmem>> -> memref<8x8x128xf32, #tpu.memory_space<vmem>>
      %dma_start3A_1109 = arith.constant 0 : i32
      %dma_start3A_1110 = arith.constant 0 : i32
      %dma_start3A_1111 = tpu.memref_slice %arg3[%dma_start3A_1109, %dma_start3A_1110, %multiple_of3A_1091] : memref<8x8x1000000xf32, #tpu.memory_space<hbm>> -> memref<8x8x128xf32, #tpu.memory_space<hbm>>
      tpu.enqueue_dma source(%dma_start3A_1111 : memref<8x8x128xf32, #tpu.memory_space<hbm>>) target(%dma_start3A_1108 : memref<8x8x128xf32, #tpu.memory_space<vmem>>) target_semaphore(%dma_start3A_1103 : memref<!tpu.dma_semaphore, #tpu.memory_space<semaphore_mem>>)
      %gt3A_1112 = arith.constant 0 : i32
      %gt3A_1113 = arith.cmpi sgt, %scan3A_579, %gt3A_1112 : i32
      %slice3A_1114 = vector.extract_strided_slice %and3A_595 {offsets = [11], sizes = [1], strides = [1]} : vector<16xi32> to vector<1xi32>
      %squeeze3A_1115 = vector.extract %slice3A_1114[0] : i32 from vector<1xi32>
      %slice3A_1116 = vector.extract_strided_slice %get3A_584 {offsets = [3], sizes = [1], strides = [1]} : vector<16xi32> to vector<1xi32>
      %squeeze3A_1117 = vector.extract %slice3A_1116[0] : i32 from vector<1xi32>
      %and3A_1118 = arith.constant 127 : i32
      %and3A_1119 = arith.andi %squeeze3A_1117, %and3A_1118 : i32
      %select_n3A_1120 = arith.select %gt3A_1113, %squeeze3A_1115, %and3A_1119 : i32
      %add3A_1121 = arith.constant 11 : i32
      %add3A_1122 = arith.addi %mul3A_582, %add3A_1121 : i32
      %sub3A_1123 = arith.constant 8 : i32
      %sub3A_1124 = arith.subi %add3A_1122, %sub3A_1123 : i32
      %dma_wait3A_1125 = arith.constant 3 : i32
      %dma_wait3A_1126 = arith.constant 3 : i32
      %dma_wait3A_1127 = arith.constant 0 : i32
      %dma_wait3A_1128 = arith.constant 0 : i32
      %dma_wait3A_1129 = arith.constant 0 : i32
      %dma_wait3A_1130 = tpu.memref_slice %arg6[%dma_wait3A_1125, %dma_wait3A_1127, %dma_wait3A_1128, %dma_wait3A_1129] : memref<8x8x8x128xf32, #tpu.memory_space<vmem>> -> memref<1x8x8x128xf32, #tpu.memory_space<vmem>>
      %dma_wait3A_1131 = tpu.memref_squeeze %dma_wait3A_1130 : memref<1x8x8x128xf32, #tpu.memory_space<vmem>> -> memref<8x8x128xf32, #tpu.memory_space<vmem>>
      %dma_wait3A_1132 = arith.constant 0 : i32
      %dma_wait3A_1133 = arith.constant 0 : i32
      %dma_wait3A_1134 = arith.constant 0 : i32
      %dma_wait3A_1135 = tpu.memref_slice %arg3[%dma_wait3A_1132, %dma_wait3A_1133, %dma_wait3A_1134] : memref<8x8x1000000xf32, #tpu.memory_space<hbm>> -> memref<8x8x128xf32, #tpu.memory_space<hbm>>
      %dma_wait3A_1136 = tpu.memref_slice %arg8[%dma_wait3A_1126] : memref<8x!tpu.dma_semaphore, #tpu.memory_space<semaphore_mem>> -> memref<1x!tpu.dma_semaphore, #tpu.memory_space<semaphore_mem>>
      %dma_wait3A_1137 = tpu.memref_squeeze %dma_wait3A_1136 : memref<1x!tpu.dma_semaphore, #tpu.memory_space<semaphore_mem>> -> memref<!tpu.dma_semaphore, #tpu.memory_space<semaphore_mem>>
      %dma_wait3A_1138 = arith.constant 0 : i32
      %dma_wait3A_1139 = arith.constant 0 : i32
      %dma_wait3A_1140 = arith.constant 0 : i32
      %dma_wait3A_1141 = tpu.memref_slice %arg6[%dma_wait3A_1125, %dma_wait3A_1138, %dma_wait3A_1139, %dma_wait3A_1140] : memref<8x8x8x128xf32, #tpu.memory_space<vmem>> -> memref<1x8x8x128xf32, #tpu.memory_space<vmem>>
      %dma_wait3A_1142 = tpu.memref_squeeze %dma_wait3A_1141 : memref<1x8x8x128xf32, #tpu.memory_space<vmem>> -> memref<8x8x128xf32, #tpu.memory_space<vmem>>
      %dma_wait3A_1143 = arith.constant 0 : i32
      %dma_wait3A_1144 = arith.constant 0 : i32
      %dma_wait3A_1145 = arith.constant 0 : i32
      %dma_wait3A_1146 = tpu.memref_slice %arg3[%dma_wait3A_1143, %dma_wait3A_1144, %dma_wait3A_1145] : memref<8x8x1000000xf32, #tpu.memory_space<hbm>> -> memref<8x8x128xf32, #tpu.memory_space<hbm>>
      tpu.wait_dma2 semaphore(%dma_wait3A_1137 : memref<!tpu.dma_semaphore, #tpu.memory_space<semaphore_mem>>) src(%dma_wait3A_1146 : memref<8x8x128xf32, #tpu.memory_space<hbm>>) dst(%dma_wait3A_1142 : memref<8x8x128xf32, #tpu.memory_space<vmem>>)
      %broadcast_in_dim3A_1147 = arith.constant 0 : i32
      %broadcast_in_dim3A_1148 = vector.broadcast %broadcast_in_dim3A_1147 : i32 to vector<16xi32>
      %add3A_1149 = vector.broadcast %select_n3A_1120 : i32 to vector<16xi32>
      %add3A_1150 = arith.addi %broadcast_in_dim3A_1148, %add3A_1149 : vector<16xi32>
      %broadcast_in_dim3A_1151 = arith.constant 0 : i32
      %broadcast_in_dim3A_1152 = vector.broadcast %broadcast_in_dim3A_1151 : i32 to vector<16xi32>
      %add3A_1153 = vector.broadcast %sub3A_1124 : i32 to vector<16xi32>
      %add3A_1154 = arith.addi %broadcast_in_dim3A_1152, %add3A_1153 : vector<16xi32>
      %broadcast_in_dim3A_1155 = arith.constant 0 : i32
      %broadcast_in_dim3A_1156 = vector.broadcast %broadcast_in_dim3A_1155 : i32 to vector<16xi32>
      %add3A_1157 = arith.constant 3 : i32
      %add3A_1158 = vector.broadcast %add3A_1157 : i32 to vector<16xi32>
      %add3A_1159 = arith.addi %broadcast_in_dim3A_1156, %add3A_1158 : vector<16xi32>
      %add3A_1160 = arith.constant 0 : i32
      %add3A_1161 = vector.broadcast %add3A_1160 : i32 to vector<16xi32>
      %add3A_1162 = arith.addi %select_n3A, %add3A_1161 : vector<16xi32>
      %gather3A_1163 = tpu.vector_load_idx %arg6[%add3A_1159, %add3A_1162, %select_n3A_45, %add3A_1150] : memref<8x8x8x128xf32, #tpu.memory_space<vmem>>[vector<16xi32>, vector<16xi32>, vector<16xi32>, vector<16xi32>], vector<16xf32>,
      %add3A_1164 = arith.constant 0 : i32
      %add3A_1165 = vector.broadcast %add3A_1164 : i32 to vector<16xi32>
      %add3A_1166 = arith.addi %iota3A, %add3A_1165 : vector<16xi32>
      tpu.vector_store_idx %arg7[%add3A_1166, %add3A_1154], %gather3A_1163 : memref<64x512xf32, #tpu.memory_space<vmem>>[vector<16xi32>, vector<16xi32>], vector<16xf32>,
      %add3A_1167 = arith.constant 2 : i32
      %add3A_1168 = vector.broadcast %add3A_1167 : i32 to vector<16xi32>
      %add3A_1169 = arith.addi %select_n3A, %add3A_1168 : vector<16xi32>
      %gather3A_1170 = tpu.vector_load_idx %arg6[%add3A_1159, %add3A_1169, %select_n3A_45, %add3A_1150] : memref<8x8x8x128xf32, #tpu.memory_space<vmem>>[vector<16xi32>, vector<16xi32>, vector<16xi32>, vector<16xi32>], vector<16xf32>,
      %add3A_1171 = arith.constant 16 : i32
      %add3A_1172 = vector.broadcast %add3A_1171 : i32 to vector<16xi32>
      %add3A_1173 = arith.addi %iota3A, %add3A_1172 : vector<16xi32>
      tpu.vector_store_idx %arg7[%add3A_1173, %add3A_1154], %gather3A_1170 : memref<64x512xf32, #tpu.memory_space<vmem>>[vector<16xi32>, vector<16xi32>], vector<16xf32>,
      %add3A_1174 = arith.constant 4 : i32
      %add3A_1175 = vector.broadcast %add3A_1174 : i32 to vector<16xi32>
      %add3A_1176 = arith.addi %select_n3A, %add3A_1175 : vector<16xi32>
      %gather3A_1177 = tpu.vector_load_idx %arg6[%add3A_1159, %add3A_1176, %select_n3A_45, %add3A_1150] : memref<8x8x8x128xf32, #tpu.memory_space<vmem>>[vector<16xi32>, vector<16xi32>, vector<16xi32>, vector<16xi32>], vector<16xf32>,
      %add3A_1178 = arith.constant 32 : i32
      %add3A_1179 = vector.broadcast %add3A_1178 : i32 to vector<16xi32>
      %add3A_1180 = arith.addi %iota3A, %add3A_1179 : vector<16xi32>
      tpu.vector_store_idx %arg7[%add3A_1180, %add3A_1154], %gather3A_1177 : memref<64x512xf32, #tpu.memory_space<vmem>>[vector<16xi32>, vector<16xi32>], vector<16xf32>,
      %add3A_1181 = arith.constant 6 : i32
      %add3A_1182 = vector.broadcast %add3A_1181 : i32 to vector<16xi32>
      %add3A_1183 = arith.addi %select_n3A, %add3A_1182 : vector<16xi32>
      %gather3A_1184 = tpu.vector_load_idx %arg6[%add3A_1159, %add3A_1183, %select_n3A_45, %add3A_1150] : memref<8x8x8x128xf32, #tpu.memory_space<vmem>>[vector<16xi32>, vector<16xi32>, vector<16xi32>, vector<16xi32>], vector<16xf32>,
      %add3A_1185 = arith.constant 48 : i32
      %add3A_1186 = vector.broadcast %add3A_1185 : i32 to vector<16xi32>
      %add3A_1187 = arith.addi %iota3A, %add3A_1186 : vector<16xi32>
      tpu.vector_store_idx %arg7[%add3A_1187, %add3A_1154], %gather3A_1184 : memref<64x512xf32, #tpu.memory_space<vmem>>[vector<16xi32>, vector<16xi32>], vector<16xf32>,
      %slice3A_1188 = vector.extract_strided_slice %and3A_587 {offsets = [11], sizes = [1], strides = [1]} : vector<16xi32> to vector<1xi32>
      %squeeze3A_1189 = vector.extract %slice3A_1188[0] : i32 from vector<1xi32>
      %multiple_of3A_1190 = tpu.assume_multiple %squeeze3A_1189, 128 : i32
      %dma_start3A_1191 = arith.constant 3 : i32
      %dma_start3A_1192 = arith.constant 3 : i32
      %dma_start3A_1193 = arith.constant 0 : i32
      %dma_start3A_1194 = arith.constant 0 : i32
      %dma_start3A_1195 = arith.constant 0 : i32
      %dma_start3A_1196 = tpu.memref_slice %arg6[%dma_start3A_1191, %dma_start3A_1193, %dma_start3A_1194, %dma_start3A_1195] : memref<8x8x8x128xf32, #tpu.memory_space<vmem>> -> memref<1x8x8x128xf32, #tpu.memory_space<vmem>>
      %dma_start3A_1197 = tpu.memref_squeeze %dma_start3A_1196 : memref<1x8x8x128xf32, #tpu.memory_space<vmem>> -> memref<8x8x128xf32, #tpu.memory_space<vmem>>
      %dma_start3A_1198 = arith.constant 0 : i32
      %dma_start3A_1199 = arith.constant 0 : i32
      %dma_start3A_1200 = tpu.memref_slice %arg3[%dma_start3A_1198, %dma_start3A_1199, %multiple_of3A_1190] : memref<8x8x1000000xf32, #tpu.memory_space<hbm>> -> memref<8x8x128xf32, #tpu.memory_space<hbm>>
      %dma_start3A_1201 = tpu.memref_slice %arg8[%dma_start3A_1192] : memref<8x!tpu.dma_semaphore, #tpu.memory_space<semaphore_mem>> -> memref<1x!tpu.dma_semaphore, #tpu.memory_space<semaphore_mem>>
      %dma_start3A_1202 = tpu.memref_squeeze %dma_start3A_1201 : memref<1x!tpu.dma_semaphore, #tpu.memory_space<semaphore_mem>> -> memref<!tpu.dma_semaphore, #tpu.memory_space<semaphore_mem>>
      %dma_start3A_1203 = arith.constant 0 : i32
      %dma_start3A_1204 = arith.constant 0 : i32
      %dma_start3A_1205 = arith.constant 0 : i32
      %dma_start3A_1206 = tpu.memref_slice %arg6[%dma_start3A_1191, %dma_start3A_1203, %dma_start3A_1204, %dma_start3A_1205] : memref<8x8x8x128xf32, #tpu.memory_space<vmem>> -> memref<1x8x8x128xf32, #tpu.memory_space<vmem>>
      %dma_start3A_1207 = tpu.memref_squeeze %dma_start3A_1206 : memref<1x8x8x128xf32, #tpu.memory_space<vmem>> -> memref<8x8x128xf32, #tpu.memory_space<vmem>>
      %dma_start3A_1208 = arith.constant 0 : i32
      %dma_start3A_1209 = arith.constant 0 : i32
      %dma_start3A_1210 = tpu.memref_slice %arg3[%dma_start3A_1208, %dma_start3A_1209, %multiple_of3A_1190] : memref<8x8x1000000xf32, #tpu.memory_space<hbm>> -> memref<8x8x128xf32, #tpu.memory_space<hbm>>
      tpu.enqueue_dma source(%dma_start3A_1210 : memref<8x8x128xf32, #tpu.memory_space<hbm>>) target(%dma_start3A_1207 : memref<8x8x128xf32, #tpu.memory_space<vmem>>) target_semaphore(%dma_start3A_1202 : memref<!tpu.dma_semaphore, #tpu.memory_space<semaphore_mem>>)
      %gt3A_1211 = arith.constant 0 : i32
      %gt3A_1212 = arith.cmpi sgt, %scan3A_579, %gt3A_1211 : i32
      %slice3A_1213 = vector.extract_strided_slice %and3A_595 {offsets = [12], sizes = [1], strides = [1]} : vector<16xi32> to vector<1xi32>
      %squeeze3A_1214 = vector.extract %slice3A_1213[0] : i32 from vector<1xi32>
      %slice3A_1215 = vector.extract_strided_slice %get3A_584 {offsets = [4], sizes = [1], strides = [1]} : vector<16xi32> to vector<1xi32>
      %squeeze3A_1216 = vector.extract %slice3A_1215[0] : i32 from vector<1xi32>
      %and3A_1217 = arith.constant 127 : i32
      %and3A_1218 = arith.andi %squeeze3A_1216, %and3A_1217 : i32
      %select_n3A_1219 = arith.select %gt3A_1212, %squeeze3A_1214, %and3A_1218 : i32
      %add3A_1220 = arith.constant 12 : i32
      %add3A_1221 = arith.addi %mul3A_582, %add3A_1220 : i32
      %sub3A_1222 = arith.constant 8 : i32
      %sub3A_1223 = arith.subi %add3A_1221, %sub3A_1222 : i32
      %dma_wait3A_1224 = arith.constant 4 : i32
      %dma_wait3A_1225 = arith.constant 4 : i32
      %dma_wait3A_1226 = arith.constant 0 : i32
      %dma_wait3A_1227 = arith.constant 0 : i32
      %dma_wait3A_1228 = arith.constant 0 : i32
      %dma_wait3A_1229 = tpu.memref_slice %arg6[%dma_wait3A_1224, %dma_wait3A_1226, %dma_wait3A_1227, %dma_wait3A_1228] : memref<8x8x8x128xf32, #tpu.memory_space<vmem>> -> memref<1x8x8x128xf32, #tpu.memory_space<vmem>>
      %dma_wait3A_1230 = tpu.memref_squeeze %dma_wait3A_1229 : memref<1x8x8x128xf32, #tpu.memory_space<vmem>> -> memref<8x8x128xf32, #tpu.memory_space<vmem>>
      %dma_wait3A_1231 = arith.constant 0 : i32
      %dma_wait3A_1232 = arith.constant 0 : i32
      %dma_wait3A_1233 = arith.constant 0 : i32
      %dma_wait3A_1234 = tpu.memref_slice %arg3[%dma_wait3A_1231, %dma_wait3A_1232, %dma_wait3A_1233] : memref<8x8x1000000xf32, #tpu.memory_space<hbm>> -> memref<8x8x128xf32, #tpu.memory_space<hbm>>
      %dma_wait3A_1235 = tpu.memref_slice %arg8[%dma_wait3A_1225] : memref<8x!tpu.dma_semaphore, #tpu.memory_space<semaphore_mem>> -> memref<1x!tpu.dma_semaphore, #tpu.memory_space<semaphore_mem>>
      %dma_wait3A_1236 = tpu.memref_squeeze %dma_wait3A_1235 : memref<1x!tpu.dma_semaphore, #tpu.memory_space<semaphore_mem>> -> memref<!tpu.dma_semaphore, #tpu.memory_space<semaphore_mem>>
      %dma_wait3A_1237 = arith.constant 0 : i32
      %dma_wait3A_1238 = arith.constant 0 : i32
      %dma_wait3A_1239 = arith.constant 0 : i32
      %dma_wait3A_1240 = tpu.memref_slice %arg6[%dma_wait3A_1224, %dma_wait3A_1237, %dma_wait3A_1238, %dma_wait3A_1239] : memref<8x8x8x128xf32, #tpu.memory_space<vmem>> -> memref<1x8x8x128xf32, #tpu.memory_space<vmem>>
      %dma_wait3A_1241 = tpu.memref_squeeze %dma_wait3A_1240 : memref<1x8x8x128xf32, #tpu.memory_space<vmem>> -> memref<8x8x128xf32, #tpu.memory_space<vmem>>
      %dma_wait3A_1242 = arith.constant 0 : i32
      %dma_wait3A_1243 = arith.constant 0 : i32
      %dma_wait3A_1244 = arith.constant 0 : i32
      %dma_wait3A_1245 = tpu.memref_slice %arg3[%dma_wait3A_1242, %dma_wait3A_1243, %dma_wait3A_1244] : memref<8x8x1000000xf32, #tpu.memory_space<hbm>> -> memref<8x8x128xf32, #tpu.memory_space<hbm>>
      tpu.wait_dma2 semaphore(%dma_wait3A_1236 : memref<!tpu.dma_semaphore, #tpu.memory_space<semaphore_mem>>) src(%dma_wait3A_1245 : memref<8x8x128xf32, #tpu.memory_space<hbm>>) dst(%dma_wait3A_1241 : memref<8x8x128xf32, #tpu.memory_space<vmem>>)
      %broadcast_in_dim3A_1246 = arith.constant 0 : i32
      %broadcast_in_dim3A_1247 = vector.broadcast %broadcast_in_dim3A_1246 : i32 to vector<16xi32>
      %add3A_1248 = vector.broadcast %select_n3A_1219 : i32 to vector<16xi32>
      %add3A_1249 = arith.addi %broadcast_in_dim3A_1247, %add3A_1248 : vector<16xi32>
      %broadcast_in_dim3A_1250 = arith.constant 0 : i32
      %broadcast_in_dim3A_1251 = vector.broadcast %broadcast_in_dim3A_1250 : i32 to vector<16xi32>
      %add3A_1252 = vector.broadcast %sub3A_1223 : i32 to vector<16xi32>
      %add3A_1253 = arith.addi %broadcast_in_dim3A_1251, %add3A_1252 : vector<16xi32>
      %broadcast_in_dim3A_1254 = arith.constant 0 : i32
      %broadcast_in_dim3A_1255 = vector.broadcast %broadcast_in_dim3A_1254 : i32 to vector<16xi32>
      %add3A_1256 = arith.constant 4 : i32
      %add3A_1257 = vector.broadcast %add3A_1256 : i32 to vector<16xi32>
      %add3A_1258 = arith.addi %broadcast_in_dim3A_1255, %add3A_1257 : vector<16xi32>
      %add3A_1259 = arith.constant 0 : i32
      %add3A_1260 = vector.broadcast %add3A_1259 : i32 to vector<16xi32>
      %add3A_1261 = arith.addi %select_n3A, %add3A_1260 : vector<16xi32>
      %gather3A_1262 = tpu.vector_load_idx %arg6[%add3A_1258, %add3A_1261, %select_n3A_45, %add3A_1249] : memref<8x8x8x128xf32, #tpu.memory_space<vmem>>[vector<16xi32>, vector<16xi32>, vector<16xi32>, vector<16xi32>], vector<16xf32>,
      %add3A_1263 = arith.constant 0 : i32
      %add3A_1264 = vector.broadcast %add3A_1263 : i32 to vector<16xi32>
      %add3A_1265 = arith.addi %iota3A, %add3A_1264 : vector<16xi32>
      tpu.vector_store_idx %arg7[%add3A_1265, %add3A_1253], %gather3A_1262 : memref<64x512xf32, #tpu.memory_space<vmem>>[vector<16xi32>, vector<16xi32>], vector<16xf32>,
      %add3A_1266 = arith.constant 2 : i32
      %add3A_1267 = vector.broadcast %add3A_1266 : i32 to vector<16xi32>
      %add3A_1268 = arith.addi %select_n3A, %add3A_1267 : vector<16xi32>
      %gather3A_1269 = tpu.vector_load_idx %arg6[%add3A_1258, %add3A_1268, %select_n3A_45, %add3A_1249] : memref<8x8x8x128xf32, #tpu.memory_space<vmem>>[vector<16xi32>, vector<16xi32>, vector<16xi32>, vector<16xi32>], vector<16xf32>,
      %add3A_1270 = arith.constant 16 : i32
      %add3A_1271 = vector.broadcast %add3A_1270 : i32 to vector<16xi32>
      %add3A_1272 = arith.addi %iota3A, %add3A_1271 : vector<16xi32>
      tpu.vector_store_idx %arg7[%add3A_1272, %add3A_1253], %gather3A_1269 : memref<64x512xf32, #tpu.memory_space<vmem>>[vector<16xi32>, vector<16xi32>], vector<16xf32>,
      %add3A_1273 = arith.constant 4 : i32
      %add3A_1274 = vector.broadcast %add3A_1273 : i32 to vector<16xi32>
      %add3A_1275 = arith.addi %select_n3A, %add3A_1274 : vector<16xi32>
      %gather3A_1276 = tpu.vector_load_idx %arg6[%add3A_1258, %add3A_1275, %select_n3A_45, %add3A_1249] : memref<8x8x8x128xf32, #tpu.memory_space<vmem>>[vector<16xi32>, vector<16xi32>, vector<16xi32>, vector<16xi32>], vector<16xf32>,
      %add3A_1277 = arith.constant 32 : i32
      %add3A_1278 = vector.broadcast %add3A_1277 : i32 to vector<16xi32>
      %add3A_1279 = arith.addi %iota3A, %add3A_1278 : vector<16xi32>
      tpu.vector_store_idx %arg7[%add3A_1279, %add3A_1253], %gather3A_1276 : memref<64x512xf32, #tpu.memory_space<vmem>>[vector<16xi32>, vector<16xi32>], vector<16xf32>,
      %add3A_1280 = arith.constant 6 : i32
      %add3A_1281 = vector.broadcast %add3A_1280 : i32 to vector<16xi32>
      %add3A_1282 = arith.addi %select_n3A, %add3A_1281 : vector<16xi32>
      %gather3A_1283 = tpu.vector_load_idx %arg6[%add3A_1258, %add3A_1282, %select_n3A_45, %add3A_1249] : memref<8x8x8x128xf32, #tpu.memory_space<vmem>>[vector<16xi32>, vector<16xi32>, vector<16xi32>, vector<16xi32>], vector<16xf32>,
      %add3A_1284 = arith.constant 48 : i32
      %add3A_1285 = vector.broadcast %add3A_1284 : i32 to vector<16xi32>
      %add3A_1286 = arith.addi %iota3A, %add3A_1285 : vector<16xi32>
      tpu.vector_store_idx %arg7[%add3A_1286, %add3A_1253], %gather3A_1283 : memref<64x512xf32, #tpu.memory_space<vmem>>[vector<16xi32>, vector<16xi32>], vector<16xf32>,
      %slice3A_1287 = vector.extract_strided_slice %and3A_587 {offsets = [12], sizes = [1], strides = [1]} : vector<16xi32> to vector<1xi32>
      %squeeze3A_1288 = vector.extract %slice3A_1287[0] : i32 from vector<1xi32>
      %multiple_of3A_1289 = tpu.assume_multiple %squeeze3A_1288, 128 : i32
      %dma_start3A_1290 = arith.constant 4 : i32
      %dma_start3A_1291 = arith.constant 4 : i32
      %dma_start3A_1292 = arith.constant 0 : i32
      %dma_start3A_1293 = arith.constant 0 : i32
      %dma_start3A_1294 = arith.constant 0 : i32
      %dma_start3A_1295 = tpu.memref_slice %arg6[%dma_start3A_1290, %dma_start3A_1292, %dma_start3A_1293, %dma_start3A_1294] : memref<8x8x8x128xf32, #tpu.memory_space<vmem>> -> memref<1x8x8x128xf32, #tpu.memory_space<vmem>>
      %dma_start3A_1296 = tpu.memref_squeeze %dma_start3A_1295 : memref<1x8x8x128xf32, #tpu.memory_space<vmem>> -> memref<8x8x128xf32, #tpu.memory_space<vmem>>
      %dma_start3A_1297 = arith.constant 0 : i32
      %dma_start3A_1298 = arith.constant 0 : i32
      %dma_start3A_1299 = tpu.memref_slice %arg3[%dma_start3A_1297, %dma_start3A_1298, %multiple_of3A_1289] : memref<8x8x1000000xf32, #tpu.memory_space<hbm>> -> memref<8x8x128xf32, #tpu.memory_space<hbm>>
      %dma_start3A_1300 = tpu.memref_slice %arg8[%dma_start3A_1291] : memref<8x!tpu.dma_semaphore, #tpu.memory_space<semaphore_mem>> -> memref<1x!tpu.dma_semaphore, #tpu.memory_space<semaphore_mem>>
      %dma_start3A_1301 = tpu.memref_squeeze %dma_start3A_1300 : memref<1x!tpu.dma_semaphore, #tpu.memory_space<semaphore_mem>> -> memref<!tpu.dma_semaphore, #tpu.memory_space<semaphore_mem>>
      %dma_start3A_1302 = arith.constant 0 : i32
      %dma_start3A_1303 = arith.constant 0 : i32
      %dma_start3A_1304 = arith.constant 0 : i32
      %dma_start3A_1305 = tpu.memref_slice %arg6[%dma_start3A_1290, %dma_start3A_1302, %dma_start3A_1303, %dma_start3A_1304] : memref<8x8x8x128xf32, #tpu.memory_space<vmem>> -> memref<1x8x8x128xf32, #tpu.memory_space<vmem>>
      %dma_start3A_1306 = tpu.memref_squeeze %dma_start3A_1305 : memref<1x8x8x128xf32, #tpu.memory_space<vmem>> -> memref<8x8x128xf32, #tpu.memory_space<vmem>>
      %dma_start3A_1307 = arith.constant 0 : i32
      %dma_start3A_1308 = arith.constant 0 : i32
      %dma_start3A_1309 = tpu.memref_slice %arg3[%dma_start3A_1307, %dma_start3A_1308, %multiple_of3A_1289] : memref<8x8x1000000xf32, #tpu.memory_space<hbm>> -> memref<8x8x128xf32, #tpu.memory_space<hbm>>
      tpu.enqueue_dma source(%dma_start3A_1309 : memref<8x8x128xf32, #tpu.memory_space<hbm>>) target(%dma_start3A_1306 : memref<8x8x128xf32, #tpu.memory_space<vmem>>) target_semaphore(%dma_start3A_1301 : memref<!tpu.dma_semaphore, #tpu.memory_space<semaphore_mem>>)
      %gt3A_1310 = arith.constant 0 : i32
      %gt3A_1311 = arith.cmpi sgt, %scan3A_579, %gt3A_1310 : i32
      %slice3A_1312 = vector.extract_strided_slice %and3A_595 {offsets = [13], sizes = [1], strides = [1]} : vector<16xi32> to vector<1xi32>
      %squeeze3A_1313 = vector.extract %slice3A_1312[0] : i32 from vector<1xi32>
      %slice3A_1314 = vector.extract_strided_slice %get3A_584 {offsets = [5], sizes = [1], strides = [1]} : vector<16xi32> to vector<1xi32>
      %squeeze3A_1315 = vector.extract %slice3A_1314[0] : i32 from vector<1xi32>
      %and3A_1316 = arith.constant 127 : i32
      %and3A_1317 = arith.andi %squeeze3A_1315, %and3A_1316 : i32
      %select_n3A_1318 = arith.select %gt3A_1311, %squeeze3A_1313, %and3A_1317 : i32
      %add3A_1319 = arith.constant 13 : i32
      %add3A_1320 = arith.addi %mul3A_582, %add3A_1319 : i32
      %sub3A_1321 = arith.constant 8 : i32
      %sub3A_1322 = arith.subi %add3A_1320, %sub3A_1321 : i32
      %dma_wait3A_1323 = arith.constant 5 : i32
      %dma_wait3A_1324 = arith.constant 5 : i32
      %dma_wait3A_1325 = arith.constant 0 : i32
      %dma_wait3A_1326 = arith.constant 0 : i32
      %dma_wait3A_1327 = arith.constant 0 : i32
      %dma_wait3A_1328 = tpu.memref_slice %arg6[%dma_wait3A_1323, %dma_wait3A_1325, %dma_wait3A_1326, %dma_wait3A_1327] : memref<8x8x8x128xf32, #tpu.memory_space<vmem>> -> memref<1x8x8x128xf32, #tpu.memory_space<vmem>>
      %dma_wait3A_1329 = tpu.memref_squeeze %dma_wait3A_1328 : memref<1x8x8x128xf32, #tpu.memory_space<vmem>> -> memref<8x8x128xf32, #tpu.memory_space<vmem>>
      %dma_wait3A_1330 = arith.constant 0 : i32
      %dma_wait3A_1331 = arith.constant 0 : i32
      %dma_wait3A_1332 = arith.constant 0 : i32
      %dma_wait3A_1333 = tpu.memref_slice %arg3[%dma_wait3A_1330, %dma_wait3A_1331, %dma_wait3A_1332] : memref<8x8x1000000xf32, #tpu.memory_space<hbm>> -> memref<8x8x128xf32, #tpu.memory_space<hbm>>
      %dma_wait3A_1334 = tpu.memref_slice %arg8[%dma_wait3A_1324] : memref<8x!tpu.dma_semaphore, #tpu.memory_space<semaphore_mem>> -> memref<1x!tpu.dma_semaphore, #tpu.memory_space<semaphore_mem>>
      %dma_wait3A_1335 = tpu.memref_squeeze %dma_wait3A_1334 : memref<1x!tpu.dma_semaphore, #tpu.memory_space<semaphore_mem>> -> memref<!tpu.dma_semaphore, #tpu.memory_space<semaphore_mem>>
      %dma_wait3A_1336 = arith.constant 0 : i32
      %dma_wait3A_1337 = arith.constant 0 : i32
      %dma_wait3A_1338 = arith.constant 0 : i32
      %dma_wait3A_1339 = tpu.memref_slice %arg6[%dma_wait3A_1323, %dma_wait3A_1336, %dma_wait3A_1337, %dma_wait3A_1338] : memref<8x8x8x128xf32, #tpu.memory_space<vmem>> -> memref<1x8x8x128xf32, #tpu.memory_space<vmem>>
      %dma_wait3A_1340 = tpu.memref_squeeze %dma_wait3A_1339 : memref<1x8x8x128xf32, #tpu.memory_space<vmem>> -> memref<8x8x128xf32, #tpu.memory_space<vmem>>
      %dma_wait3A_1341 = arith.constant 0 : i32
      %dma_wait3A_1342 = arith.constant 0 : i32
      %dma_wait3A_1343 = arith.constant 0 : i32
      %dma_wait3A_1344 = tpu.memref_slice %arg3[%dma_wait3A_1341, %dma_wait3A_1342, %dma_wait3A_1343] : memref<8x8x1000000xf32, #tpu.memory_space<hbm>> -> memref<8x8x128xf32, #tpu.memory_space<hbm>>
      tpu.wait_dma2 semaphore(%dma_wait3A_1335 : memref<!tpu.dma_semaphore, #tpu.memory_space<semaphore_mem>>) src(%dma_wait3A_1344 : memref<8x8x128xf32, #tpu.memory_space<hbm>>) dst(%dma_wait3A_1340 : memref<8x8x128xf32, #tpu.memory_space<vmem>>)
      %broadcast_in_dim3A_1345 = arith.constant 0 : i32
      %broadcast_in_dim3A_1346 = vector.broadcast %broadcast_in_dim3A_1345 : i32 to vector<16xi32>
      %add3A_1347 = vector.broadcast %select_n3A_1318 : i32 to vector<16xi32>
      %add3A_1348 = arith.addi %broadcast_in_dim3A_1346, %add3A_1347 : vector<16xi32>
      %broadcast_in_dim3A_1349 = arith.constant 0 : i32
      %broadcast_in_dim3A_1350 = vector.broadcast %broadcast_in_dim3A_1349 : i32 to vector<16xi32>
      %add3A_1351 = vector.broadcast %sub3A_1322 : i32 to vector<16xi32>
      %add3A_1352 = arith.addi %broadcast_in_dim3A_1350, %add3A_1351 : vector<16xi32>
      %broadcast_in_dim3A_1353 = arith.constant 0 : i32
      %broadcast_in_dim3A_1354 = vector.broadcast %broadcast_in_dim3A_1353 : i32 to vector<16xi32>
      %add3A_1355 = arith.constant 5 : i32
      %add3A_1356 = vector.broadcast %add3A_1355 : i32 to vector<16xi32>
      %add3A_1357 = arith.addi %broadcast_in_dim3A_1354, %add3A_1356 : vector<16xi32>
      %add3A_1358 = arith.constant 0 : i32
      %add3A_1359 = vector.broadcast %add3A_1358 : i32 to vector<16xi32>
      %add3A_1360 = arith.addi %select_n3A, %add3A_1359 : vector<16xi32>
      %gather3A_1361 = tpu.vector_load_idx %arg6[%add3A_1357, %add3A_1360, %select_n3A_45, %add3A_1348] : memref<8x8x8x128xf32, #tpu.memory_space<vmem>>[vector<16xi32>, vector<16xi32>, vector<16xi32>, vector<16xi32>], vector<16xf32>,
      %add3A_1362 = arith.constant 0 : i32
      %add3A_1363 = vector.broadcast %add3A_1362 : i32 to vector<16xi32>
      %add3A_1364 = arith.addi %iota3A, %add3A_1363 : vector<16xi32>
      tpu.vector_store_idx %arg7[%add3A_1364, %add3A_1352], %gather3A_1361 : memref<64x512xf32, #tpu.memory_space<vmem>>[vector<16xi32>, vector<16xi32>], vector<16xf32>,
      %add3A_1365 = arith.constant 2 : i32
      %add3A_1366 = vector.broadcast %add3A_1365 : i32 to vector<16xi32>
      %add3A_1367 = arith.addi %select_n3A, %add3A_1366 : vector<16xi32>
      %gather3A_1368 = tpu.vector_load_idx %arg6[%add3A_1357, %add3A_1367, %select_n3A_45, %add3A_1348] : memref<8x8x8x128xf32, #tpu.memory_space<vmem>>[vector<16xi32>, vector<16xi32>, vector<16xi32>, vector<16xi32>], vector<16xf32>,
      %add3A_1369 = arith.constant 16 : i32
      %add3A_1370 = vector.broadcast %add3A_1369 : i32 to vector<16xi32>
      %add3A_1371 = arith.addi %iota3A, %add3A_1370 : vector<16xi32>
      tpu.vector_store_idx %arg7[%add3A_1371, %add3A_1352], %gather3A_1368 : memref<64x512xf32, #tpu.memory_space<vmem>>[vector<16xi32>, vector<16xi32>], vector<16xf32>,
      %add3A_1372 = arith.constant 4 : i32
      %add3A_1373 = vector.broadcast %add3A_1372 : i32 to vector<16xi32>
      %add3A_1374 = arith.addi %select_n3A, %add3A_1373 : vector<16xi32>
      %gather3A_1375 = tpu.vector_load_idx %arg6[%add3A_1357, %add3A_1374, %select_n3A_45, %add3A_1348] : memref<8x8x8x128xf32, #tpu.memory_space<vmem>>[vector<16xi32>, vector<16xi32>, vector<16xi32>, vector<16xi32>], vector<16xf32>,
      %add3A_1376 = arith.constant 32 : i32
      %add3A_1377 = vector.broadcast %add3A_1376 : i32 to vector<16xi32>
      %add3A_1378 = arith.addi %iota3A, %add3A_1377 : vector<16xi32>
      tpu.vector_store_idx %arg7[%add3A_1378, %add3A_1352], %gather3A_1375 : memref<64x512xf32, #tpu.memory_space<vmem>>[vector<16xi32>, vector<16xi32>], vector<16xf32>,
      %add3A_1379 = arith.constant 6 : i32
      %add3A_1380 = vector.broadcast %add3A_1379 : i32 to vector<16xi32>
      %add3A_1381 = arith.addi %select_n3A, %add3A_1380 : vector<16xi32>
      %gather3A_1382 = tpu.vector_load_idx %arg6[%add3A_1357, %add3A_1381, %select_n3A_45, %add3A_1348] : memref<8x8x8x128xf32, #tpu.memory_space<vmem>>[vector<16xi32>, vector<16xi32>, vector<16xi32>, vector<16xi32>], vector<16xf32>,
      %add3A_1383 = arith.constant 48 : i32
      %add3A_1384 = vector.broadcast %add3A_1383 : i32 to vector<16xi32>
      %add3A_1385 = arith.addi %iota3A, %add3A_1384 : vector<16xi32>
      tpu.vector_store_idx %arg7[%add3A_1385, %add3A_1352], %gather3A_1382 : memref<64x512xf32, #tpu.memory_space<vmem>>[vector<16xi32>, vector<16xi32>], vector<16xf32>,
      %slice3A_1386 = vector.extract_strided_slice %and3A_587 {offsets = [13], sizes = [1], strides = [1]} : vector<16xi32> to vector<1xi32>
      %squeeze3A_1387 = vector.extract %slice3A_1386[0] : i32 from vector<1xi32>
      %multiple_of3A_1388 = tpu.assume_multiple %squeeze3A_1387, 128 : i32
      %dma_start3A_1389 = arith.constant 5 : i32
      %dma_start3A_1390 = arith.constant 5 : i32
      %dma_start3A_1391 = arith.constant 0 : i32
      %dma_start3A_1392 = arith.constant 0 : i32
      %dma_start3A_1393 = arith.constant 0 : i32
      %dma_start3A_1394 = tpu.memref_slice %arg6[%dma_start3A_1389, %dma_start3A_1391, %dma_start3A_1392, %dma_start3A_1393] : memref<8x8x8x128xf32, #tpu.memory_space<vmem>> -> memref<1x8x8x128xf32, #tpu.memory_space<vmem>>
      %dma_start3A_1395 = tpu.memref_squeeze %dma_start3A_1394 : memref<1x8x8x128xf32, #tpu.memory_space<vmem>> -> memref<8x8x128xf32, #tpu.memory_space<vmem>>
      %dma_start3A_1396 = arith.constant 0 : i32
      %dma_start3A_1397 = arith.constant 0 : i32
      %dma_start3A_1398 = tpu.memref_slice %arg3[%dma_start3A_1396, %dma_start3A_1397, %multiple_of3A_1388] : memref<8x8x1000000xf32, #tpu.memory_space<hbm>> -> memref<8x8x128xf32, #tpu.memory_space<hbm>>
      %dma_start3A_1399 = tpu.memref_slice %arg8[%dma_start3A_1390] : memref<8x!tpu.dma_semaphore, #tpu.memory_space<semaphore_mem>> -> memref<1x!tpu.dma_semaphore, #tpu.memory_space<semaphore_mem>>
      %dma_start3A_1400 = tpu.memref_squeeze %dma_start3A_1399 : memref<1x!tpu.dma_semaphore, #tpu.memory_space<semaphore_mem>> -> memref<!tpu.dma_semaphore, #tpu.memory_space<semaphore_mem>>
      %dma_start3A_1401 = arith.constant 0 : i32
      %dma_start3A_1402 = arith.constant 0 : i32
      %dma_start3A_1403 = arith.constant 0 : i32
      %dma_start3A_1404 = tpu.memref_slice %arg6[%dma_start3A_1389, %dma_start3A_1401, %dma_start3A_1402, %dma_start3A_1403] : memref<8x8x8x128xf32, #tpu.memory_space<vmem>> -> memref<1x8x8x128xf32, #tpu.memory_space<vmem>>
      %dma_start3A_1405 = tpu.memref_squeeze %dma_start3A_1404 : memref<1x8x8x128xf32, #tpu.memory_space<vmem>> -> memref<8x8x128xf32, #tpu.memory_space<vmem>>
      %dma_start3A_1406 = arith.constant 0 : i32
      %dma_start3A_1407 = arith.constant 0 : i32
      %dma_start3A_1408 = tpu.memref_slice %arg3[%dma_start3A_1406, %dma_start3A_1407, %multiple_of3A_1388] : memref<8x8x1000000xf32, #tpu.memory_space<hbm>> -> memref<8x8x128xf32, #tpu.memory_space<hbm>>
      tpu.enqueue_dma source(%dma_start3A_1408 : memref<8x8x128xf32, #tpu.memory_space<hbm>>) target(%dma_start3A_1405 : memref<8x8x128xf32, #tpu.memory_space<vmem>>) target_semaphore(%dma_start3A_1400 : memref<!tpu.dma_semaphore, #tpu.memory_space<semaphore_mem>>)
      %gt3A_1409 = arith.constant 0 : i32
      %gt3A_1410 = arith.cmpi sgt, %scan3A_579, %gt3A_1409 : i32
      %slice3A_1411 = vector.extract_strided_slice %and3A_595 {offsets = [14], sizes = [1], strides = [1]} : vector<16xi32> to vector<1xi32>
      %squeeze3A_1412 = vector.extract %slice3A_1411[0] : i32 from vector<1xi32>
      %slice3A_1413 = vector.extract_strided_slice %get3A_584 {offsets = [6], sizes = [1], strides = [1]} : vector<16xi32> to vector<1xi32>
      %squeeze3A_1414 = vector.extract %slice3A_1413[0] : i32 from vector<1xi32>
      %and3A_1415 = arith.constant 127 : i32
      %and3A_1416 = arith.andi %squeeze3A_1414, %and3A_1415 : i32
      %select_n3A_1417 = arith.select %gt3A_1410, %squeeze3A_1412, %and3A_1416 : i32
      %add3A_1418 = arith.constant 14 : i32
      %add3A_1419 = arith.addi %mul3A_582, %add3A_1418 : i32
      %sub3A_1420 = arith.constant 8 : i32
      %sub3A_1421 = arith.subi %add3A_1419, %sub3A_1420 : i32
      %dma_wait3A_1422 = arith.constant 6 : i32
      %dma_wait3A_1423 = arith.constant 6 : i32
      %dma_wait3A_1424 = arith.constant 0 : i32
      %dma_wait3A_1425 = arith.constant 0 : i32
      %dma_wait3A_1426 = arith.constant 0 : i32
      %dma_wait3A_1427 = tpu.memref_slice %arg6[%dma_wait3A_1422, %dma_wait3A_1424, %dma_wait3A_1425, %dma_wait3A_1426] : memref<8x8x8x128xf32, #tpu.memory_space<vmem>> -> memref<1x8x8x128xf32, #tpu.memory_space<vmem>>
      %dma_wait3A_1428 = tpu.memref_squeeze %dma_wait3A_1427 : memref<1x8x8x128xf32, #tpu.memory_space<vmem>> -> memref<8x8x128xf32, #tpu.memory_space<vmem>>
      %dma_wait3A_1429 = arith.constant 0 : i32
      %dma_wait3A_1430 = arith.constant 0 : i32
      %dma_wait3A_1431 = arith.constant 0 : i32
      %dma_wait3A_1432 = tpu.memref_slice %arg3[%dma_wait3A_1429, %dma_wait3A_1430, %dma_wait3A_1431] : memref<8x8x1000000xf32, #tpu.memory_space<hbm>> -> memref<8x8x128xf32, #tpu.memory_space<hbm>>
      %dma_wait3A_1433 = tpu.memref_slice %arg8[%dma_wait3A_1423] : memref<8x!tpu.dma_semaphore, #tpu.memory_space<semaphore_mem>> -> memref<1x!tpu.dma_semaphore, #tpu.memory_space<semaphore_mem>>
      %dma_wait3A_1434 = tpu.memref_squeeze %dma_wait3A_1433 : memref<1x!tpu.dma_semaphore, #tpu.memory_space<semaphore_mem>> -> memref<!tpu.dma_semaphore, #tpu.memory_space<semaphore_mem>>
      %dma_wait3A_1435 = arith.constant 0 : i32
      %dma_wait3A_1436 = arith.constant 0 : i32
      %dma_wait3A_1437 = arith.constant 0 : i32
      %dma_wait3A_1438 = tpu.memref_slice %arg6[%dma_wait3A_1422, %dma_wait3A_1435, %dma_wait3A_1436, %dma_wait3A_1437] : memref<8x8x8x128xf32, #tpu.memory_space<vmem>> -> memref<1x8x8x128xf32, #tpu.memory_space<vmem>>
      %dma_wait3A_1439 = tpu.memref_squeeze %dma_wait3A_1438 : memref<1x8x8x128xf32, #tpu.memory_space<vmem>> -> memref<8x8x128xf32, #tpu.memory_space<vmem>>
      %dma_wait3A_1440 = arith.constant 0 : i32
      %dma_wait3A_1441 = arith.constant 0 : i32
      %dma_wait3A_1442 = arith.constant 0 : i32
      %dma_wait3A_1443 = tpu.memref_slice %arg3[%dma_wait3A_1440, %dma_wait3A_1441, %dma_wait3A_1442] : memref<8x8x1000000xf32, #tpu.memory_space<hbm>> -> memref<8x8x128xf32, #tpu.memory_space<hbm>>
      tpu.wait_dma2 semaphore(%dma_wait3A_1434 : memref<!tpu.dma_semaphore, #tpu.memory_space<semaphore_mem>>) src(%dma_wait3A_1443 : memref<8x8x128xf32, #tpu.memory_space<hbm>>) dst(%dma_wait3A_1439 : memref<8x8x128xf32, #tpu.memory_space<vmem>>)
      %broadcast_in_dim3A_1444 = arith.constant 0 : i32
      %broadcast_in_dim3A_1445 = vector.broadcast %broadcast_in_dim3A_1444 : i32 to vector<16xi32>
      %add3A_1446 = vector.broadcast %select_n3A_1417 : i32 to vector<16xi32>
      %add3A_1447 = arith.addi %broadcast_in_dim3A_1445, %add3A_1446 : vector<16xi32>
      %broadcast_in_dim3A_1448 = arith.constant 0 : i32
      %broadcast_in_dim3A_1449 = vector.broadcast %broadcast_in_dim3A_1448 : i32 to vector<16xi32>
      %add3A_1450 = vector.broadcast %sub3A_1421 : i32 to vector<16xi32>
      %add3A_1451 = arith.addi %broadcast_in_dim3A_1449, %add3A_1450 : vector<16xi32>
      %broadcast_in_dim3A_1452 = arith.constant 0 : i32
      %broadcast_in_dim3A_1453 = vector.broadcast %broadcast_in_dim3A_1452 : i32 to vector<16xi32>
      %add3A_1454 = arith.constant 6 : i32
      %add3A_1455 = vector.broadcast %add3A_1454 : i32 to vector<16xi32>
      %add3A_1456 = arith.addi %broadcast_in_dim3A_1453, %add3A_1455 : vector<16xi32>
      %add3A_1457 = arith.constant 0 : i32
      %add3A_1458 = vector.broadcast %add3A_1457 : i32 to vector<16xi32>
      %add3A_1459 = arith.addi %select_n3A, %add3A_1458 : vector<16xi32>
      %gather3A_1460 = tpu.vector_load_idx %arg6[%add3A_1456, %add3A_1459, %select_n3A_45, %add3A_1447] : memref<8x8x8x128xf32, #tpu.memory_space<vmem>>[vector<16xi32>, vector<16xi32>, vector<16xi32>, vector<16xi32>], vector<16xf32>,
      %add3A_1461 = arith.constant 0 : i32
      %add3A_1462 = vector.broadcast %add3A_1461 : i32 to vector<16xi32>
      %add3A_1463 = arith.addi %iota3A, %add3A_1462 : vector<16xi32>
      tpu.vector_store_idx %arg7[%add3A_1463, %add3A_1451], %gather3A_1460 : memref<64x512xf32, #tpu.memory_space<vmem>>[vector<16xi32>, vector<16xi32>], vector<16xf32>,
      %add3A_1464 = arith.constant 2 : i32
      %add3A_1465 = vector.broadcast %add3A_1464 : i32 to vector<16xi32>
      %add3A_1466 = arith.addi %select_n3A, %add3A_1465 : vector<16xi32>
      %gather3A_1467 = tpu.vector_load_idx %arg6[%add3A_1456, %add3A_1466, %select_n3A_45, %add3A_1447] : memref<8x8x8x128xf32, #tpu.memory_space<vmem>>[vector<16xi32>, vector<16xi32>, vector<16xi32>, vector<16xi32>], vector<16xf32>,
      %add3A_1468 = arith.constant 16 : i32
      %add3A_1469 = vector.broadcast %add3A_1468 : i32 to vector<16xi32>
      %add3A_1470 = arith.addi %iota3A, %add3A_1469 : vector<16xi32>
      tpu.vector_store_idx %arg7[%add3A_1470, %add3A_1451], %gather3A_1467 : memref<64x512xf32, #tpu.memory_space<vmem>>[vector<16xi32>, vector<16xi32>], vector<16xf32>,
      %add3A_1471 = arith.constant 4 : i32
      %add3A_1472 = vector.broadcast %add3A_1471 : i32 to vector<16xi32>
      %add3A_1473 = arith.addi %select_n3A, %add3A_1472 : vector<16xi32>
      %gather3A_1474 = tpu.vector_load_idx %arg6[%add3A_1456, %add3A_1473, %select_n3A_45, %add3A_1447] : memref<8x8x8x128xf32, #tpu.memory_space<vmem>>[vector<16xi32>, vector<16xi32>, vector<16xi32>, vector<16xi32>], vector<16xf32>,
      %add3A_1475 = arith.constant 32 : i32
      %add3A_1476 = vector.broadcast %add3A_1475 : i32 to vector<16xi32>
      %add3A_1477 = arith.addi %iota3A, %add3A_1476 : vector<16xi32>
      tpu.vector_store_idx %arg7[%add3A_1477, %add3A_1451], %gather3A_1474 : memref<64x512xf32, #tpu.memory_space<vmem>>[vector<16xi32>, vector<16xi32>], vector<16xf32>,
      %add3A_1478 = arith.constant 6 : i32
      %add3A_1479 = vector.broadcast %add3A_1478 : i32 to vector<16xi32>
      %add3A_1480 = arith.addi %select_n3A, %add3A_1479 : vector<16xi32>
      %gather3A_1481 = tpu.vector_load_idx %arg6[%add3A_1456, %add3A_1480, %select_n3A_45, %add3A_1447] : memref<8x8x8x128xf32, #tpu.memory_space<vmem>>[vector<16xi32>, vector<16xi32>, vector<16xi32>, vector<16xi32>], vector<16xf32>,
      %add3A_1482 = arith.constant 48 : i32
      %add3A_1483 = vector.broadcast %add3A_1482 : i32 to vector<16xi32>
      %add3A_1484 = arith.addi %iota3A, %add3A_1483 : vector<16xi32>
      tpu.vector_store_idx %arg7[%add3A_1484, %add3A_1451], %gather3A_1481 : memref<64x512xf32, #tpu.memory_space<vmem>>[vector<16xi32>, vector<16xi32>], vector<16xf32>,
      %slice3A_1485 = vector.extract_strided_slice %and3A_587 {offsets = [14], sizes = [1], strides = [1]} : vector<16xi32> to vector<1xi32>
      %squeeze3A_1486 = vector.extract %slice3A_1485[0] : i32 from vector<1xi32>
      %multiple_of3A_1487 = tpu.assume_multiple %squeeze3A_1486, 128 : i32
      %dma_start3A_1488 = arith.constant 6 : i32
      %dma_start3A_1489 = arith.constant 6 : i32
      %dma_start3A_1490 = arith.constant 0 : i32
      %dma_start3A_1491 = arith.constant 0 : i32
      %dma_start3A_1492 = arith.constant 0 : i32
      %dma_start3A_1493 = tpu.memref_slice %arg6[%dma_start3A_1488, %dma_start3A_1490, %dma_start3A_1491, %dma_start3A_1492] : memref<8x8x8x128xf32, #tpu.memory_space<vmem>> -> memref<1x8x8x128xf32, #tpu.memory_space<vmem>>
      %dma_start3A_1494 = tpu.memref_squeeze %dma_start3A_1493 : memref<1x8x8x128xf32, #tpu.memory_space<vmem>> -> memref<8x8x128xf32, #tpu.memory_space<vmem>>
      %dma_start3A_1495 = arith.constant 0 : i32
      %dma_start3A_1496 = arith.constant 0 : i32
      %dma_start3A_1497 = tpu.memref_slice %arg3[%dma_start3A_1495, %dma_start3A_1496, %multiple_of3A_1487] : memref<8x8x1000000xf32, #tpu.memory_space<hbm>> -> memref<8x8x128xf32, #tpu.memory_space<hbm>>
      %dma_start3A_1498 = tpu.memref_slice %arg8[%dma_start3A_1489] : memref<8x!tpu.dma_semaphore, #tpu.memory_space<semaphore_mem>> -> memref<1x!tpu.dma_semaphore, #tpu.memory_space<semaphore_mem>>
      %dma_start3A_1499 = tpu.memref_squeeze %dma_start3A_1498 : memref<1x!tpu.dma_semaphore, #tpu.memory_space<semaphore_mem>> -> memref<!tpu.dma_semaphore, #tpu.memory_space<semaphore_mem>>
      %dma_start3A_1500 = arith.constant 0 : i32
      %dma_start3A_1501 = arith.constant 0 : i32
      %dma_start3A_1502 = arith.constant 0 : i32
      %dma_start3A_1503 = tpu.memref_slice %arg6[%dma_start3A_1488, %dma_start3A_1500, %dma_start3A_1501, %dma_start3A_1502] : memref<8x8x8x128xf32, #tpu.memory_space<vmem>> -> memref<1x8x8x128xf32, #tpu.memory_space<vmem>>
      %dma_start3A_1504 = tpu.memref_squeeze %dma_start3A_1503 : memref<1x8x8x128xf32, #tpu.memory_space<vmem>> -> memref<8x8x128xf32, #tpu.memory_space<vmem>>
      %dma_start3A_1505 = arith.constant 0 : i32
      %dma_start3A_1506 = arith.constant 0 : i32
      %dma_start3A_1507 = tpu.memref_slice %arg3[%dma_start3A_1505, %dma_start3A_1506, %multiple_of3A_1487] : memref<8x8x1000000xf32, #tpu.memory_space<hbm>> -> memref<8x8x128xf32, #tpu.memory_space<hbm>>
      tpu.enqueue_dma source(%dma_start3A_1507 : memref<8x8x128xf32, #tpu.memory_space<hbm>>) target(%dma_start3A_1504 : memref<8x8x128xf32, #tpu.memory_space<vmem>>) target_semaphore(%dma_start3A_1499 : memref<!tpu.dma_semaphore, #tpu.memory_space<semaphore_mem>>)
      %gt3A_1508 = arith.constant 0 : i32
      %gt3A_1509 = arith.cmpi sgt, %scan3A_579, %gt3A_1508 : i32
      %slice3A_1510 = vector.extract_strided_slice %and3A_595 {offsets = [15], sizes = [1], strides = [1]} : vector<16xi32> to vector<1xi32>
      %squeeze3A_1511 = vector.extract %slice3A_1510[0] : i32 from vector<1xi32>
      %slice3A_1512 = vector.extract_strided_slice %get3A_584 {offsets = [7], sizes = [1], strides = [1]} : vector<16xi32> to vector<1xi32>
      %squeeze3A_1513 = vector.extract %slice3A_1512[0] : i32 from vector<1xi32>
      %and3A_1514 = arith.constant 127 : i32
      %and3A_1515 = arith.andi %squeeze3A_1513, %and3A_1514 : i32
      %select_n3A_1516 = arith.select %gt3A_1509, %squeeze3A_1511, %and3A_1515 : i32
      %add3A_1517 = arith.constant 15 : i32
      %add3A_1518 = arith.addi %mul3A_582, %add3A_1517 : i32
      %sub3A_1519 = arith.constant 8 : i32
      %sub3A_1520 = arith.subi %add3A_1518, %sub3A_1519 : i32
      %dma_wait3A_1521 = arith.constant 7 : i32
      %dma_wait3A_1522 = arith.constant 7 : i32
      %dma_wait3A_1523 = arith.constant 0 : i32
      %dma_wait3A_1524 = arith.constant 0 : i32
      %dma_wait3A_1525 = arith.constant 0 : i32
      %dma_wait3A_1526 = tpu.memref_slice %arg6[%dma_wait3A_1521, %dma_wait3A_1523, %dma_wait3A_1524, %dma_wait3A_1525] : memref<8x8x8x128xf32, #tpu.memory_space<vmem>> -> memref<1x8x8x128xf32, #tpu.memory_space<vmem>>
      %dma_wait3A_1527 = tpu.memref_squeeze %dma_wait3A_1526 : memref<1x8x8x128xf32, #tpu.memory_space<vmem>> -> memref<8x8x128xf32, #tpu.memory_space<vmem>>
      %dma_wait3A_1528 = arith.constant 0 : i32
      %dma_wait3A_1529 = arith.constant 0 : i32
      %dma_wait3A_1530 = arith.constant 0 : i32
      %dma_wait3A_1531 = tpu.memref_slice %arg3[%dma_wait3A_1528, %dma_wait3A_1529, %dma_wait3A_1530] : memref<8x8x1000000xf32, #tpu.memory_space<hbm>> -> memref<8x8x128xf32, #tpu.memory_space<hbm>>
      %dma_wait3A_1532 = tpu.memref_slice %arg8[%dma_wait3A_1522] : memref<8x!tpu.dma_semaphore, #tpu.memory_space<semaphore_mem>> -> memref<1x!tpu.dma_semaphore, #tpu.memory_space<semaphore_mem>>
      %dma_wait3A_1533 = tpu.memref_squeeze %dma_wait3A_1532 : memref<1x!tpu.dma_semaphore, #tpu.memory_space<semaphore_mem>> -> memref<!tpu.dma_semaphore, #tpu.memory_space<semaphore_mem>>
      %dma_wait3A_1534 = arith.constant 0 : i32
      %dma_wait3A_1535 = arith.constant 0 : i32
      %dma_wait3A_1536 = arith.constant 0 : i32
      %dma_wait3A_1537 = tpu.memref_slice %arg6[%dma_wait3A_1521, %dma_wait3A_1534, %dma_wait3A_1535, %dma_wait3A_1536] : memref<8x8x8x128xf32, #tpu.memory_space<vmem>> -> memref<1x8x8x128xf32, #tpu.memory_space<vmem>>
      %dma_wait3A_1538 = tpu.memref_squeeze %dma_wait3A_1537 : memref<1x8x8x128xf32, #tpu.memory_space<vmem>> -> memref<8x8x128xf32, #tpu.memory_space<vmem>>
      %dma_wait3A_1539 = arith.constant 0 : i32
      %dma_wait3A_1540 = arith.constant 0 : i32
      %dma_wait3A_1541 = arith.constant 0 : i32
      %dma_wait3A_1542 = tpu.memref_slice %arg3[%dma_wait3A_1539, %dma_wait3A_1540, %dma_wait3A_1541] : memref<8x8x1000000xf32, #tpu.memory_space<hbm>> -> memref<8x8x128xf32, #tpu.memory_space<hbm>>
      tpu.wait_dma2 semaphore(%dma_wait3A_1533 : memref<!tpu.dma_semaphore, #tpu.memory_space<semaphore_mem>>) src(%dma_wait3A_1542 : memref<8x8x128xf32, #tpu.memory_space<hbm>>) dst(%dma_wait3A_1538 : memref<8x8x128xf32, #tpu.memory_space<vmem>>)
      %broadcast_in_dim3A_1543 = arith.constant 0 : i32
      %broadcast_in_dim3A_1544 = vector.broadcast %broadcast_in_dim3A_1543 : i32 to vector<16xi32>
      %add3A_1545 = vector.broadcast %select_n3A_1516 : i32 to vector<16xi32>
      %add3A_1546 = arith.addi %broadcast_in_dim3A_1544, %add3A_1545 : vector<16xi32>
      %broadcast_in_dim3A_1547 = arith.constant 0 : i32
      %broadcast_in_dim3A_1548 = vector.broadcast %broadcast_in_dim3A_1547 : i32 to vector<16xi32>
      %add3A_1549 = vector.broadcast %sub3A_1520 : i32 to vector<16xi32>
      %add3A_1550 = arith.addi %broadcast_in_dim3A_1548, %add3A_1549 : vector<16xi32>
      %broadcast_in_dim3A_1551 = arith.constant 0 : i32
      %broadcast_in_dim3A_1552 = vector.broadcast %broadcast_in_dim3A_1551 : i32 to vector<16xi32>
      %add3A_1553 = arith.constant 7 : i32
      %add3A_1554 = vector.broadcast %add3A_1553 : i32 to vector<16xi32>
      %add3A_1555 = arith.addi %broadcast_in_dim3A_1552, %add3A_1554 : vector<16xi32>
      %add3A_1556 = arith.constant 0 : i32
      %add3A_1557 = vector.broadcast %add3A_1556 : i32 to vector<16xi32>
      %add3A_1558 = arith.addi %select_n3A, %add3A_1557 : vector<16xi32>
      %gather3A_1559 = tpu.vector_load_idx %arg6[%add3A_1555, %add3A_1558, %select_n3A_45, %add3A_1546] : memref<8x8x8x128xf32, #tpu.memory_space<vmem>>[vector<16xi32>, vector<16xi32>, vector<16xi32>, vector<16xi32>], vector<16xf32>,
      %add3A_1560 = arith.constant 0 : i32
      %add3A_1561 = vector.broadcast %add3A_1560 : i32 to vector<16xi32>
      %add3A_1562 = arith.addi %iota3A, %add3A_1561 : vector<16xi32>
      tpu.vector_store_idx %arg7[%add3A_1562, %add3A_1550], %gather3A_1559 : memref<64x512xf32, #tpu.memory_space<vmem>>[vector<16xi32>, vector<16xi32>], vector<16xf32>,
      %add3A_1563 = arith.constant 2 : i32
      %add3A_1564 = vector.broadcast %add3A_1563 : i32 to vector<16xi32>
      %add3A_1565 = arith.addi %select_n3A, %add3A_1564 : vector<16xi32>
      %gather3A_1566 = tpu.vector_load_idx %arg6[%add3A_1555, %add3A_1565, %select_n3A_45, %add3A_1546] : memref<8x8x8x128xf32, #tpu.memory_space<vmem>>[vector<16xi32>, vector<16xi32>, vector<16xi32>, vector<16xi32>], vector<16xf32>,
      %add3A_1567 = arith.constant 16 : i32
      %add3A_1568 = vector.broadcast %add3A_1567 : i32 to vector<16xi32>
      %add3A_1569 = arith.addi %iota3A, %add3A_1568 : vector<16xi32>
      tpu.vector_store_idx %arg7[%add3A_1569, %add3A_1550], %gather3A_1566 : memref<64x512xf32, #tpu.memory_space<vmem>>[vector<16xi32>, vector<16xi32>], vector<16xf32>,
      %add3A_1570 = arith.constant 4 : i32
      %add3A_1571 = vector.broadcast %add3A_1570 : i32 to vector<16xi32>
      %add3A_1572 = arith.addi %select_n3A, %add3A_1571 : vector<16xi32>
      %gather3A_1573 = tpu.vector_load_idx %arg6[%add3A_1555, %add3A_1572, %select_n3A_45, %add3A_1546] : memref<8x8x8x128xf32, #tpu.memory_space<vmem>>[vector<16xi32>, vector<16xi32>, vector<16xi32>, vector<16xi32>], vector<16xf32>,
      %add3A_1574 = arith.constant 32 : i32
      %add3A_1575 = vector.broadcast %add3A_1574 : i32 to vector<16xi32>
      %add3A_1576 = arith.addi %iota3A, %add3A_1575 : vector<16xi32>
      tpu.vector_store_idx %arg7[%add3A_1576, %add3A_1550], %gather3A_1573 : memref<64x512xf32, #tpu.memory_space<vmem>>[vector<16xi32>, vector<16xi32>], vector<16xf32>,
      %add3A_1577 = arith.constant 6 : i32
      %add3A_1578 = vector.broadcast %add3A_1577 : i32 to vector<16xi32>
      %add3A_1579 = arith.addi %select_n3A, %add3A_1578 : vector<16xi32>
      %gather3A_1580 = tpu.vector_load_idx %arg6[%add3A_1555, %add3A_1579, %select_n3A_45, %add3A_1546] : memref<8x8x8x128xf32, #tpu.memory_space<vmem>>[vector<16xi32>, vector<16xi32>, vector<16xi32>, vector<16xi32>], vector<16xf32>,
      %add3A_1581 = arith.constant 48 : i32
      %add3A_1582 = vector.broadcast %add3A_1581 : i32 to vector<16xi32>
      %add3A_1583 = arith.addi %iota3A, %add3A_1582 : vector<16xi32>
      tpu.vector_store_idx %arg7[%add3A_1583, %add3A_1550], %gather3A_1580 : memref<64x512xf32, #tpu.memory_space<vmem>>[vector<16xi32>, vector<16xi32>], vector<16xf32>,
      %slice3A_1584 = vector.extract_strided_slice %and3A_587 {offsets = [15], sizes = [1], strides = [1]} : vector<16xi32> to vector<1xi32>
      %squeeze3A_1585 = vector.extract %slice3A_1584[0] : i32 from vector<1xi32>
      %multiple_of3A_1586 = tpu.assume_multiple %squeeze3A_1585, 128 : i32
      %dma_start3A_1587 = arith.constant 7 : i32
      %dma_start3A_1588 = arith.constant 7 : i32
      %dma_start3A_1589 = arith.constant 0 : i32
      %dma_start3A_1590 = arith.constant 0 : i32
      %dma_start3A_1591 = arith.constant 0 : i32
      %dma_start3A_1592 = tpu.memref_slice %arg6[%dma_start3A_1587, %dma_start3A_1589, %dma_start3A_1590, %dma_start3A_1591] : memref<8x8x8x128xf32, #tpu.memory_space<vmem>> -> memref<1x8x8x128xf32, #tpu.memory_space<vmem>>
      %dma_start3A_1593 = tpu.memref_squeeze %dma_start3A_1592 : memref<1x8x8x128xf32, #tpu.memory_space<vmem>> -> memref<8x8x128xf32, #tpu.memory_space<vmem>>
      %dma_start3A_1594 = arith.constant 0 : i32
      %dma_start3A_1595 = arith.constant 0 : i32
      %dma_start3A_1596 = tpu.memref_slice %arg3[%dma_start3A_1594, %dma_start3A_1595, %multiple_of3A_1586] : memref<8x8x1000000xf32, #tpu.memory_space<hbm>> -> memref<8x8x128xf32, #tpu.memory_space<hbm>>
      %dma_start3A_1597 = tpu.memref_slice %arg8[%dma_start3A_1588] : memref<8x!tpu.dma_semaphore, #tpu.memory_space<semaphore_mem>> -> memref<1x!tpu.dma_semaphore, #tpu.memory_space<semaphore_mem>>
      %dma_start3A_1598 = tpu.memref_squeeze %dma_start3A_1597 : memref<1x!tpu.dma_semaphore, #tpu.memory_space<semaphore_mem>> -> memref<!tpu.dma_semaphore, #tpu.memory_space<semaphore_mem>>
      %dma_start3A_1599 = arith.constant 0 : i32
      %dma_start3A_1600 = arith.constant 0 : i32
      %dma_start3A_1601 = arith.constant 0 : i32
      %dma_start3A_1602 = tpu.memref_slice %arg6[%dma_start3A_1587, %dma_start3A_1599, %dma_start3A_1600, %dma_start3A_1601] : memref<8x8x8x128xf32, #tpu.memory_space<vmem>> -> memref<1x8x8x128xf32, #tpu.memory_space<vmem>>
      %dma_start3A_1603 = tpu.memref_squeeze %dma_start3A_1602 : memref<1x8x8x128xf32, #tpu.memory_space<vmem>> -> memref<8x8x128xf32, #tpu.memory_space<vmem>>
      %dma_start3A_1604 = arith.constant 0 : i32
      %dma_start3A_1605 = arith.constant 0 : i32
      %dma_start3A_1606 = tpu.memref_slice %arg3[%dma_start3A_1604, %dma_start3A_1605, %multiple_of3A_1586] : memref<8x8x1000000xf32, #tpu.memory_space<hbm>> -> memref<8x8x128xf32, #tpu.memory_space<hbm>>
      tpu.enqueue_dma source(%dma_start3A_1606 : memref<8x8x128xf32, #tpu.memory_space<hbm>>) target(%dma_start3A_1603 : memref<8x8x128xf32, #tpu.memory_space<vmem>>) target_semaphore(%dma_start3A_1598 : memref<!tpu.dma_semaphore, #tpu.memory_space<semaphore_mem>>)
      %scan3A_1607 = arith.constant 0 : i32
      scf.yield %scan3A_1607 : i32
    }
    %scan3A_51 = arith.constant 32 : i32
    %get3A = arith.constant 496 : index
    %get3A_52 = tpu.vector_load %arg5[%get3A] {strides = array<i32>} : memref<512xi32, #tpu.memory_space<vmem>>, vector<16xi32>,
    %and3A_53 = arith.constant 127 : i32
    %and3A_54 = vector.broadcast %and3A_53 : i32 to vector<16xi32>
    %and3A_55 = arith.andi %get3A_52, %and3A_54 : vector<16xi32>
    %slice3A = vector.extract_strided_slice %and3A_55 {offsets = [8], sizes = [1], strides = [1]} : vector<16xi32> to vector<1xi32>
    %squeeze3A = vector.extract %slice3A[0] : i32 from vector<1xi32>
    %dma_wait3A = arith.constant 0 : i32
    %dma_wait3A_56 = arith.constant 0 : i32
    %dma_wait3A_57 = arith.constant 0 : i32
    %dma_wait3A_58 = arith.constant 0 : i32
    %dma_wait3A_59 = arith.constant 0 : i32
    %dma_wait3A_60 = tpu.memref_slice %arg6[%dma_wait3A, %dma_wait3A_57, %dma_wait3A_58, %dma_wait3A_59] : memref<8x8x8x128xf32, #tpu.memory_space<vmem>> -> memref<1x8x8x128xf32, #tpu.memory_space<vmem>>
    %dma_wait3A_61 = tpu.memref_squeeze %dma_wait3A_60 : memref<1x8x8x128xf32, #tpu.memory_space<vmem>> -> memref<8x8x128xf32, #tpu.memory_space<vmem>>
    %dma_wait3A_62 = arith.constant 0 : i32
    %dma_wait3A_63 = arith.constant 0 : i32
    %dma_wait3A_64 = arith.constant 0 : i32
    %dma_wait3A_65 = tpu.memref_slice %arg3[%dma_wait3A_62, %dma_wait3A_63, %dma_wait3A_64] : memref<8x8x1000000xf32, #tpu.memory_space<hbm>> -> memref<8x8x128xf32, #tpu.memory_space<hbm>>
    %dma_wait3A_66 = tpu.memref_slice %arg8[%dma_wait3A_56] : memref<8x!tpu.dma_semaphore, #tpu.memory_space<semaphore_mem>> -> memref<1x!tpu.dma_semaphore, #tpu.memory_space<semaphore_mem>>
    %dma_wait3A_67 = tpu.memref_squeeze %dma_wait3A_66 : memref<1x!tpu.dma_semaphore, #tpu.memory_space<semaphore_mem>> -> memref<!tpu.dma_semaphore, #tpu.memory_space<semaphore_mem>>
    %dma_wait3A_68 = arith.constant 0 : i32
    %dma_wait3A_69 = arith.constant 0 : i32
    %dma_wait3A_70 = arith.constant 0 : i32
    %dma_wait3A_71 = tpu.memref_slice %arg6[%dma_wait3A, %dma_wait3A_68, %dma_wait3A_69, %dma_wait3A_70] : memref<8x8x8x128xf32, #tpu.memory_space<vmem>> -> memref<1x8x8x128xf32, #tpu.memory_space<vmem>>
    %dma_wait3A_72 = tpu.memref_squeeze %dma_wait3A_71 : memref<1x8x8x128xf32, #tpu.memory_space<vmem>> -> memref<8x8x128xf32, #tpu.memory_space<vmem>>
    %dma_wait3A_73 = arith.constant 0 : i32
    %dma_wait3A_74 = arith.constant 0 : i32
    %dma_wait3A_75 = arith.constant 0 : i32
    %dma_wait3A_76 = tpu.memref_slice %arg3[%dma_wait3A_73, %dma_wait3A_74, %dma_wait3A_75] : memref<8x8x1000000xf32, #tpu.memory_space<hbm>> -> memref<8x8x128xf32, #tpu.memory_space<hbm>>
    tpu.wait_dma2 semaphore(%dma_wait3A_67 : memref<!tpu.dma_semaphore, #tpu.memory_space<semaphore_mem>>) src(%dma_wait3A_76 : memref<8x8x128xf32, #tpu.memory_space<hbm>>) dst(%dma_wait3A_72 : memref<8x8x128xf32, #tpu.memory_space<vmem>>)
    %broadcast_in_dim3A = arith.constant 0 : i32
    %broadcast_in_dim3A_77 = vector.broadcast %broadcast_in_dim3A : i32 to vector<16xi32>
    %add3A_78 = vector.broadcast %squeeze3A : i32 to vector<16xi32>
    %add3A_79 = arith.addi %broadcast_in_dim3A_77, %add3A_78 : vector<16xi32>
    %broadcast_in_dim3A_80 = arith.constant 0 : i32
    %broadcast_in_dim3A_81 = vector.broadcast %broadcast_in_dim3A_80 : i32 to vector<16xi32>
    %add3A_82 = arith.constant 504 : i32
    %add3A_83 = vector.broadcast %add3A_82 : i32 to vector<16xi32>
    %add3A_84 = arith.addi %broadcast_in_dim3A_81, %add3A_83 : vector<16xi32>
    %broadcast_in_dim3A_85 = arith.constant 0 : i32
    %broadcast_in_dim3A_86 = vector.broadcast %broadcast_in_dim3A_85 : i32 to vector<16xi32>
    %add3A_87 = arith.constant 0 : i32
    %add3A_88 = vector.broadcast %add3A_87 : i32 to vector<16xi32>
    %add3A_89 = arith.addi %broadcast_in_dim3A_86, %add3A_88 : vector<16xi32>
    %add3A_90 = arith.constant 0 : i32
    %add3A_91 = vector.broadcast %add3A_90 : i32 to vector<16xi32>
    %add3A_92 = arith.addi %select_n3A, %add3A_91 : vector<16xi32>
    %gather3A = tpu.vector_load_idx %arg6[%add3A_89, %add3A_92, %select_n3A_45, %add3A_79] : memref<8x8x8x128xf32, #tpu.memory_space<vmem>>[vector<16xi32>, vector<16xi32>, vector<16xi32>, vector<16xi32>], vector<16xf32>,
    %add3A_93 = arith.constant 0 : i32
    %add3A_94 = vector.broadcast %add3A_93 : i32 to vector<16xi32>
    %add3A_95 = arith.addi %iota3A, %add3A_94 : vector<16xi32>
    tpu.vector_store_idx %arg7[%add3A_95, %add3A_84], %gather3A : memref<64x512xf32, #tpu.memory_space<vmem>>[vector<16xi32>, vector<16xi32>], vector<16xf32>,
    %add3A_96 = arith.constant 2 : i32
    %add3A_97 = vector.broadcast %add3A_96 : i32 to vector<16xi32>
    %add3A_98 = arith.addi %select_n3A, %add3A_97 : vector<16xi32>
    %gather3A_99 = tpu.vector_load_idx %arg6[%add3A_89, %add3A_98, %select_n3A_45, %add3A_79] : memref<8x8x8x128xf32, #tpu.memory_space<vmem>>[vector<16xi32>, vector<16xi32>, vector<16xi32>, vector<16xi32>], vector<16xf32>,
    %add3A_100 = arith.constant 16 : i32
    %add3A_101 = vector.broadcast %add3A_100 : i32 to vector<16xi32>
    %add3A_102 = arith.addi %iota3A, %add3A_101 : vector<16xi32>
    tpu.vector_store_idx %arg7[%add3A_102, %add3A_84], %gather3A_99 : memref<64x512xf32, #tpu.memory_space<vmem>>[vector<16xi32>, vector<16xi32>], vector<16xf32>,
    %add3A_103 = arith.constant 4 : i32
    %add3A_104 = vector.broadcast %add3A_103 : i32 to vector<16xi32>
    %add3A_105 = arith.addi %select_n3A, %add3A_104 : vector<16xi32>
    %gather3A_106 = tpu.vector_load_idx %arg6[%add3A_89, %add3A_105, %select_n3A_45, %add3A_79] : memref<8x8x8x128xf32, #tpu.memory_space<vmem>>[vector<16xi32>, vector<16xi32>, vector<16xi32>, vector<16xi32>], vector<16xf32>,
    %add3A_107 = arith.constant 32 : i32
    %add3A_108 = vector.broadcast %add3A_107 : i32 to vector<16xi32>
    %add3A_109 = arith.addi %iota3A, %add3A_108 : vector<16xi32>
    tpu.vector_store_idx %arg7[%add3A_109, %add3A_84], %gather3A_106 : memref<64x512xf32, #tpu.memory_space<vmem>>[vector<16xi32>, vector<16xi32>], vector<16xf32>,
    %add3A_110 = arith.constant 6 : i32
    %add3A_111 = vector.broadcast %add3A_110 : i32 to vector<16xi32>
    %add3A_112 = arith.addi %select_n3A, %add3A_111 : vector<16xi32>
    %gather3A_113 = tpu.vector_load_idx %arg6[%add3A_89, %add3A_112, %select_n3A_45, %add3A_79] : memref<8x8x8x128xf32, #tpu.memory_space<vmem>>[vector<16xi32>, vector<16xi32>, vector<16xi32>, vector<16xi32>], vector<16xf32>,
    %add3A_114 = arith.constant 48 : i32
    %add3A_115 = vector.broadcast %add3A_114 : i32 to vector<16xi32>
    %add3A_116 = arith.addi %iota3A, %add3A_115 : vector<16xi32>
    tpu.vector_store_idx %arg7[%add3A_116, %add3A_84], %gather3A_113 : memref<64x512xf32, #tpu.memory_space<vmem>>[vector<16xi32>, vector<16xi32>], vector<16xf32>,
    %slice3A_117 = vector.extract_strided_slice %and3A_55 {offsets = [9], sizes = [1], strides = [1]} : vector<16xi32> to vector<1xi32>
    %squeeze3A_118 = vector.extract %slice3A_117[0] : i32 from vector<1xi32>
    %dma_wait3A_119 = arith.constant 1 : i32
    %dma_wait3A_120 = arith.constant 1 : i32
    %dma_wait3A_121 = arith.constant 0 : i32
    %dma_wait3A_122 = arith.constant 0 : i32
    %dma_wait3A_123 = arith.constant 0 : i32
    %dma_wait3A_124 = tpu.memref_slice %arg6[%dma_wait3A_119, %dma_wait3A_121, %dma_wait3A_122, %dma_wait3A_123] : memref<8x8x8x128xf32, #tpu.memory_space<vmem>> -> memref<1x8x8x128xf32, #tpu.memory_space<vmem>>
    %dma_wait3A_125 = tpu.memref_squeeze %dma_wait3A_124 : memref<1x8x8x128xf32, #tpu.memory_space<vmem>> -> memref<8x8x128xf32, #tpu.memory_space<vmem>>
    %dma_wait3A_126 = arith.constant 0 : i32
    %dma_wait3A_127 = arith.constant 0 : i32
    %dma_wait3A_128 = arith.constant 0 : i32
    %dma_wait3A_129 = tpu.memref_slice %arg3[%dma_wait3A_126, %dma_wait3A_127, %dma_wait3A_128] : memref<8x8x1000000xf32, #tpu.memory_space<hbm>> -> memref<8x8x128xf32, #tpu.memory_space<hbm>>
    %dma_wait3A_130 = tpu.memref_slice %arg8[%dma_wait3A_120] : memref<8x!tpu.dma_semaphore, #tpu.memory_space<semaphore_mem>> -> memref<1x!tpu.dma_semaphore, #tpu.memory_space<semaphore_mem>>
    %dma_wait3A_131 = tpu.memref_squeeze %dma_wait3A_130 : memref<1x!tpu.dma_semaphore, #tpu.memory_space<semaphore_mem>> -> memref<!tpu.dma_semaphore, #tpu.memory_space<semaphore_mem>>
    %dma_wait3A_132 = arith.constant 0 : i32
    %dma_wait3A_133 = arith.constant 0 : i32
    %dma_wait3A_134 = arith.constant 0 : i32
    %dma_wait3A_135 = tpu.memref_slice %arg6[%dma_wait3A_119, %dma_wait3A_132, %dma_wait3A_133, %dma_wait3A_134] : memref<8x8x8x128xf32, #tpu.memory_space<vmem>> -> memref<1x8x8x128xf32, #tpu.memory_space<vmem>>
    %dma_wait3A_136 = tpu.memref_squeeze %dma_wait3A_135 : memref<1x8x8x128xf32, #tpu.memory_space<vmem>> -> memref<8x8x128xf32, #tpu.memory_space<vmem>>
    %dma_wait3A_137 = arith.constant 0 : i32
    %dma_wait3A_138 = arith.constant 0 : i32
    %dma_wait3A_139 = arith.constant 0 : i32
    %dma_wait3A_140 = tpu.memref_slice %arg3[%dma_wait3A_137, %dma_wait3A_138, %dma_wait3A_139] : memref<8x8x1000000xf32, #tpu.memory_space<hbm>> -> memref<8x8x128xf32, #tpu.memory_space<hbm>>
    tpu.wait_dma2 semaphore(%dma_wait3A_131 : memref<!tpu.dma_semaphore, #tpu.memory_space<semaphore_mem>>) src(%dma_wait3A_140 : memref<8x8x128xf32, #tpu.memory_space<hbm>>) dst(%dma_wait3A_136 : memref<8x8x128xf32, #tpu.memory_space<vmem>>)
    %broadcast_in_dim3A_141 = arith.constant 0 : i32
    %broadcast_in_dim3A_142 = vector.broadcast %broadcast_in_dim3A_141 : i32 to vector<16xi32>
    %add3A_143 = vector.broadcast %squeeze3A_118 : i32 to vector<16xi32>
    %add3A_144 = arith.addi %broadcast_in_dim3A_142, %add3A_143 : vector<16xi32>
    %broadcast_in_dim3A_145 = arith.constant 0 : i32
    %broadcast_in_dim3A_146 = vector.broadcast %broadcast_in_dim3A_145 : i32 to vector<16xi32>
    %add3A_147 = arith.constant 505 : i32
    %add3A_148 = vector.broadcast %add3A_147 : i32 to vector<16xi32>
    %add3A_149 = arith.addi %broadcast_in_dim3A_146, %add3A_148 : vector<16xi32>
    %broadcast_in_dim3A_150 = arith.constant 0 : i32
    %broadcast_in_dim3A_151 = vector.broadcast %broadcast_in_dim3A_150 : i32 to vector<16xi32>
    %add3A_152 = arith.constant 1 : i32
    %add3A_153 = vector.broadcast %add3A_152 : i32 to vector<16xi32>
    %add3A_154 = arith.addi %broadcast_in_dim3A_151, %add3A_153 : vector<16xi32>
    %add3A_155 = arith.constant 0 : i32
    %add3A_156 = vector.broadcast %add3A_155 : i32 to vector<16xi32>
    %add3A_157 = arith.addi %select_n3A, %add3A_156 : vector<16xi32>
    %gather3A_158 = tpu.vector_load_idx %arg6[%add3A_154, %add3A_157, %select_n3A_45, %add3A_144] : memref<8x8x8x128xf32, #tpu.memory_space<vmem>>[vector<16xi32>, vector<16xi32>, vector<16xi32>, vector<16xi32>], vector<16xf32>,
    %add3A_159 = arith.constant 0 : i32
    %add3A_160 = vector.broadcast %add3A_159 : i32 to vector<16xi32>
    %add3A_161 = arith.addi %iota3A, %add3A_160 : vector<16xi32>
    tpu.vector_store_idx %arg7[%add3A_161, %add3A_149], %gather3A_158 : memref<64x512xf32, #tpu.memory_space<vmem>>[vector<16xi32>, vector<16xi32>], vector<16xf32>,
    %add3A_162 = arith.constant 2 : i32
    %add3A_163 = vector.broadcast %add3A_162 : i32 to vector<16xi32>
    %add3A_164 = arith.addi %select_n3A, %add3A_163 : vector<16xi32>
    %gather3A_165 = tpu.vector_load_idx %arg6[%add3A_154, %add3A_164, %select_n3A_45, %add3A_144] : memref<8x8x8x128xf32, #tpu.memory_space<vmem>>[vector<16xi32>, vector<16xi32>, vector<16xi32>, vector<16xi32>], vector<16xf32>,
    %add3A_166 = arith.constant 16 : i32
    %add3A_167 = vector.broadcast %add3A_166 : i32 to vector<16xi32>
    %add3A_168 = arith.addi %iota3A, %add3A_167 : vector<16xi32>
    tpu.vector_store_idx %arg7[%add3A_168, %add3A_149], %gather3A_165 : memref<64x512xf32, #tpu.memory_space<vmem>>[vector<16xi32>, vector<16xi32>], vector<16xf32>,
    %add3A_169 = arith.constant 4 : i32
    %add3A_170 = vector.broadcast %add3A_169 : i32 to vector<16xi32>
    %add3A_171 = arith.addi %select_n3A, %add3A_170 : vector<16xi32>
    %gather3A_172 = tpu.vector_load_idx %arg6[%add3A_154, %add3A_171, %select_n3A_45, %add3A_144] : memref<8x8x8x128xf32, #tpu.memory_space<vmem>>[vector<16xi32>, vector<16xi32>, vector<16xi32>, vector<16xi32>], vector<16xf32>,
    %add3A_173 = arith.constant 32 : i32
    %add3A_174 = vector.broadcast %add3A_173 : i32 to vector<16xi32>
    %add3A_175 = arith.addi %iota3A, %add3A_174 : vector<16xi32>
    tpu.vector_store_idx %arg7[%add3A_175, %add3A_149], %gather3A_172 : memref<64x512xf32, #tpu.memory_space<vmem>>[vector<16xi32>, vector<16xi32>], vector<16xf32>,
    %add3A_176 = arith.constant 6 : i32
    %add3A_177 = vector.broadcast %add3A_176 : i32 to vector<16xi32>
    %add3A_178 = arith.addi %select_n3A, %add3A_177 : vector<16xi32>
    %gather3A_179 = tpu.vector_load_idx %arg6[%add3A_154, %add3A_178, %select_n3A_45, %add3A_144] : memref<8x8x8x128xf32, #tpu.memory_space<vmem>>[vector<16xi32>, vector<16xi32>, vector<16xi32>, vector<16xi32>], vector<16xf32>,
    %add3A_180 = arith.constant 48 : i32
    %add3A_181 = vector.broadcast %add3A_180 : i32 to vector<16xi32>
    %add3A_182 = arith.addi %iota3A, %add3A_181 : vector<16xi32>
    tpu.vector_store_idx %arg7[%add3A_182, %add3A_149], %gather3A_179 : memref<64x512xf32, #tpu.memory_space<vmem>>[vector<16xi32>, vector<16xi32>], vector<16xf32>,
    %slice3A_183 = vector.extract_strided_slice %and3A_55 {offsets = [10], sizes = [1], strides = [1]} : vector<16xi32> to vector<1xi32>
    %squeeze3A_184 = vector.extract %slice3A_183[0] : i32 from vector<1xi32>
    %dma_wait3A_185 = arith.constant 2 : i32
    %dma_wait3A_186 = arith.constant 2 : i32
    %dma_wait3A_187 = arith.constant 0 : i32
    %dma_wait3A_188 = arith.constant 0 : i32
    %dma_wait3A_189 = arith.constant 0 : i32
    %dma_wait3A_190 = tpu.memref_slice %arg6[%dma_wait3A_185, %dma_wait3A_187, %dma_wait3A_188, %dma_wait3A_189] : memref<8x8x8x128xf32, #tpu.memory_space<vmem>> -> memref<1x8x8x128xf32, #tpu.memory_space<vmem>>
    %dma_wait3A_191 = tpu.memref_squeeze %dma_wait3A_190 : memref<1x8x8x128xf32, #tpu.memory_space<vmem>> -> memref<8x8x128xf32, #tpu.memory_space<vmem>>
    %dma_wait3A_192 = arith.constant 0 : i32
    %dma_wait3A_193 = arith.constant 0 : i32
    %dma_wait3A_194 = arith.constant 0 : i32
    %dma_wait3A_195 = tpu.memref_slice %arg3[%dma_wait3A_192, %dma_wait3A_193, %dma_wait3A_194] : memref<8x8x1000000xf32, #tpu.memory_space<hbm>> -> memref<8x8x128xf32, #tpu.memory_space<hbm>>
    %dma_wait3A_196 = tpu.memref_slice %arg8[%dma_wait3A_186] : memref<8x!tpu.dma_semaphore, #tpu.memory_space<semaphore_mem>> -> memref<1x!tpu.dma_semaphore, #tpu.memory_space<semaphore_mem>>
    %dma_wait3A_197 = tpu.memref_squeeze %dma_wait3A_196 : memref<1x!tpu.dma_semaphore, #tpu.memory_space<semaphore_mem>> -> memref<!tpu.dma_semaphore, #tpu.memory_space<semaphore_mem>>
    %dma_wait3A_198 = arith.constant 0 : i32
    %dma_wait3A_199 = arith.constant 0 : i32
    %dma_wait3A_200 = arith.constant 0 : i32
    %dma_wait3A_201 = tpu.memref_slice %arg6[%dma_wait3A_185, %dma_wait3A_198, %dma_wait3A_199, %dma_wait3A_200] : memref<8x8x8x128xf32, #tpu.memory_space<vmem>> -> memref<1x8x8x128xf32, #tpu.memory_space<vmem>>
    %dma_wait3A_202 = tpu.memref_squeeze %dma_wait3A_201 : memref<1x8x8x128xf32, #tpu.memory_space<vmem>> -> memref<8x8x128xf32, #tpu.memory_space<vmem>>
    %dma_wait3A_203 = arith.constant 0 : i32
    %dma_wait3A_204 = arith.constant 0 : i32
    %dma_wait3A_205 = arith.constant 0 : i32
    %dma_wait3A_206 = tpu.memref_slice %arg3[%dma_wait3A_203, %dma_wait3A_204, %dma_wait3A_205] : memref<8x8x1000000xf32, #tpu.memory_space<hbm>> -> memref<8x8x128xf32, #tpu.memory_space<hbm>>
    tpu.wait_dma2 semaphore(%dma_wait3A_197 : memref<!tpu.dma_semaphore, #tpu.memory_space<semaphore_mem>>) src(%dma_wait3A_206 : memref<8x8x128xf32, #tpu.memory_space<hbm>>) dst(%dma_wait3A_202 : memref<8x8x128xf32, #tpu.memory_space<vmem>>)
    %broadcast_in_dim3A_207 = arith.constant 0 : i32
    %broadcast_in_dim3A_208 = vector.broadcast %broadcast_in_dim3A_207 : i32 to vector<16xi32>
    %add3A_209 = vector.broadcast %squeeze3A_184 : i32 to vector<16xi32>
    %add3A_210 = arith.addi %broadcast_in_dim3A_208, %add3A_209 : vector<16xi32>
    %broadcast_in_dim3A_211 = arith.constant 0 : i32
    %broadcast_in_dim3A_212 = vector.broadcast %broadcast_in_dim3A_211 : i32 to vector<16xi32>
    %add3A_213 = arith.constant 506 : i32
    %add3A_214 = vector.broadcast %add3A_213 : i32 to vector<16xi32>
    %add3A_215 = arith.addi %broadcast_in_dim3A_212, %add3A_214 : vector<16xi32>
    %broadcast_in_dim3A_216 = arith.constant 0 : i32
    %broadcast_in_dim3A_217 = vector.broadcast %broadcast_in_dim3A_216 : i32 to vector<16xi32>
    %add3A_218 = arith.constant 2 : i32
    %add3A_219 = vector.broadcast %add3A_218 : i32 to vector<16xi32>
    %add3A_220 = arith.addi %broadcast_in_dim3A_217, %add3A_219 : vector<16xi32>
    %add3A_221 = arith.constant 0 : i32
    %add3A_222 = vector.broadcast %add3A_221 : i32 to vector<16xi32>
    %add3A_223 = arith.addi %select_n3A, %add3A_222 : vector<16xi32>
    %gather3A_224 = tpu.vector_load_idx %arg6[%add3A_220, %add3A_223, %select_n3A_45, %add3A_210] : memref<8x8x8x128xf32, #tpu.memory_space<vmem>>[vector<16xi32>, vector<16xi32>, vector<16xi32>, vector<16xi32>], vector<16xf32>,
    %add3A_225 = arith.constant 0 : i32
    %add3A_226 = vector.broadcast %add3A_225 : i32 to vector<16xi32>
    %add3A_227 = arith.addi %iota3A, %add3A_226 : vector<16xi32>
    tpu.vector_store_idx %arg7[%add3A_227, %add3A_215], %gather3A_224 : memref<64x512xf32, #tpu.memory_space<vmem>>[vector<16xi32>, vector<16xi32>], vector<16xf32>,
    %add3A_228 = arith.constant 2 : i32
    %add3A_229 = vector.broadcast %add3A_228 : i32 to vector<16xi32>
    %add3A_230 = arith.addi %select_n3A, %add3A_229 : vector<16xi32>
    %gather3A_231 = tpu.vector_load_idx %arg6[%add3A_220, %add3A_230, %select_n3A_45, %add3A_210] : memref<8x8x8x128xf32, #tpu.memory_space<vmem>>[vector<16xi32>, vector<16xi32>, vector<16xi32>, vector<16xi32>], vector<16xf32>,
    %add3A_232 = arith.constant 16 : i32
    %add3A_233 = vector.broadcast %add3A_232 : i32 to vector<16xi32>
    %add3A_234 = arith.addi %iota3A, %add3A_233 : vector<16xi32>
    tpu.vector_store_idx %arg7[%add3A_234, %add3A_215], %gather3A_231 : memref<64x512xf32, #tpu.memory_space<vmem>>[vector<16xi32>, vector<16xi32>], vector<16xf32>,
    %add3A_235 = arith.constant 4 : i32
    %add3A_236 = vector.broadcast %add3A_235 : i32 to vector<16xi32>
    %add3A_237 = arith.addi %select_n3A, %add3A_236 : vector<16xi32>
    %gather3A_238 = tpu.vector_load_idx %arg6[%add3A_220, %add3A_237, %select_n3A_45, %add3A_210] : memref<8x8x8x128xf32, #tpu.memory_space<vmem>>[vector<16xi32>, vector<16xi32>, vector<16xi32>, vector<16xi32>], vector<16xf32>,
    %add3A_239 = arith.constant 32 : i32
    %add3A_240 = vector.broadcast %add3A_239 : i32 to vector<16xi32>
    %add3A_241 = arith.addi %iota3A, %add3A_240 : vector<16xi32>
    tpu.vector_store_idx %arg7[%add3A_241, %add3A_215], %gather3A_238 : memref<64x512xf32, #tpu.memory_space<vmem>>[vector<16xi32>, vector<16xi32>], vector<16xf32>,
    %add3A_242 = arith.constant 6 : i32
    %add3A_243 = vector.broadcast %add3A_242 : i32 to vector<16xi32>
    %add3A_244 = arith.addi %select_n3A, %add3A_243 : vector<16xi32>
    %gather3A_245 = tpu.vector_load_idx %arg6[%add3A_220, %add3A_244, %select_n3A_45, %add3A_210] : memref<8x8x8x128xf32, #tpu.memory_space<vmem>>[vector<16xi32>, vector<16xi32>, vector<16xi32>, vector<16xi32>], vector<16xf32>,
    %add3A_246 = arith.constant 48 : i32
    %add3A_247 = vector.broadcast %add3A_246 : i32 to vector<16xi32>
    %add3A_248 = arith.addi %iota3A, %add3A_247 : vector<16xi32>
    tpu.vector_store_idx %arg7[%add3A_248, %add3A_215], %gather3A_245 : memref<64x512xf32, #tpu.memory_space<vmem>>[vector<16xi32>, vector<16xi32>], vector<16xf32>,
    %slice3A_249 = vector.extract_strided_slice %and3A_55 {offsets = [11], sizes = [1], strides = [1]} : vector<16xi32> to vector<1xi32>
    %squeeze3A_250 = vector.extract %slice3A_249[0] : i32 from vector<1xi32>
    %dma_wait3A_251 = arith.constant 3 : i32
    %dma_wait3A_252 = arith.constant 3 : i32
    %dma_wait3A_253 = arith.constant 0 : i32
    %dma_wait3A_254 = arith.constant 0 : i32
    %dma_wait3A_255 = arith.constant 0 : i32
    %dma_wait3A_256 = tpu.memref_slice %arg6[%dma_wait3A_251, %dma_wait3A_253, %dma_wait3A_254, %dma_wait3A_255] : memref<8x8x8x128xf32, #tpu.memory_space<vmem>> -> memref<1x8x8x128xf32, #tpu.memory_space<vmem>>
    %dma_wait3A_257 = tpu.memref_squeeze %dma_wait3A_256 : memref<1x8x8x128xf32, #tpu.memory_space<vmem>> -> memref<8x8x128xf32, #tpu.memory_space<vmem>>
    %dma_wait3A_258 = arith.constant 0 : i32
    %dma_wait3A_259 = arith.constant 0 : i32
    %dma_wait3A_260 = arith.constant 0 : i32
    %dma_wait3A_261 = tpu.memref_slice %arg3[%dma_wait3A_258, %dma_wait3A_259, %dma_wait3A_260] : memref<8x8x1000000xf32, #tpu.memory_space<hbm>> -> memref<8x8x128xf32, #tpu.memory_space<hbm>>
    %dma_wait3A_262 = tpu.memref_slice %arg8[%dma_wait3A_252] : memref<8x!tpu.dma_semaphore, #tpu.memory_space<semaphore_mem>> -> memref<1x!tpu.dma_semaphore, #tpu.memory_space<semaphore_mem>>
    %dma_wait3A_263 = tpu.memref_squeeze %dma_wait3A_262 : memref<1x!tpu.dma_semaphore, #tpu.memory_space<semaphore_mem>> -> memref<!tpu.dma_semaphore, #tpu.memory_space<semaphore_mem>>
    %dma_wait3A_264 = arith.constant 0 : i32
    %dma_wait3A_265 = arith.constant 0 : i32
    %dma_wait3A_266 = arith.constant 0 : i32
    %dma_wait3A_267 = tpu.memref_slice %arg6[%dma_wait3A_251, %dma_wait3A_264, %dma_wait3A_265, %dma_wait3A_266] : memref<8x8x8x128xf32, #tpu.memory_space<vmem>> -> memref<1x8x8x128xf32, #tpu.memory_space<vmem>>
    %dma_wait3A_268 = tpu.memref_squeeze %dma_wait3A_267 : memref<1x8x8x128xf32, #tpu.memory_space<vmem>> -> memref<8x8x128xf32, #tpu.memory_space<vmem>>
    %dma_wait3A_269 = arith.constant 0 : i32
    %dma_wait3A_270 = arith.constant 0 : i32
    %dma_wait3A_271 = arith.constant 0 : i32
    %dma_wait3A_272 = tpu.memref_slice %arg3[%dma_wait3A_269, %dma_wait3A_270, %dma_wait3A_271] : memref<8x8x1000000xf32, #tpu.memory_space<hbm>> -> memref<8x8x128xf32, #tpu.memory_space<hbm>>
    tpu.wait_dma2 semaphore(%dma_wait3A_263 : memref<!tpu.dma_semaphore, #tpu.memory_space<semaphore_mem>>) src(%dma_wait3A_272 : memref<8x8x128xf32, #tpu.memory_space<hbm>>) dst(%dma_wait3A_268 : memref<8x8x128xf32, #tpu.memory_space<vmem>>)
    %broadcast_in_dim3A_273 = arith.constant 0 : i32
    %broadcast_in_dim3A_274 = vector.broadcast %broadcast_in_dim3A_273 : i32 to vector<16xi32>
    %add3A_275 = vector.broadcast %squeeze3A_250 : i32 to vector<16xi32>
    %add3A_276 = arith.addi %broadcast_in_dim3A_274, %add3A_275 : vector<16xi32>
    %broadcast_in_dim3A_277 = arith.constant 0 : i32
    %broadcast_in_dim3A_278 = vector.broadcast %broadcast_in_dim3A_277 : i32 to vector<16xi32>
    %add3A_279 = arith.constant 507 : i32
    %add3A_280 = vector.broadcast %add3A_279 : i32 to vector<16xi32>
    %add3A_281 = arith.addi %broadcast_in_dim3A_278, %add3A_280 : vector<16xi32>
    %broadcast_in_dim3A_282 = arith.constant 0 : i32
    %broadcast_in_dim3A_283 = vector.broadcast %broadcast_in_dim3A_282 : i32 to vector<16xi32>
    %add3A_284 = arith.constant 3 : i32
    %add3A_285 = vector.broadcast %add3A_284 : i32 to vector<16xi32>
    %add3A_286 = arith.addi %broadcast_in_dim3A_283, %add3A_285 : vector<16xi32>
    %add3A_287 = arith.constant 0 : i32
    %add3A_288 = vector.broadcast %add3A_287 : i32 to vector<16xi32>
    %add3A_289 = arith.addi %select_n3A, %add3A_288 : vector<16xi32>
    %gather3A_290 = tpu.vector_load_idx %arg6[%add3A_286, %add3A_289, %select_n3A_45, %add3A_276] : memref<8x8x8x128xf32, #tpu.memory_space<vmem>>[vector<16xi32>, vector<16xi32>, vector<16xi32>, vector<16xi32>], vector<16xf32>,
    %add3A_291 = arith.constant 0 : i32
    %add3A_292 = vector.broadcast %add3A_291 : i32 to vector<16xi32>
    %add3A_293 = arith.addi %iota3A, %add3A_292 : vector<16xi32>
    tpu.vector_store_idx %arg7[%add3A_293, %add3A_281], %gather3A_290 : memref<64x512xf32, #tpu.memory_space<vmem>>[vector<16xi32>, vector<16xi32>], vector<16xf32>,
    %add3A_294 = arith.constant 2 : i32
    %add3A_295 = vector.broadcast %add3A_294 : i32 to vector<16xi32>
    %add3A_296 = arith.addi %select_n3A, %add3A_295 : vector<16xi32>
    %gather3A_297 = tpu.vector_load_idx %arg6[%add3A_286, %add3A_296, %select_n3A_45, %add3A_276] : memref<8x8x8x128xf32, #tpu.memory_space<vmem>>[vector<16xi32>, vector<16xi32>, vector<16xi32>, vector<16xi32>], vector<16xf32>,
    %add3A_298 = arith.constant 16 : i32
    %add3A_299 = vector.broadcast %add3A_298 : i32 to vector<16xi32>
    %add3A_300 = arith.addi %iota3A, %add3A_299 : vector<16xi32>
    tpu.vector_store_idx %arg7[%add3A_300, %add3A_281], %gather3A_297 : memref<64x512xf32, #tpu.memory_space<vmem>>[vector<16xi32>, vector<16xi32>], vector<16xf32>,
    %add3A_301 = arith.constant 4 : i32
    %add3A_302 = vector.broadcast %add3A_301 : i32 to vector<16xi32>
    %add3A_303 = arith.addi %select_n3A, %add3A_302 : vector<16xi32>
    %gather3A_304 = tpu.vector_load_idx %arg6[%add3A_286, %add3A_303, %select_n3A_45, %add3A_276] : memref<8x8x8x128xf32, #tpu.memory_space<vmem>>[vector<16xi32>, vector<16xi32>, vector<16xi32>, vector<16xi32>], vector<16xf32>,
    %add3A_305 = arith.constant 32 : i32
    %add3A_306 = vector.broadcast %add3A_305 : i32 to vector<16xi32>
    %add3A_307 = arith.addi %iota3A, %add3A_306 : vector<16xi32>
    tpu.vector_store_idx %arg7[%add3A_307, %add3A_281], %gather3A_304 : memref<64x512xf32, #tpu.memory_space<vmem>>[vector<16xi32>, vector<16xi32>], vector<16xf32>,
    %add3A_308 = arith.constant 6 : i32
    %add3A_309 = vector.broadcast %add3A_308 : i32 to vector<16xi32>
    %add3A_310 = arith.addi %select_n3A, %add3A_309 : vector<16xi32>
    %gather3A_311 = tpu.vector_load_idx %arg6[%add3A_286, %add3A_310, %select_n3A_45, %add3A_276] : memref<8x8x8x128xf32, #tpu.memory_space<vmem>>[vector<16xi32>, vector<16xi32>, vector<16xi32>, vector<16xi32>], vector<16xf32>,
    %add3A_312 = arith.constant 48 : i32
    %add3A_313 = vector.broadcast %add3A_312 : i32 to vector<16xi32>
    %add3A_314 = arith.addi %iota3A, %add3A_313 : vector<16xi32>
    tpu.vector_store_idx %arg7[%add3A_314, %add3A_281], %gather3A_311 : memref<64x512xf32, #tpu.memory_space<vmem>>[vector<16xi32>, vector<16xi32>], vector<16xf32>,
    %slice3A_315 = vector.extract_strided_slice %and3A_55 {offsets = [12], sizes = [1], strides = [1]} : vector<16xi32> to vector<1xi32>
    %squeeze3A_316 = vector.extract %slice3A_315[0] : i32 from vector<1xi32>
    %dma_wait3A_317 = arith.constant 4 : i32
    %dma_wait3A_318 = arith.constant 4 : i32
    %dma_wait3A_319 = arith.constant 0 : i32
    %dma_wait3A_320 = arith.constant 0 : i32
    %dma_wait3A_321 = arith.constant 0 : i32
    %dma_wait3A_322 = tpu.memref_slice %arg6[%dma_wait3A_317, %dma_wait3A_319, %dma_wait3A_320, %dma_wait3A_321] : memref<8x8x8x128xf32, #tpu.memory_space<vmem>> -> memref<1x8x8x128xf32, #tpu.memory_space<vmem>>
    %dma_wait3A_323 = tpu.memref_squeeze %dma_wait3A_322 : memref<1x8x8x128xf32, #tpu.memory_space<vmem>> -> memref<8x8x128xf32, #tpu.memory_space<vmem>>
    %dma_wait3A_324 = arith.constant 0 : i32
    %dma_wait3A_325 = arith.constant 0 : i32
    %dma_wait3A_326 = arith.constant 0 : i32
    %dma_wait3A_327 = tpu.memref_slice %arg3[%dma_wait3A_324, %dma_wait3A_325, %dma_wait3A_326] : memref<8x8x1000000xf32, #tpu.memory_space<hbm>> -> memref<8x8x128xf32, #tpu.memory_space<hbm>>
    %dma_wait3A_328 = tpu.memref_slice %arg8[%dma_wait3A_318] : memref<8x!tpu.dma_semaphore, #tpu.memory_space<semaphore_mem>> -> memref<1x!tpu.dma_semaphore, #tpu.memory_space<semaphore_mem>>
    %dma_wait3A_329 = tpu.memref_squeeze %dma_wait3A_328 : memref<1x!tpu.dma_semaphore, #tpu.memory_space<semaphore_mem>> -> memref<!tpu.dma_semaphore, #tpu.memory_space<semaphore_mem>>
    %dma_wait3A_330 = arith.constant 0 : i32
    %dma_wait3A_331 = arith.constant 0 : i32
    %dma_wait3A_332 = arith.constant 0 : i32
    %dma_wait3A_333 = tpu.memref_slice %arg6[%dma_wait3A_317, %dma_wait3A_330, %dma_wait3A_331, %dma_wait3A_332] : memref<8x8x8x128xf32, #tpu.memory_space<vmem>> -> memref<1x8x8x128xf32, #tpu.memory_space<vmem>>
    %dma_wait3A_334 = tpu.memref_squeeze %dma_wait3A_333 : memref<1x8x8x128xf32, #tpu.memory_space<vmem>> -> memref<8x8x128xf32, #tpu.memory_space<vmem>>
    %dma_wait3A_335 = arith.constant 0 : i32
    %dma_wait3A_336 = arith.constant 0 : i32
    %dma_wait3A_337 = arith.constant 0 : i32
    %dma_wait3A_338 = tpu.memref_slice %arg3[%dma_wait3A_335, %dma_wait3A_336, %dma_wait3A_337] : memref<8x8x1000000xf32, #tpu.memory_space<hbm>> -> memref<8x8x128xf32, #tpu.memory_space<hbm>>
    tpu.wait_dma2 semaphore(%dma_wait3A_329 : memref<!tpu.dma_semaphore, #tpu.memory_space<semaphore_mem>>) src(%dma_wait3A_338 : memref<8x8x128xf32, #tpu.memory_space<hbm>>) dst(%dma_wait3A_334 : memref<8x8x128xf32, #tpu.memory_space<vmem>>)
    %broadcast_in_dim3A_339 = arith.constant 0 : i32
    %broadcast_in_dim3A_340 = vector.broadcast %broadcast_in_dim3A_339 : i32 to vector<16xi32>
    %add3A_341 = vector.broadcast %squeeze3A_316 : i32 to vector<16xi32>
    %add3A_342 = arith.addi %broadcast_in_dim3A_340, %add3A_341 : vector<16xi32>
    %broadcast_in_dim3A_343 = arith.constant 0 : i32
    %broadcast_in_dim3A_344 = vector.broadcast %broadcast_in_dim3A_343 : i32 to vector<16xi32>
    %add3A_345 = arith.constant 508 : i32
    %add3A_346 = vector.broadcast %add3A_345 : i32 to vector<16xi32>
    %add3A_347 = arith.addi %broadcast_in_dim3A_344, %add3A_346 : vector<16xi32>
    %broadcast_in_dim3A_348 = arith.constant 0 : i32
    %broadcast_in_dim3A_349 = vector.broadcast %broadcast_in_dim3A_348 : i32 to vector<16xi32>
    %add3A_350 = arith.constant 4 : i32
    %add3A_351 = vector.broadcast %add3A_350 : i32 to vector<16xi32>
    %add3A_352 = arith.addi %broadcast_in_dim3A_349, %add3A_351 : vector<16xi32>
    %add3A_353 = arith.constant 0 : i32
    %add3A_354 = vector.broadcast %add3A_353 : i32 to vector<16xi32>
    %add3A_355 = arith.addi %select_n3A, %add3A_354 : vector<16xi32>
    %gather3A_356 = tpu.vector_load_idx %arg6[%add3A_352, %add3A_355, %select_n3A_45, %add3A_342] : memref<8x8x8x128xf32, #tpu.memory_space<vmem>>[vector<16xi32>, vector<16xi32>, vector<16xi32>, vector<16xi32>], vector<16xf32>,
    %add3A_357 = arith.constant 0 : i32
    %add3A_358 = vector.broadcast %add3A_357 : i32 to vector<16xi32>
    %add3A_359 = arith.addi %iota3A, %add3A_358 : vector<16xi32>
    tpu.vector_store_idx %arg7[%add3A_359, %add3A_347], %gather3A_356 : memref<64x512xf32, #tpu.memory_space<vmem>>[vector<16xi32>, vector<16xi32>], vector<16xf32>,
    %add3A_360 = arith.constant 2 : i32
    %add3A_361 = vector.broadcast %add3A_360 : i32 to vector<16xi32>
    %add3A_362 = arith.addi %select_n3A, %add3A_361 : vector<16xi32>
    %gather3A_363 = tpu.vector_load_idx %arg6[%add3A_352, %add3A_362, %select_n3A_45, %add3A_342] : memref<8x8x8x128xf32, #tpu.memory_space<vmem>>[vector<16xi32>, vector<16xi32>, vector<16xi32>, vector<16xi32>], vector<16xf32>,
    %add3A_364 = arith.constant 16 : i32
    %add3A_365 = vector.broadcast %add3A_364 : i32 to vector<16xi32>
    %add3A_366 = arith.addi %iota3A, %add3A_365 : vector<16xi32>
    tpu.vector_store_idx %arg7[%add3A_366, %add3A_347], %gather3A_363 : memref<64x512xf32, #tpu.memory_space<vmem>>[vector<16xi32>, vector<16xi32>], vector<16xf32>,
    %add3A_367 = arith.constant 4 : i32
    %add3A_368 = vector.broadcast %add3A_367 : i32 to vector<16xi32>
    %add3A_369 = arith.addi %select_n3A, %add3A_368 : vector<16xi32>
    %gather3A_370 = tpu.vector_load_idx %arg6[%add3A_352, %add3A_369, %select_n3A_45, %add3A_342] : memref<8x8x8x128xf32, #tpu.memory_space<vmem>>[vector<16xi32>, vector<16xi32>, vector<16xi32>, vector<16xi32>], vector<16xf32>,
    %add3A_371 = arith.constant 32 : i32
    %add3A_372 = vector.broadcast %add3A_371 : i32 to vector<16xi32>
    %add3A_373 = arith.addi %iota3A, %add3A_372 : vector<16xi32>
    tpu.vector_store_idx %arg7[%add3A_373, %add3A_347], %gather3A_370 : memref<64x512xf32, #tpu.memory_space<vmem>>[vector<16xi32>, vector<16xi32>], vector<16xf32>,
    %add3A_374 = arith.constant 6 : i32
    %add3A_375 = vector.broadcast %add3A_374 : i32 to vector<16xi32>
    %add3A_376 = arith.addi %select_n3A, %add3A_375 : vector<16xi32>
    %gather3A_377 = tpu.vector_load_idx %arg6[%add3A_352, %add3A_376, %select_n3A_45, %add3A_342] : memref<8x8x8x128xf32, #tpu.memory_space<vmem>>[vector<16xi32>, vector<16xi32>, vector<16xi32>, vector<16xi32>], vector<16xf32>,
    %add3A_378 = arith.constant 48 : i32
    %add3A_379 = vector.broadcast %add3A_378 : i32 to vector<16xi32>
    %add3A_380 = arith.addi %iota3A, %add3A_379 : vector<16xi32>
    tpu.vector_store_idx %arg7[%add3A_380, %add3A_347], %gather3A_377 : memref<64x512xf32, #tpu.memory_space<vmem>>[vector<16xi32>, vector<16xi32>], vector<16xf32>,
    %slice3A_381 = vector.extract_strided_slice %and3A_55 {offsets = [13], sizes = [1], strides = [1]} : vector<16xi32> to vector<1xi32>
    %squeeze3A_382 = vector.extract %slice3A_381[0] : i32 from vector<1xi32>
    %dma_wait3A_383 = arith.constant 5 : i32
    %dma_wait3A_384 = arith.constant 5 : i32
    %dma_wait3A_385 = arith.constant 0 : i32
    %dma_wait3A_386 = arith.constant 0 : i32
    %dma_wait3A_387 = arith.constant 0 : i32
    %dma_wait3A_388 = tpu.memref_slice %arg6[%dma_wait3A_383, %dma_wait3A_385, %dma_wait3A_386, %dma_wait3A_387] : memref<8x8x8x128xf32, #tpu.memory_space<vmem>> -> memref<1x8x8x128xf32, #tpu.memory_space<vmem>>
    %dma_wait3A_389 = tpu.memref_squeeze %dma_wait3A_388 : memref<1x8x8x128xf32, #tpu.memory_space<vmem>> -> memref<8x8x128xf32, #tpu.memory_space<vmem>>
    %dma_wait3A_390 = arith.constant 0 : i32
    %dma_wait3A_391 = arith.constant 0 : i32
    %dma_wait3A_392 = arith.constant 0 : i32
    %dma_wait3A_393 = tpu.memref_slice %arg3[%dma_wait3A_390, %dma_wait3A_391, %dma_wait3A_392] : memref<8x8x1000000xf32, #tpu.memory_space<hbm>> -> memref<8x8x128xf32, #tpu.memory_space<hbm>>
    %dma_wait3A_394 = tpu.memref_slice %arg8[%dma_wait3A_384] : memref<8x!tpu.dma_semaphore, #tpu.memory_space<semaphore_mem>> -> memref<1x!tpu.dma_semaphore, #tpu.memory_space<semaphore_mem>>
    %dma_wait3A_395 = tpu.memref_squeeze %dma_wait3A_394 : memref<1x!tpu.dma_semaphore, #tpu.memory_space<semaphore_mem>> -> memref<!tpu.dma_semaphore, #tpu.memory_space<semaphore_mem>>
    %dma_wait3A_396 = arith.constant 0 : i32
    %dma_wait3A_397 = arith.constant 0 : i32
    %dma_wait3A_398 = arith.constant 0 : i32
    %dma_wait3A_399 = tpu.memref_slice %arg6[%dma_wait3A_383, %dma_wait3A_396, %dma_wait3A_397, %dma_wait3A_398] : memref<8x8x8x128xf32, #tpu.memory_space<vmem>> -> memref<1x8x8x128xf32, #tpu.memory_space<vmem>>
    %dma_wait3A_400 = tpu.memref_squeeze %dma_wait3A_399 : memref<1x8x8x128xf32, #tpu.memory_space<vmem>> -> memref<8x8x128xf32, #tpu.memory_space<vmem>>
    %dma_wait3A_401 = arith.constant 0 : i32
    %dma_wait3A_402 = arith.constant 0 : i32
    %dma_wait3A_403 = arith.constant 0 : i32
    %dma_wait3A_404 = tpu.memref_slice %arg3[%dma_wait3A_401, %dma_wait3A_402, %dma_wait3A_403] : memref<8x8x1000000xf32, #tpu.memory_space<hbm>> -> memref<8x8x128xf32, #tpu.memory_space<hbm>>
    tpu.wait_dma2 semaphore(%dma_wait3A_395 : memref<!tpu.dma_semaphore, #tpu.memory_space<semaphore_mem>>) src(%dma_wait3A_404 : memref<8x8x128xf32, #tpu.memory_space<hbm>>) dst(%dma_wait3A_400 : memref<8x8x128xf32, #tpu.memory_space<vmem>>)
    %broadcast_in_dim3A_405 = arith.constant 0 : i32
    %broadcast_in_dim3A_406 = vector.broadcast %broadcast_in_dim3A_405 : i32 to vector<16xi32>
    %add3A_407 = vector.broadcast %squeeze3A_382 : i32 to vector<16xi32>
    %add3A_408 = arith.addi %broadcast_in_dim3A_406, %add3A_407 : vector<16xi32>
    %broadcast_in_dim3A_409 = arith.constant 0 : i32
    %broadcast_in_dim3A_410 = vector.broadcast %broadcast_in_dim3A_409 : i32 to vector<16xi32>
    %add3A_411 = arith.constant 509 : i32
    %add3A_412 = vector.broadcast %add3A_411 : i32 to vector<16xi32>
    %add3A_413 = arith.addi %broadcast_in_dim3A_410, %add3A_412 : vector<16xi32>
    %broadcast_in_dim3A_414 = arith.constant 0 : i32
    %broadcast_in_dim3A_415 = vector.broadcast %broadcast_in_dim3A_414 : i32 to vector<16xi32>
    %add3A_416 = arith.constant 5 : i32
    %add3A_417 = vector.broadcast %add3A_416 : i32 to vector<16xi32>
    %add3A_418 = arith.addi %broadcast_in_dim3A_415, %add3A_417 : vector<16xi32>
    %add3A_419 = arith.constant 0 : i32
    %add3A_420 = vector.broadcast %add3A_419 : i32 to vector<16xi32>
    %add3A_421 = arith.addi %select_n3A, %add3A_420 : vector<16xi32>
    %gather3A_422 = tpu.vector_load_idx %arg6[%add3A_418, %add3A_421, %select_n3A_45, %add3A_408] : memref<8x8x8x128xf32, #tpu.memory_space<vmem>>[vector<16xi32>, vector<16xi32>, vector<16xi32>, vector<16xi32>], vector<16xf32>,
    %add3A_423 = arith.constant 0 : i32
    %add3A_424 = vector.broadcast %add3A_423 : i32 to vector<16xi32>
    %add3A_425 = arith.addi %iota3A, %add3A_424 : vector<16xi32>
    tpu.vector_store_idx %arg7[%add3A_425, %add3A_413], %gather3A_422 : memref<64x512xf32, #tpu.memory_space<vmem>>[vector<16xi32>, vector<16xi32>], vector<16xf32>,
    %add3A_426 = arith.constant 2 : i32
    %add3A_427 = vector.broadcast %add3A_426 : i32 to vector<16xi32>
    %add3A_428 = arith.addi %select_n3A, %add3A_427 : vector<16xi32>
    %gather3A_429 = tpu.vector_load_idx %arg6[%add3A_418, %add3A_428, %select_n3A_45, %add3A_408] : memref<8x8x8x128xf32, #tpu.memory_space<vmem>>[vector<16xi32>, vector<16xi32>, vector<16xi32>, vector<16xi32>], vector<16xf32>,
    %add3A_430 = arith.constant 16 : i32
    %add3A_431 = vector.broadcast %add3A_430 : i32 to vector<16xi32>
    %add3A_432 = arith.addi %iota3A, %add3A_431 : vector<16xi32>
    tpu.vector_store_idx %arg7[%add3A_432, %add3A_413], %gather3A_429 : memref<64x512xf32, #tpu.memory_space<vmem>>[vector<16xi32>, vector<16xi32>], vector<16xf32>,
    %add3A_433 = arith.constant 4 : i32
    %add3A_434 = vector.broadcast %add3A_433 : i32 to vector<16xi32>
    %add3A_435 = arith.addi %select_n3A, %add3A_434 : vector<16xi32>
    %gather3A_436 = tpu.vector_load_idx %arg6[%add3A_418, %add3A_435, %select_n3A_45, %add3A_408] : memref<8x8x8x128xf32, #tpu.memory_space<vmem>>[vector<16xi32>, vector<16xi32>, vector<16xi32>, vector<16xi32>], vector<16xf32>,
    %add3A_437 = arith.constant 32 : i32
    %add3A_438 = vector.broadcast %add3A_437 : i32 to vector<16xi32>
    %add3A_439 = arith.addi %iota3A, %add3A_438 : vector<16xi32>
    tpu.vector_store_idx %arg7[%add3A_439, %add3A_413], %gather3A_436 : memref<64x512xf32, #tpu.memory_space<vmem>>[vector<16xi32>, vector<16xi32>], vector<16xf32>,
    %add3A_440 = arith.constant 6 : i32
    %add3A_441 = vector.broadcast %add3A_440 : i32 to vector<16xi32>
    %add3A_442 = arith.addi %select_n3A, %add3A_441 : vector<16xi32>
    %gather3A_443 = tpu.vector_load_idx %arg6[%add3A_418, %add3A_442, %select_n3A_45, %add3A_408] : memref<8x8x8x128xf32, #tpu.memory_space<vmem>>[vector<16xi32>, vector<16xi32>, vector<16xi32>, vector<16xi32>], vector<16xf32>,
    %add3A_444 = arith.constant 48 : i32
    %add3A_445 = vector.broadcast %add3A_444 : i32 to vector<16xi32>
    %add3A_446 = arith.addi %iota3A, %add3A_445 : vector<16xi32>
    tpu.vector_store_idx %arg7[%add3A_446, %add3A_413], %gather3A_443 : memref<64x512xf32, #tpu.memory_space<vmem>>[vector<16xi32>, vector<16xi32>], vector<16xf32>,
    %slice3A_447 = vector.extract_strided_slice %and3A_55 {offsets = [14], sizes = [1], strides = [1]} : vector<16xi32> to vector<1xi32>
    %squeeze3A_448 = vector.extract %slice3A_447[0] : i32 from vector<1xi32>
    %dma_wait3A_449 = arith.constant 6 : i32
    %dma_wait3A_450 = arith.constant 6 : i32
    %dma_wait3A_451 = arith.constant 0 : i32
    %dma_wait3A_452 = arith.constant 0 : i32
    %dma_wait3A_453 = arith.constant 0 : i32
    %dma_wait3A_454 = tpu.memref_slice %arg6[%dma_wait3A_449, %dma_wait3A_451, %dma_wait3A_452, %dma_wait3A_453] : memref<8x8x8x128xf32, #tpu.memory_space<vmem>> -> memref<1x8x8x128xf32, #tpu.memory_space<vmem>>
    %dma_wait3A_455 = tpu.memref_squeeze %dma_wait3A_454 : memref<1x8x8x128xf32, #tpu.memory_space<vmem>> -> memref<8x8x128xf32, #tpu.memory_space<vmem>>
    %dma_wait3A_456 = arith.constant 0 : i32
    %dma_wait3A_457 = arith.constant 0 : i32
    %dma_wait3A_458 = arith.constant 0 : i32
    %dma_wait3A_459 = tpu.memref_slice %arg3[%dma_wait3A_456, %dma_wait3A_457, %dma_wait3A_458] : memref<8x8x1000000xf32, #tpu.memory_space<hbm>> -> memref<8x8x128xf32, #tpu.memory_space<hbm>>
    %dma_wait3A_460 = tpu.memref_slice %arg8[%dma_wait3A_450] : memref<8x!tpu.dma_semaphore, #tpu.memory_space<semaphore_mem>> -> memref<1x!tpu.dma_semaphore, #tpu.memory_space<semaphore_mem>>
    %dma_wait3A_461 = tpu.memref_squeeze %dma_wait3A_460 : memref<1x!tpu.dma_semaphore, #tpu.memory_space<semaphore_mem>> -> memref<!tpu.dma_semaphore, #tpu.memory_space<semaphore_mem>>
    %dma_wait3A_462 = arith.constant 0 : i32
    %dma_wait3A_463 = arith.constant 0 : i32
    %dma_wait3A_464 = arith.constant 0 : i32
    %dma_wait3A_465 = tpu.memref_slice %arg6[%dma_wait3A_449, %dma_wait3A_462, %dma_wait3A_463, %dma_wait3A_464] : memref<8x8x8x128xf32, #tpu.memory_space<vmem>> -> memref<1x8x8x128xf32, #tpu.memory_space<vmem>>
    %dma_wait3A_466 = tpu.memref_squeeze %dma_wait3A_465 : memref<1x8x8x128xf32, #tpu.memory_space<vmem>> -> memref<8x8x128xf32, #tpu.memory_space<vmem>>
    %dma_wait3A_467 = arith.constant 0 : i32
    %dma_wait3A_468 = arith.constant 0 : i32
    %dma_wait3A_469 = arith.constant 0 : i32
    %dma_wait3A_470 = tpu.memref_slice %arg3[%dma_wait3A_467, %dma_wait3A_468, %dma_wait3A_469] : memref<8x8x1000000xf32, #tpu.memory_space<hbm>> -> memref<8x8x128xf32, #tpu.memory_space<hbm>>
    tpu.wait_dma2 semaphore(%dma_wait3A_461 : memref<!tpu.dma_semaphore, #tpu.memory_space<semaphore_mem>>) src(%dma_wait3A_470 : memref<8x8x128xf32, #tpu.memory_space<hbm>>) dst(%dma_wait3A_466 : memref<8x8x128xf32, #tpu.memory_space<vmem>>)
    %broadcast_in_dim3A_471 = arith.constant 0 : i32
    %broadcast_in_dim3A_472 = vector.broadcast %broadcast_in_dim3A_471 : i32 to vector<16xi32>
    %add3A_473 = vector.broadcast %squeeze3A_448 : i32 to vector<16xi32>
    %add3A_474 = arith.addi %broadcast_in_dim3A_472, %add3A_473 : vector<16xi32>
    %broadcast_in_dim3A_475 = arith.constant 0 : i32
    %broadcast_in_dim3A_476 = vector.broadcast %broadcast_in_dim3A_475 : i32 to vector<16xi32>
    %add3A_477 = arith.constant 510 : i32
    %add3A_478 = vector.broadcast %add3A_477 : i32 to vector<16xi32>
    %add3A_479 = arith.addi %broadcast_in_dim3A_476, %add3A_478 : vector<16xi32>
    %broadcast_in_dim3A_480 = arith.constant 0 : i32
    %broadcast_in_dim3A_481 = vector.broadcast %broadcast_in_dim3A_480 : i32 to vector<16xi32>
    %add3A_482 = arith.constant 6 : i32
    %add3A_483 = vector.broadcast %add3A_482 : i32 to vector<16xi32>
    %add3A_484 = arith.addi %broadcast_in_dim3A_481, %add3A_483 : vector<16xi32>
    %add3A_485 = arith.constant 0 : i32
    %add3A_486 = vector.broadcast %add3A_485 : i32 to vector<16xi32>
    %add3A_487 = arith.addi %select_n3A, %add3A_486 : vector<16xi32>
    %gather3A_488 = tpu.vector_load_idx %arg6[%add3A_484, %add3A_487, %select_n3A_45, %add3A_474] : memref<8x8x8x128xf32, #tpu.memory_space<vmem>>[vector<16xi32>, vector<16xi32>, vector<16xi32>, vector<16xi32>], vector<16xf32>,
    %add3A_489 = arith.constant 0 : i32
    %add3A_490 = vector.broadcast %add3A_489 : i32 to vector<16xi32>
    %add3A_491 = arith.addi %iota3A, %add3A_490 : vector<16xi32>
    tpu.vector_store_idx %arg7[%add3A_491, %add3A_479], %gather3A_488 : memref<64x512xf32, #tpu.memory_space<vmem>>[vector<16xi32>, vector<16xi32>], vector<16xf32>,
    %add3A_492 = arith.constant 2 : i32
    %add3A_493 = vector.broadcast %add3A_492 : i32 to vector<16xi32>
    %add3A_494 = arith.addi %select_n3A, %add3A_493 : vector<16xi32>
    %gather3A_495 = tpu.vector_load_idx %arg6[%add3A_484, %add3A_494, %select_n3A_45, %add3A_474] : memref<8x8x8x128xf32, #tpu.memory_space<vmem>>[vector<16xi32>, vector<16xi32>, vector<16xi32>, vector<16xi32>], vector<16xf32>,
    %add3A_496 = arith.constant 16 : i32
    %add3A_497 = vector.broadcast %add3A_496 : i32 to vector<16xi32>
    %add3A_498 = arith.addi %iota3A, %add3A_497 : vector<16xi32>
    tpu.vector_store_idx %arg7[%add3A_498, %add3A_479], %gather3A_495 : memref<64x512xf32, #tpu.memory_space<vmem>>[vector<16xi32>, vector<16xi32>], vector<16xf32>,
    %add3A_499 = arith.constant 4 : i32
    %add3A_500 = vector.broadcast %add3A_499 : i32 to vector<16xi32>
    %add3A_501 = arith.addi %select_n3A, %add3A_500 : vector<16xi32>
    %gather3A_502 = tpu.vector_load_idx %arg6[%add3A_484, %add3A_501, %select_n3A_45, %add3A_474] : memref<8x8x8x128xf32, #tpu.memory_space<vmem>>[vector<16xi32>, vector<16xi32>, vector<16xi32>, vector<16xi32>], vector<16xf32>,
    %add3A_503 = arith.constant 32 : i32
    %add3A_504 = vector.broadcast %add3A_503 : i32 to vector<16xi32>
    %add3A_505 = arith.addi %iota3A, %add3A_504 : vector<16xi32>
    tpu.vector_store_idx %arg7[%add3A_505, %add3A_479], %gather3A_502 : memref<64x512xf32, #tpu.memory_space<vmem>>[vector<16xi32>, vector<16xi32>], vector<16xf32>,
    %add3A_506 = arith.constant 6 : i32
    %add3A_507 = vector.broadcast %add3A_506 : i32 to vector<16xi32>
    %add3A_508 = arith.addi %select_n3A, %add3A_507 : vector<16xi32>
    %gather3A_509 = tpu.vector_load_idx %arg6[%add3A_484, %add3A_508, %select_n3A_45, %add3A_474] : memref<8x8x8x128xf32, #tpu.memory_space<vmem>>[vector<16xi32>, vector<16xi32>, vector<16xi32>, vector<16xi32>], vector<16xf32>,
    %add3A_510 = arith.constant 48 : i32
    %add3A_511 = vector.broadcast %add3A_510 : i32 to vector<16xi32>
    %add3A_512 = arith.addi %iota3A, %add3A_511 : vector<16xi32>
    tpu.vector_store_idx %arg7[%add3A_512, %add3A_479], %gather3A_509 : memref<64x512xf32, #tpu.memory_space<vmem>>[vector<16xi32>, vector<16xi32>], vector<16xf32>,
    %slice3A_513 = vector.extract_strided_slice %and3A_55 {offsets = [15], sizes = [1], strides = [1]} : vector<16xi32> to vector<1xi32>
    %squeeze3A_514 = vector.extract %slice3A_513[0] : i32 from vector<1xi32>
    %dma_wait3A_515 = arith.constant 7 : i32
    %dma_wait3A_516 = arith.constant 7 : i32
    %dma_wait3A_517 = arith.constant 0 : i32
    %dma_wait3A_518 = arith.constant 0 : i32
    %dma_wait3A_519 = arith.constant 0 : i32
    %dma_wait3A_520 = tpu.memref_slice %arg6[%dma_wait3A_515, %dma_wait3A_517, %dma_wait3A_518, %dma_wait3A_519] : memref<8x8x8x128xf32, #tpu.memory_space<vmem>> -> memref<1x8x8x128xf32, #tpu.memory_space<vmem>>
    %dma_wait3A_521 = tpu.memref_squeeze %dma_wait3A_520 : memref<1x8x8x128xf32, #tpu.memory_space<vmem>> -> memref<8x8x128xf32, #tpu.memory_space<vmem>>
    %dma_wait3A_522 = arith.constant 0 : i32
    %dma_wait3A_523 = arith.constant 0 : i32
    %dma_wait3A_524 = arith.constant 0 : i32
    %dma_wait3A_525 = tpu.memref_slice %arg3[%dma_wait3A_522, %dma_wait3A_523, %dma_wait3A_524] : memref<8x8x1000000xf32, #tpu.memory_space<hbm>> -> memref<8x8x128xf32, #tpu.memory_space<hbm>>
    %dma_wait3A_526 = tpu.memref_slice %arg8[%dma_wait3A_516] : memref<8x!tpu.dma_semaphore, #tpu.memory_space<semaphore_mem>> -> memref<1x!tpu.dma_semaphore, #tpu.memory_space<semaphore_mem>>
    %dma_wait3A_527 = tpu.memref_squeeze %dma_wait3A_526 : memref<1x!tpu.dma_semaphore, #tpu.memory_space<semaphore_mem>> -> memref<!tpu.dma_semaphore, #tpu.memory_space<semaphore_mem>>
    %dma_wait3A_528 = arith.constant 0 : i32
    %dma_wait3A_529 = arith.constant 0 : i32
    %dma_wait3A_530 = arith.constant 0 : i32
    %dma_wait3A_531 = tpu.memref_slice %arg6[%dma_wait3A_515, %dma_wait3A_528, %dma_wait3A_529, %dma_wait3A_530] : memref<8x8x8x128xf32, #tpu.memory_space<vmem>> -> memref<1x8x8x128xf32, #tpu.memory_space<vmem>>
    %dma_wait3A_532 = tpu.memref_squeeze %dma_wait3A_531 : memref<1x8x8x128xf32, #tpu.memory_space<vmem>> -> memref<8x8x128xf32, #tpu.memory_space<vmem>>
    %dma_wait3A_533 = arith.constant 0 : i32
    %dma_wait3A_534 = arith.constant 0 : i32
    %dma_wait3A_535 = arith.constant 0 : i32
    %dma_wait3A_536 = tpu.memref_slice %arg3[%dma_wait3A_533, %dma_wait3A_534, %dma_wait3A_535] : memref<8x8x1000000xf32, #tpu.memory_space<hbm>> -> memref<8x8x128xf32, #tpu.memory_space<hbm>>
    tpu.wait_dma2 semaphore(%dma_wait3A_527 : memref<!tpu.dma_semaphore, #tpu.memory_space<semaphore_mem>>) src(%dma_wait3A_536 : memref<8x8x128xf32, #tpu.memory_space<hbm>>) dst(%dma_wait3A_532 : memref<8x8x128xf32, #tpu.memory_space<vmem>>)
    %broadcast_in_dim3A_537 = arith.constant 0 : i32
    %broadcast_in_dim3A_538 = vector.broadcast %broadcast_in_dim3A_537 : i32 to vector<16xi32>
    %add3A_539 = vector.broadcast %squeeze3A_514 : i32 to vector<16xi32>
    %add3A_540 = arith.addi %broadcast_in_dim3A_538, %add3A_539 : vector<16xi32>
    %broadcast_in_dim3A_541 = arith.constant 0 : i32
    %broadcast_in_dim3A_542 = vector.broadcast %broadcast_in_dim3A_541 : i32 to vector<16xi32>
    %add3A_543 = arith.constant 511 : i32
    %add3A_544 = vector.broadcast %add3A_543 : i32 to vector<16xi32>
    %add3A_545 = arith.addi %broadcast_in_dim3A_542, %add3A_544 : vector<16xi32>
    %broadcast_in_dim3A_546 = arith.constant 0 : i32
    %broadcast_in_dim3A_547 = vector.broadcast %broadcast_in_dim3A_546 : i32 to vector<16xi32>
    %add3A_548 = arith.constant 7 : i32
    %add3A_549 = vector.broadcast %add3A_548 : i32 to vector<16xi32>
    %add3A_550 = arith.addi %broadcast_in_dim3A_547, %add3A_549 : vector<16xi32>
    %add3A_551 = arith.constant 0 : i32
    %add3A_552 = vector.broadcast %add3A_551 : i32 to vector<16xi32>
    %add3A_553 = arith.addi %select_n3A, %add3A_552 : vector<16xi32>
    %gather3A_554 = tpu.vector_load_idx %arg6[%add3A_550, %add3A_553, %select_n3A_45, %add3A_540] : memref<8x8x8x128xf32, #tpu.memory_space<vmem>>[vector<16xi32>, vector<16xi32>, vector<16xi32>, vector<16xi32>], vector<16xf32>,
    %add3A_555 = arith.constant 0 : i32
    %add3A_556 = vector.broadcast %add3A_555 : i32 to vector<16xi32>
    %add3A_557 = arith.addi %iota3A, %add3A_556 : vector<16xi32>
    tpu.vector_store_idx %arg7[%add3A_557, %add3A_545], %gather3A_554 : memref<64x512xf32, #tpu.memory_space<vmem>>[vector<16xi32>, vector<16xi32>], vector<16xf32>,
    %add3A_558 = arith.constant 2 : i32
    %add3A_559 = vector.broadcast %add3A_558 : i32 to vector<16xi32>
    %add3A_560 = arith.addi %select_n3A, %add3A_559 : vector<16xi32>
    %gather3A_561 = tpu.vector_load_idx %arg6[%add3A_550, %add3A_560, %select_n3A_45, %add3A_540] : memref<8x8x8x128xf32, #tpu.memory_space<vmem>>[vector<16xi32>, vector<16xi32>, vector<16xi32>, vector<16xi32>], vector<16xf32>,
    %add3A_562 = arith.constant 16 : i32
    %add3A_563 = vector.broadcast %add3A_562 : i32 to vector<16xi32>
    %add3A_564 = arith.addi %iota3A, %add3A_563 : vector<16xi32>
    tpu.vector_store_idx %arg7[%add3A_564, %add3A_545], %gather3A_561 : memref<64x512xf32, #tpu.memory_space<vmem>>[vector<16xi32>, vector<16xi32>], vector<16xf32>,
    %add3A_565 = arith.constant 4 : i32
    %add3A_566 = vector.broadcast %add3A_565 : i32 to vector<16xi32>
    %add3A_567 = arith.addi %select_n3A, %add3A_566 : vector<16xi32>
    %gather3A_568 = tpu.vector_load_idx %arg6[%add3A_550, %add3A_567, %select_n3A_45, %add3A_540] : memref<8x8x8x128xf32, #tpu.memory_space<vmem>>[vector<16xi32>, vector<16xi32>, vector<16xi32>, vector<16xi32>], vector<16xf32>,
    %add3A_569 = arith.constant 32 : i32
    %add3A_570 = vector.broadcast %add3A_569 : i32 to vector<16xi32>
    %add3A_571 = arith.addi %iota3A, %add3A_570 : vector<16xi32>
    tpu.vector_store_idx %arg7[%add3A_571, %add3A_545], %gather3A_568 : memref<64x512xf32, #tpu.memory_space<vmem>>[vector<16xi32>, vector<16xi32>], vector<16xf32>,
    %add3A_572 = arith.constant 6 : i32
    %add3A_573 = vector.broadcast %add3A_572 : i32 to vector<16xi32>
    %add3A_574 = arith.addi %select_n3A, %add3A_573 : vector<16xi32>
    %gather3A_575 = tpu.vector_load_idx %arg6[%add3A_550, %add3A_574, %select_n3A_45, %add3A_540] : memref<8x8x8x128xf32, #tpu.memory_space<vmem>>[vector<16xi32>, vector<16xi32>, vector<16xi32>, vector<16xi32>], vector<16xf32>,
    %add3A_576 = arith.constant 48 : i32
    %add3A_577 = vector.broadcast %add3A_576 : i32 to vector<16xi32>
    %add3A_578 = arith.addi %iota3A, %add3A_577 : vector<16xi32>
    tpu.vector_store_idx %arg7[%add3A_578, %add3A_545], %gather3A_575 : memref<64x512xf32, #tpu.memory_space<vmem>>[vector<16xi32>, vector<16xi32>], vector<16xf32>,
    "tpu.region"() ({
      %run_scoped3A = tpu.sem_alloc : memref<!tpu.dma_semaphore, #tpu.memory_space<semaphore_mem>>
      %dma_start3A = arith.constant 0 : i32
      %dma_start3A_579 = tpu.memref_slice %arg4[%dma_start3A, %mul3A_2] : memref<64x16384xf32, #tpu.memory_space<hbm>> -> memref<64x512xf32, #tpu.memory_space<hbm>>
      %dma_start3A_580 = arith.constant 0 : i32
      %dma_start3A_581 = tpu.memref_slice %arg4[%dma_start3A_580, %mul3A_2] : memref<64x16384xf32, #tpu.memory_space<hbm>> -> memref<64x512xf32, #tpu.memory_space<hbm>>
      tpu.enqueue_dma source(%arg7 : memref<64x512xf32, #tpu.memory_space<vmem>>) target(%dma_start3A_581 : memref<64x512xf32, #tpu.memory_space<hbm>>) target_semaphore(%run_scoped3A : memref<!tpu.dma_semaphore, #tpu.memory_space<semaphore_mem>>)
      %dma_wait3A_582 = arith.constant 0 : i32
      %dma_wait3A_583 = tpu.memref_slice %arg4[%dma_wait3A_582, %mul3A_2] : memref<64x16384xf32, #tpu.memory_space<hbm>> -> memref<64x512xf32, #tpu.memory_space<hbm>>
      %dma_wait3A_584 = arith.constant 0 : i32
      %dma_wait3A_585 = tpu.memref_slice %arg4[%dma_wait3A_584, %mul3A_2] : memref<64x16384xf32, #tpu.memory_space<hbm>> -> memref<64x512xf32, #tpu.memory_space<hbm>>
      tpu.wait_dma2 semaphore(%run_scoped3A : memref<!tpu.dma_semaphore, #tpu.memory_space<semaphore_mem>>) src(%arg7 : memref<64x512xf32, #tpu.memory_space<vmem>>) dst(%dma_wait3A_585 : memref<64x512xf32, #tpu.memory_space<hbm>>)
      tpu.yield
    }) : () -> ()
    return
  }
}

</mosaic_0001>

<sc_bundles>
// kernel: kernel.3.cloned.1.call-start
scs
__scs_entry_jumppad:
0x0: {  	(pc) =	sbr.rel $0x88, $3  }
0x1: {  	(tag) =	ssettag $0x0;
	lr =	simm.s32 $0x1  }
0x2: {  	[smem:$0x3F9F] =	sst lr;
	_ =	strace $0xD0000000  }
0x3: {  	_ = 	snop  }
0x4: {  	_ = 	snop  }
0x5: {  	_ = 	snop  }
0x6: {  	_ = 	snop  }
0x7: {  	_ = 	snop  }
__scs_overlays_trampoline_lowered:
0x8: {  	[smem:$0x3FAE] =	sst s0  }
0x9: {  	[smem:$0x3FAF] =	sst s1  }
0xa: {  	[smem:$0x3FB0] =	sst s2  }
0xb: {  	[smem:$0x3FB1] =	sst s3  }
0xc: {  	[smem:$0x3FB2] =	sst s4  }
0xd: {  	[smem:$0x3FB3] =	sst s5  }
0xe: {  	[smem:$0x3FB4] =	sst s6  }
0xf: {  	[smem:$0x3FB5] =	sst s7  }
0x10: {  	[smem:$0x3FB6] =	sst s8  }
0x11: {  	[smem:$0x3FB7] =	sst s9;
	s0 =	simm.s32 @!p0 $0x0  }
0x12: {  	s1 =	sld [smem:$0x3F9D];
	s0 =	simm.s32 @p0 $0x1  }
0x13: {  	[smem:$0x3FB8] =	sst s0;
	s0 =	simm.s32 @!p1 $0x0  }
0x14: {  	s2 =	sld [smem:$0x3F9C];
	s0 =	simm.s32 @p1 $0x1  }
0x15: {  	[smem:$0x3FB9] =	sst s0;
	s0 =	simm.s32 @!p2 $0x0  }
0x16: {  	s3 =	sld [smem:$0x3FDB];
	s0 =	simm.s32 @p2 $0x1  }
0x17: {  	s4 =	simm.s32 $0x1BF5;
	[smem:$0x3FBB] =	sst s0  }
0x18: {  	s0 =	sld [smem:$0x3F9E];
	_ =	swait.ge [sflag:s4], $0x0  }
0x19: {  	s7 =	sld [smem:$0x3F9F]  }
0x1a: {  	s8 =	sadd.s32 $0xFFFFE003, lr  }
0x1b: {  	s9 =	sadd.s32 $0xFFFFFEF7, lr;
	s5 =	simm.s32 $0xFFFFFFFF;
	p2 =	slt.u32 s8, $0xFFFFF086  }
0x1c: {  	p1 =	slt.u32 s9, $0xF7A;
	s5 =	simm.s32 @!p2 $0x0  }
0x1d: {  	s5 =	simm.s32 @p1 $0x1;
	p0 =	seq.s32 s7, s2  }
0x1e: {  	s7 =	smul.u32 @!p0 $0xF7A, s2;
	p2 =	seq.s32 @!p0 s5, $0x0  }
0x1f: {  	s9 =	smul.u32 $0xF7A, s1;
	s8 =	simm.s32 @!p0 $0x1BF5;
	p2 =	por !p2, p0  }
0x20: {  	[sflag:s8] =	ssyncset.s32 @!p0 $0xFFFFF086;
	s6 =	sadd.s32 @!p0 s3, s7;
	s7 =	simm.s32 @!p0 $0x108  }
0x21: {  	s3 =	sadd.s32 s3, s9;
	s6 =	sadd.s32 @!p0 $0x88, s6;
	s7 =	simm.s32 @p2 $0x1082  }
0x22: {  	[simem:s7], [sflag:s8] =	dma.local @!p0 [hbm:s6], $0xF7A  }
0x23: {  	s9 =	sor.u32 $0xD0000000, s2;
	s6 =	simm.s32 $0x108;
	_ =	swait.ge @!p0 [sflag:s8], $0x0  }
0x24: {  	s3 =	sadd.s32 $0x88, s3;
	s6 =	simm.s32 @!p1 $0x1082;
	[sflag:s4] =	ssyncset.s32 $0xFFFFF086  }
0x25: {  	[simem:s6], [sflag:s4] =	dma.local [hbm:s3], $0xF7A  }
0x26: {  	[smem:$0x3F9F] =	sst s1;
	(tag) =	ssettag s2;
	_ =	strace s9  }
0x27: {  	s1 =	sld [smem:$0x3FAF]  }
0x28: {  	s2 =	sld [smem:$0x3FB0]  }
0x29: {  	s4 =	sld [smem:$0x3FB2]  }
0x2a: {  	p0 =	seq.s32 s5, $0x0;
	s5 =	sld [smem:$0x3FB3]  }
0x2b: {  	s6 =	sld [smem:$0x3FB4]  }
0x2c: {  	s7 =	sld [smem:$0x3FB5]  }
0x2d: {  	s3 =	simm.s32 $0x108;
	s8 =	sld [smem:$0x3FB6]  }
0x2e: {  	s3 =	simm.s32 @!p0 $0x1082;
	s9 =	sld [smem:$0x3FB7]  }
0x2f: {  	lr =	sadd.s32 s0, s3;
	s0 =	sld [smem:$0x3FAE]  }
0x30: {  	s3 =	sld [smem:$0x3FB1]  }
0x31: {  	[smem:$0x3FBA] =	sst s10  }
0x32: {  	s10 =	sld [smem:$0x3FB8];
	_ =	sdelay $0x3  }
0x33: {  	p0 =	seq.s32 s10, $0x1;
	s10 =	sld [smem:$0x3FBA];
	_ =	sdelay $0x3  }
0x34: {  	[smem:$0x3FBA] =	sst s10  }
0x35: {  	s10 =	sld [smem:$0x3FB9];
	_ =	sdelay $0x3  }
0x36: {  	p1 =	seq.s32 s10, $0x1;
	s10 =	sld [smem:$0x3FBA];
	_ =	sdelay $0x3  }
0x37: {  	[smem:$0x3FBA] =	sst s10  }
0x38: {  	s10 =	sld [smem:$0x3FBB]  }
0x39: {  	_ = 	snop;
	(pc) =	sbr.ind lr, $3  }
0x3a: {  	_ = 	snop  }
0x3b: {  	_ = 	snop  }
0x3c: {  	p2 =	seq.s32 s10, $0x1;
	s10 =	sld [smem:$0x3FBA]  }
0x3d: {  	_ =	shalt  }
0x3e: {  	_ =	shalt  }
0x3f: {  	_ =	shalt  }
0x40: {  	_ =	shalt  }
0x41: {  	_ =	shalt  }
0x42: {  	_ =	shalt  }
0x43: {  	_ =	shalt  }
0x44: {  	_ =	shalt  }
0x45: {  	_ =	shalt  }
0x46: {  	_ =	shalt  }
0x47: {  	_ =	shalt  }
0x48: {  	_ =	shalt  }
0x49: {  	_ =	shalt  }
0x4a: {  	_ =	shalt  }
0x4b: {  	_ =	shalt  }
0x4c: {  	_ =	shalt  }
0x4d: {  	_ =	shalt  }
0x4e: {  	_ =	shalt  }
0x4f: {  	_ =	shalt  }
0x50: {  	_ =	shalt  }
0x51: {  	_ =	shalt  }
0x52: {  	_ =	shalt  }
0x53: {  	_ =	shalt  }
0x54: {  	_ =	shalt  }
0x55: {  	_ =	shalt  }
0x56: {  	_ =	shalt  }
0x57: {  	_ =	shalt  }
0x58: {  	_ =	shalt  }
0x59: {  	_ =	shalt  }
0x5a: {  	_ =	shalt  }
0x5b: {  	_ =	shalt  }
0x5c: {  	_ =	shalt  }
0x5d: {  	_ =	shalt  }
0x5e: {  	_ =	shalt  }
0x5f: {  	_ =	shalt  }
0x60: {  	_ =	shalt  }
0x61: {  	_ =	shalt  }
0x62: {  	_ =	shalt  }
0x63: {  	_ =	shalt  }
0x64: {  	_ =	shalt  }
0x65: {  	_ =	shalt  }
0x66: {  	_ =	shalt  }
0x67: {  	_ =	shalt  }
0x68: {  	_ =	shalt  }
0x69: {  	_ =	shalt  }
0x6a: {  	_ =	shalt  }
0x6b: {  	_ =	shalt  }
0x6c: {  	_ =	shalt  }
0x6d: {  	_ =	shalt  }
0x6e: {  	_ =	shalt  }
0x6f: {  	_ =	shalt  }
0x70: {  	_ =	shalt  }
0x71: {  	_ =	shalt  }
0x72: {  	_ =	shalt  }
0x73: {  	_ =	shalt  }
0x74: {  	_ =	shalt  }
0x75: {  	_ =	shalt  }
0x76: {  	_ =	shalt  }
0x77: {  	_ =	shalt  }
0x78: {  	_ =	shalt  }
0x79: {  	_ =	shalt  }
0x7a: {  	_ =	shalt  }
0x7b: {  	_ =	shalt  }
0x7c: {  	_ =	shalt  }
0x7d: {  	_ =	shalt  }
0x7e: {  	_ =	shalt  }
0x7f: {  	_ =	shalt  }
0x80: {  	_ =	shalt  }
0x81: {  	_ =	shalt  }
0x82: {  	_ =	shalt  }
0x83: {  	_ =	shalt  }
0x84: {  	_ =	shalt  }
0x85: {  	_ =	shalt  }
0x86: {  	_ =	shalt  }
0x87: {  	_ =	shalt  }
.Lfunc_end0:
.L_simem_size_0:
called_computation_lowered:
.L_overlay_start_0:
0x88: {  	s2 =	sld [smem:$0x3FD9]  }
0x89: {  	s3 =	sld [smem:$0x3FFE];
	_ =	sdelay $0x1  }
0x8a: {  	s1 =	srdreg.scid  }
0x8b: {  	s0 =	sand.u32 $0x1, s1  }
0x8c: {  	s18 =	sshll.u32 s0, $0xA;
	s2 =	sadd.s32 s3, s2  }
0x8d: {  	s2 =	sadd.s32 s2, s18  }
0x8e: {  	[smem:$0x3FC6] =	sst s2  }
0x8f: {  	_ = 	snop  }
0x90: {  	s2 =	sld [smem:$0x3FC9]  }
0x91: {  	s19 =	sld [smem:$0x3FC8]  }
0x92: {  	s4 =	sld [smem:$0x3FD0];
	(tm) =	ssettm $0x1  }
0x93: {  	s5 =	sld [smem:$0x3FFB];
	_ =	sdelay $0x3  }
0x94: {  	_ =	strace s5  }
0x95: {  	s5 =	sld [smem:$0x3FFC];
	_ =	sdelay $0x3  }
0x96: {  	_ =	strace s5  }
0x97: {  	s5 =	sld [smem:$0x3FFD];
	_ =	sdelay $0x3  }
0x98: {  	_ =	strace s5  }
0x99: {  	_ =	strace $0x8FFFFFFF  }
0x9a: {  	s20 =	sld [smem:$0x3FDB];
	_ =	sdelay $0x1  }
0x9b: {  	s6 =	simm.s32 $_scs_section_size  }
0x9c: {  	s7 =	simm.s32 $_size__tile_overlayer_lowered;
	s8 =	simm.s32 $_tile_overlayer_lowered  }
0x9d: {  	s23 =	simm.s32 $0x1BFF;
	s22 =	sshll.u32 s8, $0x1;
	s5 =	sadd.s32 s6, s20  }
0x9e: {  	s9 =	simm.s32 $0x0;
	s21 =	sshll.u32 s7, $0x1;
	s7 =	sadd.s32 s22, s5  }
0x9f: {  	[timem:s9], [sflag:s23] =	dma.local [hbm:s7], s21  }
0xa0: {  	_ =	swait.ge [sflag:s23], s21  }
0xa1: {  	s6 =	ssub.s32 $0x0, s21;
	[sflag:s23] =	ssyncset.done $0x0  }
0xa2: {  	[sflag:s23] =	ssyncadd.s32 s6;
	_ =	sdelay $0x1  }
0xa3: {  	s24 =	simm.s32 $0x1B8B  }
0xa4: {  	_ =	swait.ge [sflag:s24], $0x1  }
0xa5: {  	[sflag:s24] =	ssyncset.done $0x0  }
0xa6: {  	s25 =	simm.s32 $0x1B8E;
	[sflag:s24] =	ssyncadd.s32 $0xFFFFFFFF  }
0xa7: {  	s26 =	simm.s32 $execute0_lowered;
	[smem:$0x3FD2] =	sst s25  }
0xa8: {  	s6 =	sshll.u32 s26, $0x1;
	_ =	strace $0x80000046;
	[dreg:$0x1] =	wrdreg $0xFFFFFFFF  }
0xa9: {  	s28 =	simm.s32 $_size_execute0_lowered;
	s5 =	sadd.s32 s5, s6;
	[dreg:$0x0] =	wrdreg $0x0  }
0xaa: {  	s6 =	sshll.u32 s28, $0x1;
	[dreg:$0x2] =	wrdreg s5  }
0xab: {  	[dreg:$0x3] =	wrdreg s6  }
0xac: {  	[dreg:$0x4] =	wrdreg $0xC0  }
0xad: {  	_ =	task [dreg:s9], $0x5FFFF  }
0xae: {  	[dreg:$0x1] =	wrdreg $0xFFFFFFFF  }
0xaf: {  	[dreg:$0x0] =	wrdreg $0x60  }
0xb0: {  	[dreg:$0x2] =	wrdreg s2  }
0xb1: {  	[dreg:$0x3] =	wrdreg s19  }
0xb2: {  	[dreg:$0x4] =	wrdreg s4  }
0xb3: {  	[dreg:$0x5] =	wrdreg $0x9  }
0xb4: {  	_ =	task.clear_ibuf [dreg:s9], $0x6FFFF;
	_ =	strace $0x90000046  }
0xb5: {  	s29 =	simm.s32 $0x9;
	_ =	strace $0x80000048  }
0xb6: {  	_ =	swait.ge [sflag:s29], $0x1  }
0xb7: {  	[sflag:s29] =	ssyncadd.s32 $0xFFFFFFFF  }
0xb8: {  	_ =	strace $0x90000048  }
0xb9: {  	_ =	sfence  }
0xba: {  	s30 =	sld [smem:$0x0];
	_ =	sdelay $0x2  }
0xbb: {  	s31 =	sshll.u32 s1, $0xD;
	s1 =	sshrl.u32 s1, $0x2  }
0xbc: {  	s3 =	sand.u32 $0x4000, s31;
	s1 =	sadd.s32 s1, s30  }
0xbd: {  	s0 =	sor.u32 s3, s0;
	s1 =	sshll.u32 s1, $0x11  }
0xbe: {  	s0 =	sor.u32 s1, s0  }
0xbf: {  	s0 =	sadd.s32 $0x8F2B, s0  }
0xc0: {  	[sflag:s0] =	ssyncadd.remote.s32 $0x1  }
0xc1: {  	_ =	sfence.sel $0xFFFF  }
0xc2: {  	[dreg:$0x0] =	wrdreg $0xFFFFFFFF;
	(pc) =	sbr.abs _section_cstart, $3  }
0xc3: {  	[dreg:$0x1] =	wrdreg $0xFFFFFFFF  }
0xc4: {  	_ =	task.clear_ibuf [dreg:s9], $0x2FFFF;
	_ =	strace $0x9FFFFFFF  }
0xc5: {  	(tm) =	ssettm $0x7FFFFFFF  }
tec
execute0_lowered:
.L_overlay_start_1:
0x0: {  	(tag) =	ssettag $0x1  }
0x1: {  	v0 =	vimm.s32 $0x1380;
	vm14 =	vcmask $0x300;
	vm13 =	vcmask $0x704  }
0x2: {  	vm12 =	vcmask $0xB08;
	vm11 =	vcmask $0xF0C;
	vm10 =	vcmask $0x1310  }
0x3: {  	vm9 =	vcmask $0x1714;
	vm8 =	vcmask $0x1B18;
	vm7 =	vcmask $0x1F1C  }
0x4: {  	vm6 =	vcmask $0x2320;
	vm5 =	vcmask $0x2724;
	vm4 =	vcmask $0x2B28  }
0x5: {  	vm3 =	vcmask $0x2F2C;
	v1 =	vlaneseq.u32;
	vm2 =	vcmask $0x3330  }
0x6: {  	vm1 =	vcmask $0x3734;
	vm0 =	vcmask $0x3B38;
	v3 =	vimm.s32 $0x3380  }
0x7: {  	v4 =	vimm.s32 $0x5380;
	v5 =	vimm.s32 $0x7380;
	v19 =	vimm.s32 $0x1FF8  }
0x8: {  	v20 =	vimm.s32 $0x3FF8;
	v40 =	vimm.s32 $0x5FF8;
	v41 =	vimm.s32 $0x7FF8  }
0x9: {  	v34 =	vimm.s32 $0x1FF9;
	v45 =	vimm.s32 $0x3FF9;
	v46 =	vimm.s32 $0x5FF9  }
0xa: {  	v47 =	vimm.s32 $0x7FF9;
	v51 =	vimm.s32 $0x1FFA;
	v52 =	vimm.s32 $0x3FFA  }
0xb: {  	v53 =	vimm.s32 $0x5FFA;
	v57 =	vimm.s32 $0x7FFA;
	v58 =	vimm.s32 $0x1FFB  }
0xc: {  	v59 =	vimm.s32 $0x3FFB;
	v62 =	vimm.s32 $0x5FFB;
	v63 =	vimm.s32 $0x7FFB  }
0xd: {  	v36 =	vimm.s32 $0x1FFC;
	v39 =	vimm.s32 $0x3FFC;
	v0 =	vsel vm14, $0x0, v0  }
0xe: {  	v3 =	vsel vm14, $0x2000, v3;
	v4 =	vsel vm14, $0x4000, v4;
	v5 =	vsel vm14, $0x6000, v5  }
0xf: {  	v21 =	vsel vm14, $0xC78, v19;
	v20 =	vsel vm14, $0x2C78, v20;
	v34 =	vsel vm14, $0xC79, v34  }
0x10: {  	v0 =	vsel vm13, $0x80, v0;
	v3 =	vsel vm13, $0x2080, v3;
	v4 =	vsel vm13, $0x4080, v4  }
0x11: {  	v5 =	vsel vm13, $0x6080, v5;
	v21 =	vsel vm13, $0xCF8, v21;
	v22 =	vsel vm13, $0x2CF8, v20  }
0x12: {  	v34 =	vsel vm13, $0xCF9, v34;
	v0 =	vsel vm12, $0x100, v0;
	v3 =	vsel vm12, $0x2100, v3  }
0x13: {  	v4 =	vsel vm12, $0x4100, v4;
	v5 =	vsel vm12, $0x6100, v5;
	v23 =	vsel vm12, $0xD78, v21  }
0x14: {  	v22 =	vsel vm12, $0x2D78, v22;
	v34 =	vsel vm12, $0xD79, v34;
	v0 =	vsel vm11, $0x180, v0  }
0x15: {  	v3 =	vsel vm11, $0x2180, v3;
	v4 =	vsel vm11, $0x4180, v4;
	v5 =	vsel vm11, $0x6180, v5  }
0x16: {  	v23 =	vsel vm11, $0xDF8, v23;
	v24 =	vsel vm11, $0x2DF8, v22;
	v34 =	vsel vm11, $0xDF9, v34  }
0x17: {  	v0 =	vsel vm10, $0x200, v0;
	v3 =	vsel vm10, $0x2200, v3;
	v4 =	vsel vm10, $0x4200, v4  }
0x18: {  	v5 =	vsel vm10, $0x6200, v5;
	v25 =	vsel vm10, $0xE78, v23;
	v24 =	vsel vm10, $0x2E78, v24  }
0x19: {  	v34 =	vsel vm10, $0xE79, v34;
	v0 =	vsel vm9, $0x280, v0;
	v3 =	vsel vm9, $0x2280, v3  }
0x1a: {  	v4 =	vsel vm9, $0x4280, v4;
	v5 =	vsel vm9, $0x6280, v5;
	v25 =	vsel vm9, $0xEF8, v25  }
0x1b: {  	v26 =	vsel vm9, $0x2EF8, v24;
	v34 =	vsel vm9, $0xEF9, v34;
	v0 =	vsel vm8, $0x300, v0  }
0x1c: {  	v3 =	vsel vm8, $0x2300, v3;
	v4 =	vsel vm8, $0x4300, v4;
	v5 =	vsel vm8, $0x6300, v5  }
0x1d: {  	v27 =	vsel vm8, $0xF78, v25;
	v26 =	vsel vm8, $0x2F78, v26;
	v34 =	vsel vm8, $0xF79, v34  }
0x1e: {  	v0 =	vsel vm7, $0x380, v0;
	v3 =	vsel vm7, $0x2380, v3;
	v4 =	vsel vm7, $0x4380, v4  }
0x1f: {  	v5 =	vsel vm7, $0x6380, v5;
	v27 =	vsel vm7, $0xFF8, v27;
	v28 =	vsel vm7, $0x2FF8, v26  }
0x20: {  	v34 =	vsel vm7, $0xFF9, v34;
	v0 =	vsel vm6, $0x1000, v0;
	v3 =	vsel vm6, $0x3000, v3  }
0x21: {  	v4 =	vsel vm6, $0x5000, v4;
	v5 =	vsel vm6, $0x7000, v5;
	v29 =	vsel vm6, $0x1C78, v27  }
0x22: {  	v28 =	vsel vm6, $0x3C78, v28;
	v34 =	vsel vm6, $0x1C79, v34;
	v0 =	vsel vm5, $0x1080, v0  }
0x23: {  	v3 =	vsel vm5, $0x3080, v3;
	v4 =	vsel vm5, $0x5080, v4;
	v5 =	vsel vm5, $0x7080, v5  }
0x24: {  	v29 =	vsel vm5, $0x1CF8, v29;
	v30 =	vsel vm5, $0x3CF8, v28;
	v34 =	vsel vm5, $0x1CF9, v34  }
0x25: {  	v0 =	vsel vm4, $0x1100, v0;
	v3 =	vsel vm4, $0x3100, v3;
	v4 =	vsel vm4, $0x5100, v4  }
0x26: {  	v5 =	vsel vm4, $0x7100, v5;
	v31 =	vsel vm4, $0x1D78, v29;
	v30 =	vsel vm4, $0x3D78, v30  }
0x27: {  	v34 =	vsel vm4, $0x1D79, v34;
	v2 =	vsel vm3, $0x1180, v0;
	v0 =	vmul.u32 $0x80, v1  }
0x28: {  	v3 =	vsel vm3, $0x3180, v3;
	v4 =	vsel vm3, $0x5180, v4;
	v5 =	vsel vm3, $0x7180, v5  }
0x29: {  	v31 =	vsel vm3, $0x1DF8, v31;
	v32 =	vsel vm3, $0x3DF8, v30;
	v34 =	vsel vm3, $0x1DF9, v34  }
0x2a: {  	v1 =	vsel vm2, $0x1200, v2;
	v3 =	vsel vm2, $0x3200, v3;
	v6 =	vsel vm2, $0x5200, v4  }
0x2b: {  	v5 =	vsel vm2, $0x7200, v5;
	v33 =	vsel vm2, $0x1E78, v31;
	v32 =	vsel vm2, $0x3E78, v32  }
0x2c: {  	v34 =	vsel vm2, $0x1E79, v34;
	v1 =	vsel vm1, $0x1280, v1;
	v2 =	vor.u32 $0x800, v0  }
0x2d: {  	v3 =	vsel vm1, $0x3280, v3;
	v4 =	vor.u32 $0x1000, v0;
	v6 =	vsel vm1, $0x5280, v6  }
0x2e: {  	v7 =	vsel vm1, $0x7280, v5;
	v8 =	vor.u32 $0x2000, v0;
	v9 =	vor.u32 $0x2800, v0  }
0x2f: {  	v10 =	vor.u32 $0x3000, v0;
	v11 =	vor.u32 $0x3800, v0;
	v12 =	vor.u32 $0x4000, v0  }
0x30: {  	v13 =	vor.u32 $0x4800, v0;
	v14 =	vor.u32 $0x5000, v0;
	v15 =	vor.u32 $0x5800, v0  }
0x31: {  	v16 =	vor.u32 $0x6000, v0;
	v17 =	vor.u32 $0x6800, v0;
	v18 =	vor.u32 $0x7000, v0  }
0x32: {  	v19 =	vor.u32 $0x7800, v0;
	v20 =	vor.u32 $0x8000, v0;
	v21 =	vor.u32 $0x8800, v0  }
0x33: {  	v22 =	vor.u32 $0x9000, v0;
	v23 =	vor.u32 $0x9800, v0;
	v24 =	vor.u32 $0xA000, v0  }
0x34: {  	v25 =	vor.u32 $0xA800, v0;
	v26 =	vor.u32 $0xB000, v0;
	v27 =	vor.u32 $0xB800, v0  }
0x35: {  	v28 =	vor.u32 $0xC000, v0;
	v29 =	vor.u32 $0xC800, v0;
	v30 =	vor.u32 $0xD000, v0  }
0x36: {  	v31 =	vor.u32 $0xD800, v0;
	v33 =	vsel vm1, $0x1EF8, v33;
	v32 =	vsel vm1, $0x3EF8, v32  }
0x37: {  	v43 =	vsel vm1, $0x1EF9, v34;
	v34 =	vsel vm14, $0x6C79, v47;
	v35 =	vor.u32 $0xF800, v0  }
0x38: {  	v1 =	vsel vm0, $0x1300, v1;
	v3 =	vsel vm0, $0x3300, v3;
	v5 =	vsel vm0, $0x5300, v6  }
0x39: {  	v6 =	vor.u32 $0x1800, v0;
	v7 =	vsel vm0, $0x7300, v7;
	v33 =	vsel vm0, $0x1F78, v33  }
0x3a: {  	v32 =	vsel vm0, $0x3F78, v32;
	v44 =	vsel vm0, $0x1F79, v43;
	v34 =	vsel vm13, $0x6CF9, v34;
	[tilespmem:$0x1FF40] =	vst v33  }
0x3b: {  	[tilespmem:$0x1FF50] =	vst v32;
	v32 =	vsel vm14, $0x4C78, v40;
	v33 =	vsel vm14, $0x6C78, v41;
	v34 =	vsel vm12, $0x6D79, v34  }
0x3c: {  	v40 =	vimm.s32 $0x5FFC;
	v41 =	vimm.s32 $0x7FFC;
	v32 =	vsel vm13, $0x4CF8, v32  }
0x3d: {  	v33 =	vsel vm13, $0x6CF8, v33;
	v34 =	vsel vm11, $0x6DF9, v34;
	v32 =	vsel vm12, $0x4D78, v32  }
0x3e: {  	v33 =	vsel vm12, $0x6D78, v33;
	v34 =	vsel vm10, $0x6E79, v34;
	v32 =	vsel vm11, $0x4DF8, v32  }
0x3f: {  	v33 =	vsel vm11, $0x6DF8, v33;
	v34 =	vsel vm9, $0x6EF9, v34;
	v32 =	vsel vm10, $0x4E78, v32  }
0x40: {  	v33 =	vsel vm10, $0x6E78, v33;
	v34 =	vsel vm8, $0x6F79, v34;
	v32 =	vsel vm9, $0x4EF8, v32  }
0x41: {  	v33 =	vsel vm9, $0x6EF8, v33;
	v34 =	vsel vm7, $0x6FF9, v34;
	v32 =	vsel vm8, $0x4F78, v32  }
0x42: {  	v33 =	vsel vm8, $0x6F78, v33;
	v34 =	vsel vm6, $0x7C79, v34;
	v32 =	vsel vm7, $0x4FF8, v32  }
0x43: {  	v33 =	vsel vm7, $0x6FF8, v33;
	v34 =	vsel vm5, $0x7CF9, v34;
	v32 =	vsel vm6, $0x5C78, v32  }
0x44: {  	v33 =	vsel vm6, $0x7C78, v33;
	v34 =	vsel vm4, $0x7D79, v34;
	v32 =	vsel vm5, $0x5CF8, v32  }
0x45: {  	v33 =	vsel vm5, $0x7CF8, v33;
	v34 =	vsel vm3, $0x7DF9, v34;
	v32 =	vsel vm4, $0x5D78, v32  }
0x46: {  	v33 =	vsel vm4, $0x7D78, v33;
	v34 =	vsel vm2, $0x7E79, v34;
	v32 =	vsel vm3, $0x5DF8, v32  }
0x47: {  	v33 =	vsel vm3, $0x7DF8, v33;
	v49 =	vsel vm1, $0x7EF9, v34;
	v34 =	vsel vm14, $0x4C7A, v53  }
0x48: {  	v53 =	vimm.s32 $0x3FFD;
	v32 =	vsel vm2, $0x5E78, v32;
	v33 =	vsel vm2, $0x7E78, v33  }
0x49: {  	v50 =	vsel vm0, $0x7F79, v49;
	v34 =	vsel vm13, $0x4CFA, v34;
	v32 =	vsel vm1, $0x5EF8, v32  }
0x4a: {  	v42 =	vsel vm1, $0x7EF8, v33;
	v33 =	vsel vm14, $0x4C79, v46;
	v34 =	vsel vm12, $0x4D7A, v34  }
0x4b: {  	v32 =	vsel vm0, $0x5F78, v32;
	v33 =	vsel vm13, $0x4CF9, v33;
	v34 =	vsel vm11, $0x4DFA, v34  }
0x4c: {  	[tilespmem:$0x1FF60] =	vst v32;
	v32 =	vsel vm0, $0x7F78, v42;
	v33 =	vsel vm12, $0x4D79, v33;
	v34 =	vsel vm10, $0x4E7A, v34  }
0x4d: {  	[tilespmem:$0x1FF70] =	vst v32;
	v32 =	vsel vm14, $0x2C79, v45;
	v33 =	vsel vm11, $0x4DF9, v33;
	v34 =	vsel vm9, $0x4EFA, v34  }
0x4e: {  	v32 =	vsel vm13, $0x2CF9, v32;
	v33 =	vsel vm10, $0x4E79, v33;
	v34 =	vsel vm8, $0x4F7A, v34  }
0x4f: {  	v32 =	vsel vm12, $0x2D79, v32;
	v33 =	vsel vm9, $0x4EF9, v33;
	v34 =	vsel vm7, $0x4FFA, v34  }
0x50: {  	v32 =	vsel vm11, $0x2DF9, v32;
	v33 =	vsel vm8, $0x4F79, v33;
	v34 =	vsel vm6, $0x5C7A, v34  }
0x51: {  	v32 =	vsel vm10, $0x2E79, v32;
	v33 =	vsel vm7, $0x4FF9, v33;
	v34 =	vsel vm5, $0x5CFA, v34  }
0x52: {  	v32 =	vsel vm9, $0x2EF9, v32;
	v33 =	vsel vm6, $0x5C79, v33;
	v34 =	vsel vm4, $0x5D7A, v34  }
0x53: {  	v32 =	vsel vm8, $0x2F79, v32;
	v33 =	vsel vm5, $0x5CF9, v33;
	v34 =	vsel vm3, $0x5DFA, v34  }
0x54: {  	v32 =	vsel vm7, $0x2FF9, v32;
	v33 =	vsel vm4, $0x5D79, v33;
	v34 =	vsel vm2, $0x5E7A, v34  }
0x55: {  	v32 =	vsel vm6, $0x3C79, v32;
	v33 =	vsel vm3, $0x5DF9, v33;
	v55 =	vsel vm1, $0x5EFA, v34  }
0x56: {  	v34 =	vsel vm14, $0x2C7B, v59;
	v59 =	vimm.s32 $0x3FFE;
	v32 =	vsel vm5, $0x3CF9, v32  }
0x57: {  	v33 =	vsel vm2, $0x5E79, v33;
	v56 =	vsel vm0, $0x5F7A, v55;
	v32 =	vsel vm4, $0x3D79, v32  }
0x58: {  	v34 =	vsel vm13, $0x2CFB, v34;
	v48 =	vsel vm1, $0x5EF9, v33;
	v32 =	vsel vm3, $0x3DF9, v32  }
0x59: {  	v33 =	vsel vm14, $0x2C7A, v52;
	v34 =	vsel vm12, $0x2D7B, v34;
	v32 =	vsel vm2, $0x3E79, v32  }
0x5a: {  	v52 =	vimm.s32 $0x1FFD;
	v33 =	vsel vm13, $0x2CFA, v33;
	v32 =	vsel vm1, $0x3EF9, v32  }
0x5b: {  	v34 =	vsel vm11, $0x2DFB, v34;
	v33 =	vsel vm12, $0x2D7A, v33;
	v32 =	vsel vm0, $0x3F79, v32  }
0x5c: {  	v34 =	vsel vm10, $0x2E7B, v34;
	v33 =	vsel vm11, $0x2DFA, v33;
	[tilespmem:$0x1FF90] =	vst v32;
	v32 =	vsel vm0, $0x5F79, v48  }
0x5d: {  	v34 =	vsel vm9, $0x2EFB, v34;
	v33 =	vsel vm10, $0x2E7A, v33;
	[tilespmem:$0x1FFA0] =	vst v32;
	v32 =	vsel vm14, $0xC7A, v51  }
0x5e: {  	v34 =	vsel vm8, $0x2F7B, v34;
	v33 =	vsel vm9, $0x2EFA, v33;
	v32 =	vsel vm13, $0xCFA, v32  }
0x5f: {  	v34 =	vsel vm7, $0x2FFB, v34;
	v33 =	vsel vm8, $0x2F7A, v33;
	v32 =	vsel vm12, $0xD7A, v32  }
0x60: {  	v34 =	vsel vm6, $0x3C7B, v34;
	v33 =	vsel vm7, $0x2FFA, v33;
	v32 =	vsel vm11, $0xDFA, v32  }
0x61: {  	v34 =	vsel vm5, $0x3CFB, v34;
	v33 =	vsel vm6, $0x3C7A, v33;
	v32 =	vsel vm10, $0xE7A, v32  }
0x62: {  	v34 =	vsel vm4, $0x3D7B, v34;
	v33 =	vsel vm5, $0x3CFA, v33;
	v32 =	vsel vm9, $0xEFA, v32  }
0x63: {  	v34 =	vsel vm3, $0x3DFB, v34;
	v33 =	vsel vm4, $0x3D7A, v33;
	v32 =	vsel vm8, $0xF7A, v32  }
0x64: {  	v34 =	vsel vm2, $0x3E7B, v34;
	v33 =	vsel vm3, $0x3DFA, v33;
	v32 =	vsel vm7, $0xFFA, v32  }
0x65: {  	v61 =	vsel vm1, $0x3EFB, v34;
	v34 =	vsel vm14, $0xC7C, v36;
	v32 =	vsel vm6, $0x1C7A, v32  }
0x66: {  	v36 =	vimm.s32 $0x1FFF;
	v33 =	vsel vm2, $0x3E7A, v33;
	v32 =	vsel vm5, $0x1CFA, v32  }
0x67: {  	v45 =	vsel vm0, $0x3F7B, v61;
	v34 =	vsel vm13, $0xCFC, v34;
	v32 =	vsel vm4, $0x1D7A, v32  }
0x68: {  	v54 =	vsel vm1, $0x3EFA, v33;
	v33 =	vsel vm14, $0xC7B, v58;
	v32 =	vsel vm3, $0x1DFA, v32  }
0x69: {  	v34 =	vsel vm12, $0xD7C, v34;
	v58 =	vimm.s32 $0x1FFE;
	v32 =	vsel vm2, $0x1E7A, v32  }
0x6a: {  	v33 =	vsel vm13, $0xCFB, v33;
	v34 =	vsel vm11, $0xDFC, v34;
	v32 =	vsel vm1, $0x1EFA, v32  }
0x6b: {  	v33 =	vsel vm12, $0xD7B, v33;
	v34 =	vsel vm10, $0xE7C, v34;
	v32 =	vsel vm0, $0x1F7A, v32  }
0x6c: {  	v33 =	vsel vm11, $0xDFB, v33;
	v34 =	vsel vm9, $0xEFC, v34;
	[tilespmem:$0x1FFC0] =	vst v32;
	v32 =	vsel vm0, $0x3F7A, v54  }
0x6d: {  	v33 =	vsel vm10, $0xE7B, v33;
	v34 =	vsel vm8, $0xF7C, v34;
	[tilespmem:$0x1FFD0] =	vst v32;
	v32 =	vsel vm14, $0x6C7A, v57  }
0x6e: {  	v33 =	vsel vm9, $0xEFB, v33;
	v34 =	vsel vm7, $0xFFC, v34;
	v32 =	vsel vm13, $0x6CFA, v32  }
0x6f: {  	v33 =	vsel vm8, $0xF7B, v33;
	v34 =	vsel vm6, $0x1C7C, v34;
	v32 =	vsel vm12, $0x6D7A, v32  }
0x70: {  	v33 =	vsel vm7, $0xFFB, v33;
	v34 =	vsel vm5, $0x1CFC, v34;
	v32 =	vsel vm11, $0x6DFA, v32  }
0x71: {  	v33 =	vsel vm6, $0x1C7B, v33;
	v34 =	vsel vm4, $0x1D7C, v34;
	v32 =	vsel vm10, $0x6E7A, v32  }
0x72: {  	v54 =	vimm.s32 $0x5FFD;
	v33 =	vsel vm5, $0x1CFB, v33;
	v32 =	vsel vm9, $0x6EFA, v32  }
0x73: {  	v34 =	vsel vm3, $0x1DFC, v34;
	v57 =	vimm.s32 $0x7FFD;
	v32 =	vsel vm8, $0x6F7A, v32  }
0x74: {  	v33 =	vsel vm4, $0x1D7B, v33;
	v34 =	vsel vm2, $0x1E7C, v34;
	v32 =	vsel vm7, $0x6FFA, v32  }
0x75: {  	v33 =	vsel vm3, $0x1DFB, v33;
	v38 =	vsel vm1, $0x1EFC, v34;
	v32 =	vsel vm6, $0x7C7A, v32  }
0x76: {  	v34 =	vsel vm14, $0x6C7C, v41;
	v41 =	vimm.s32 $0x7FFF;
	v32 =	vsel vm5, $0x7CFA, v32  }
0x77: {  	v33 =	vsel vm2, $0x1E7B, v33;
	v48 =	vsel vm0, $0x1F7C, v38;
	v32 =	vsel vm4, $0x7D7A, v32  }
0x78: {  	v34 =	vsel vm13, $0x6CFC, v34;
	v60 =	vsel vm1, $0x1EFB, v33;
	v32 =	vsel vm3, $0x7DFA, v32  }
0x79: {  	v33 =	vsel vm14, $0x6C7B, v63;
	v34 =	vsel vm12, $0x6D7C, v34;
	v32 =	vsel vm2, $0x7E7A, v32  }
0x7a: {  	[tilespmem:$0x1FF80] =	vst v44;
	v63 =	vimm.s32 $0x7FFE;
	v44 =	vsel vm0, $0x1F7B, v60;
	v32 =	vsel vm1, $0x7EFA, v32  }
0x7b: {  	v33 =	vsel vm13, $0x6CFB, v33;
	v34 =	vsel vm11, $0x6DFC, v34;
	v32 =	vsel vm0, $0x7F7A, v32  }
0x7c: {  	v33 =	vsel vm12, $0x6D7B, v33;
	v34 =	vsel vm10, $0x6E7C, v34;
	[tilespmem:$0x1FFF0] =	vst v32;
	v32 =	vsel vm14, $0x4C7B, v62  }
0x7d: {  	v33 =	vsel vm11, $0x6DFB, v33;
	v34 =	vsel vm9, $0x6EFC, v34;
	v32 =	vsel vm13, $0x4CFB, v32  }
0x7e: {  	v33 =	vsel vm10, $0x6E7B, v33;
	v34 =	vsel vm8, $0x6F7C, v34;
	v32 =	vsel vm12, $0x4D7B, v32  }
0x7f: {  	v33 =	vsel vm9, $0x6EFB, v33;
	v34 =	vsel vm7, $0x6FFC, v34;
	v32 =	vsel vm11, $0x4DFB, v32  }
0x80: {  	v33 =	vsel vm8, $0x6F7B, v33;
	v34 =	vsel vm6, $0x7C7C, v34;
	v32 =	vsel vm10, $0x4E7B, v32  }
0x81: {  	v33 =	vsel vm7, $0x6FFB, v33;
	v34 =	vsel vm5, $0x7CFC, v34;
	v32 =	vsel vm9, $0x4EFB, v32  }
0x82: {  	v33 =	vsel vm6, $0x7C7B, v33;
	v34 =	vsel vm4, $0x7D7C, v34;
	v32 =	vsel vm8, $0x4F7B, v32  }
0x83: {  	v33 =	vsel vm5, $0x7CFB, v33;
	v34 =	vsel vm3, $0x7DFC, v34;
	v32 =	vsel vm7, $0x4FFB, v32  }
0x84: {  	v33 =	vsel vm4, $0x7D7B, v33;
	v34 =	vsel vm2, $0x7E7C, v34;
	v32 =	vsel vm6, $0x5C7B, v32  }
0x85: {  	v33 =	vsel vm3, $0x7DFB, v33;
	v43 =	vsel vm1, $0x7EFC, v34;
	v32 =	vsel vm5, $0x5CFB, v32  }
0x86: {  	v34 =	vsel vm14, $0x4C7D, v54;
	v62 =	vimm.s32 $0x5FFE;
	v32 =	vsel vm4, $0x5D7B, v32  }
0x87: {  	v33 =	vsel vm2, $0x7E7B, v33;
	v51 =	vsel vm0, $0x7F7C, v43;
	v32 =	vsel vm3, $0x5DFB, v32  }
0x88: {  	v34 =	vsel vm13, $0x4CFD, v34;
	v37 =	vsel vm1, $0x7EFB, v33;
	v32 =	vsel vm2, $0x5E7B, v32  }
0x89: {  	v33 =	vsel vm14, $0x4C7C, v40;
	v34 =	vsel vm12, $0x4D7D, v34;
	v32 =	vsel vm1, $0x5EFB, v32  }
0x8a: {  	v40 =	vimm.s32 $0x5FFF;
	v46 =	vsel vm0, $0x5F7B, v32;
	v32 =	vsel vm14, $0x2C7C, v39  }
0x8b: {  	v47 =	vsel vm0, $0x7F7B, v37;
	v33 =	vsel vm13, $0x4CFC, v33;
	v32 =	vsel vm13, $0x2CFC, v32  }
0x8c: {  	v34 =	vsel vm11, $0x4DFD, v34;
	v33 =	vsel vm12, $0x4D7C, v33;
	v32 =	vsel vm12, $0x2D7C, v32  }
0x8d: {  	v34 =	vsel vm10, $0x4E7D, v34;
	v33 =	vsel vm11, $0x4DFC, v33;
	v32 =	vsel vm11, $0x2DFC, v32  }
0x8e: {  	v34 =	vsel vm9, $0x4EFD, v34;
	v33 =	vsel vm10, $0x4E7C, v33;
	v32 =	vsel vm10, $0x2E7C, v32  }
0x8f: {  	v34 =	vsel vm8, $0x4F7D, v34;
	v33 =	vsel vm9, $0x4EFC, v33;
	v32 =	vsel vm9, $0x2EFC, v32  }
0x90: {  	v34 =	vsel vm7, $0x4FFD, v34;
	v33 =	vsel vm8, $0x4F7C, v33;
	v32 =	vsel vm8, $0x2F7C, v32  }
0x91: {  	v34 =	vsel vm6, $0x5C7D, v34;
	v33 =	vsel vm7, $0x4FFC, v33;
	v32 =	vsel vm7, $0x2FFC, v32  }
0x92: {  	v34 =	vsel vm5, $0x5CFD, v34;
	v33 =	vsel vm6, $0x5C7C, v33;
	v32 =	vsel vm6, $0x3C7C, v32  }
0x93: {  	v34 =	vsel vm4, $0x5D7D, v34;
	v33 =	vsel vm5, $0x5CFC, v33;
	v32 =	vsel vm5, $0x3CFC, v32  }
0x94: {  	v34 =	vsel vm3, $0x5DFD, v34;
	v33 =	vsel vm4, $0x5D7C, v33;
	v32 =	vsel vm4, $0x3D7C, v32  }
0x95: {  	v34 =	vsel vm2, $0x5E7D, v34;
	v33 =	vsel vm3, $0x5DFC, v33;
	v32 =	vsel vm3, $0x3DFC, v32  }
0x96: {  	[tilespmem:$0x1FFE0] =	vst v56;
	v56 =	vsel vm1, $0x5EFD, v34;
	v33 =	vsel vm2, $0x5E7C, v33;
	v32 =	vsel vm2, $0x3E7C, v32  }
0x97: {  	v34 =	vsel vm14, $0x2C7E, v59;
	v42 =	vsel vm1, $0x5EFC, v33;
	v32 =	vsel vm1, $0x3EFC, v32  }
0x98: {  	v33 =	vsel vm14, $0x2C7D, v53;
	v49 =	vsel vm0, $0x3F7C, v32;
	v32 =	vsel vm14, $0xC7D, v52  }
0x99: {  	v54 =	vsel vm0, $0x5F7D, v56;
	v33 =	vsel vm13, $0x2CFD, v33;
	v32 =	vsel vm13, $0xCFD, v32  }
0x9a: {  	v34 =	vsel vm13, $0x2CFE, v34;
	v33 =	vsel vm12, $0x2D7D, v33;
	v32 =	vsel vm12, $0xD7D, v32  }
0x9b: {  	v39 =	vimm.s32 $0x3FFF;
	v33 =	vsel vm11, $0x2DFD, v33;
	v32 =	vsel vm11, $0xDFD, v32  }
0x9c: {  	v34 =	vsel vm12, $0x2D7E, v34;
	v33 =	vsel vm10, $0x2E7D, v33;
	v32 =	vsel vm10, $0xE7D, v32  }
0x9d: {  	[tilespmem:$0x1FFB0] =	vst v50;
	v50 =	vsel vm0, $0x5F7C, v42;
	v33 =	vsel vm9, $0x2EFD, v33;
	v32 =	vsel vm9, $0xEFD, v32  }
0x9e: {  	v34 =	vsel vm11, $0x2DFE, v34;
	v33 =	vsel vm8, $0x2F7D, v33;
	v32 =	vsel vm8, $0xF7D, v32  }
0x9f: {  	v34 =	vsel vm10, $0x2E7E, v34;
	v33 =	vsel vm7, $0x2FFD, v33;
	v32 =	vsel vm7, $0xFFD, v32  }
0xa0: {  	v34 =	vsel vm9, $0x2EFE, v34;
	v33 =	vsel vm6, $0x3C7D, v33;
	v32 =	vsel vm6, $0x1C7D, v32  }
0xa1: {  	v34 =	vsel vm8, $0x2F7E, v34;
	v33 =	vsel vm5, $0x3CFD, v33;
	v32 =	vsel vm5, $0x1CFD, v32  }
0xa2: {  	v34 =	vsel vm7, $0x2FFE, v34;
	v33 =	vsel vm4, $0x3D7D, v33;
	v32 =	vsel vm4, $0x1D7D, v32  }
0xa3: {  	v34 =	vsel vm6, $0x3C7E, v34;
	v33 =	vsel vm3, $0x3DFD, v33;
	v32 =	vsel vm3, $0x1DFD, v32  }
0xa4: {  	v34 =	vsel vm5, $0x3CFE, v34;
	v33 =	vsel vm2, $0x3E7D, v33;
	v32 =	vsel vm2, $0x1E7D, v32  }
0xa5: {  	v34 =	vsel vm4, $0x3D7E, v34;
	v55 =	vsel vm1, $0x3EFD, v33;
	v32 =	vsel vm1, $0x1EFD, v32  }
0xa6: {  	v33 =	vsel vm14, $0xC7E, v58;
	v52 =	vsel vm0, $0x1F7D, v32;
	v32 =	vsel vm14, $0x6C7D, v57  }
0xa7: {  	v34 =	vsel vm3, $0x3DFE, v34;
	v33 =	vsel vm13, $0xCFE, v33;
	v32 =	vsel vm13, $0x6CFD, v32  }
0xa8: {  	v34 =	vsel vm2, $0x3E7E, v34;
	v33 =	vsel vm12, $0xD7E, v33;
	v32 =	vsel vm12, $0x6D7D, v32  }
0xa9: {  	v61 =	vsel vm1, $0x3EFE, v34;
	v33 =	vsel vm11, $0xDFE, v33;
	v32 =	vsel vm11, $0x6DFD, v32  }
0xaa: {  	v34 =	vsel vm14, $0xC7F, v36;
	v33 =	vsel vm10, $0xE7E, v33;
	v32 =	vsel vm10, $0x6E7D, v32  }
0xab: {  	v34 =	vsel vm13, $0xCFF, v34;
	v33 =	vsel vm9, $0xEFE, v33;
	v32 =	vsel vm9, $0x6EFD, v32  }
0xac: {  	v34 =	vsel vm12, $0xD7F, v34;
	v33 =	vsel vm8, $0xF7E, v33;
	v32 =	vsel vm8, $0x6F7D, v32  }
0xad: {  	v53 =	vsel vm0, $0x3F7D, v55;
	v33 =	vsel vm7, $0xFFE, v33;
	v32 =	vsel vm7, $0x6FFD, v32  }
0xae: {  	v34 =	vsel vm11, $0xDFF, v34;
	v33 =	vsel vm6, $0x1C7E, v33;
	v32 =	vsel vm6, $0x7C7D, v32  }
0xaf: {  	v34 =	vsel vm10, $0xE7F, v34;
	v33 =	vsel vm5, $0x1CFE, v33;
	v32 =	vsel vm5, $0x7CFD, v32  }
0xb0: {  	v34 =	vsel vm9, $0xEFF, v34;
	v33 =	vsel vm4, $0x1D7E, v33;
	v32 =	vsel vm4, $0x7D7D, v32  }
0xb1: {  	v34 =	vsel vm8, $0xF7F, v34;
	v33 =	vsel vm3, $0x1DFE, v33;
	v32 =	vsel vm3, $0x7DFD, v32  }
0xb2: {  	v34 =	vsel vm7, $0xFFF, v34;
	v33 =	vsel vm2, $0x1E7E, v33;
	v32 =	vsel vm2, $0x7E7D, v32  }
0xb3: {  	v34 =	vsel vm6, $0x1C7F, v34;
	v60 =	vsel vm1, $0x1EFE, v33;
	v32 =	vsel vm1, $0x7EFD, v32  }
0xb4: {  	v33 =	vsel vm14, $0x6C7E, v63;
	v55 =	vsel vm0, $0x7F7D, v32;
	v32 =	vsel vm14, $0x4C7E, v62  }
0xb5: {  	v34 =	vsel vm5, $0x1CFF, v34;
	v33 =	vsel vm13, $0x6CFE, v33;
	v32 =	vsel vm13, $0x4CFE, v32  }
0xb6: {  	v34 =	vsel vm4, $0x1D7F, v34;
	v33 =	vsel vm12, $0x6D7E, v33;
	v32 =	vsel vm12, $0x4D7E, v32  }
0xb7: {  	v34 =	vsel vm3, $0x1DFF, v34;
	v33 =	vsel vm11, $0x6DFE, v33;
	v32 =	vsel vm11, $0x4DFE, v32  }
0xb8: {  	v34 =	vsel vm2, $0x1E7F, v34;
	v33 =	vsel vm10, $0x6E7E, v33;
	v32 =	vsel vm10, $0x4E7E, v32  }
0xb9: {  	v38 =	vsel vm1, $0x1EFF, v34;
	v33 =	vsel vm9, $0x6EFE, v33;
	v32 =	vsel vm9, $0x4EFE, v32  }
0xba: {  	v34 =	vsel vm14, $0x6C7F, v41;
	v33 =	vsel vm8, $0x6F7E, v33;
	v32 =	vsel vm8, $0x4F7E, v32  }
0xbb: {  	v34 =	vsel vm13, $0x6CFF, v34;
	v33 =	vsel vm7, $0x6FFE, v33;
	v32 =	vsel vm7, $0x4FFE, v32  }
0xbc: {  	v34 =	vsel vm12, $0x6D7F, v34;
	v33 =	vsel vm6, $0x7C7E, v33;
	v32 =	vsel vm6, $0x5C7E, v32  }
0xbd: {  	v56 =	vsel vm0, $0x1F7E, v60;
	v33 =	vsel vm5, $0x7CFE, v33;
	v32 =	vsel vm5, $0x5CFE, v32  }
0xbe: {  	v57 =	vsel vm0, $0x3F7E, v61;
	v33 =	vsel vm4, $0x7D7E, v33;
	v32 =	vsel vm4, $0x5D7E, v32  }
0xbf: {  	v60 =	vsel vm0, $0x1F7F, v38;
	v33 =	vsel vm3, $0x7DFE, v33;
	v32 =	vsel vm3, $0x5DFE, v32  }
0xc0: {  	v34 =	vsel vm11, $0x6DFF, v34;
	v33 =	vsel vm2, $0x7E7E, v33;
	v32 =	vsel vm2, $0x5E7E, v32  }
0xc1: {  	s1 =	rddreg [dreg:$0x0];
	v34 =	vsel vm10, $0x6E7F, v34;
	v37 =	vsel vm1, $0x7EFE, v33;
	v32 =	vsel vm1, $0x5EFE, v32  }
0xc2: {  	s0 =	rddreg [dreg:$0x1];
	v33 =	vsel vm14, $0x4C7F, v40;
	v58 =	vsel vm0, $0x5F7E, v32;
	v32 =	vsel vm14, $0x2C7F, v39  }
0xc3: {  	s5 =	rddreg [dreg:$0x2];
	v34 =	vsel vm9, $0x6EFF, v34;
	v33 =	vsel vm13, $0x4CFF, v33;
	v32 =	vsel vm13, $0x2CFF, v32  }
0xc4: {  	s3 =	srdreg.scid;
	s2 =	stileid.u32;
	s28 =	simm.s32 $0x0;
	v34 =	vsel vm8, $0x6F7F, v34;
	v33 =	vsel vm12, $0x4D7F, v33;
	v32 =	vsel vm12, $0x2D7F, v32  }
0xc5: {  	s9 =	simm.s32 $0x400;
	s10 =	simm.s32 $0x200;
	s11 =	simm.s32 $0x2200;
	v34 =	vsel vm7, $0x6FFF, v34;
	v33 =	vsel vm11, $0x4DFF, v33;
	v32 =	vsel vm11, $0x2DFF, v32  }
0xc6: {  	s12 =	simm.s32 $0x4200;
	s13 =	simm.s32 $0x6200;
	s14 =	simm.s32 $0x8200;
	v34 =	vsel vm6, $0x7C7F, v34;
	v33 =	vsel vm10, $0x4E7F, v33;
	v32 =	vsel vm10, $0x2E7F, v32  }
0xc7: {  	s15 =	simm.s32 $0xA200;
	s16 =	simm.s32 $0xC200;
	s17 =	simm.s32 $0xE200;
	v34 =	vsel vm5, $0x7CFF, v34;
	v33 =	vsel vm9, $0x4EFF, v33;
	v32 =	vsel vm9, $0x2EFF, v32  }
0xc8: {  	s18 =	simm.s32 $0x1;
	s19 =	simm.s32 $0x10200;
	s20 =	simm.s32 $0x2;
	v34 =	vsel vm4, $0x7D7F, v34;
	v33 =	vsel vm8, $0x4F7F, v33;
	v32 =	vsel vm8, $0x2F7F, v32  }
0xc9: {  	s21 =	simm.s32 $0x3;
	s22 =	simm.s32 $0x4;
	s23 =	simm.s32 $0x5;
	v34 =	vsel vm3, $0x7DFF, v34;
	v33 =	vsel vm7, $0x4FFF, v33;
	v32 =	vsel vm7, $0x2FFF, v32  }
0xca: {  	s24 =	simm.s32 $0x6;
	s25 =	simm.s32 $0x7;
	s26 =	simm.s32 $0x8;
	v34 =	vsel vm2, $0x7E7F, v34;
	v33 =	vsel vm6, $0x5C7F, v33;
	v32 =	vsel vm6, $0x3C7F, v32  }
0xcb: {  	s29 =	simm.s32 $0x20000;
	s4 =	sand.u32 $0x1, s3;
	s6 =	sshll.u32 s2, $0xA;
	v43 =	vsel vm1, $0x7EFF, v34;
	v33 =	vsel vm5, $0x5CFF, v33;
	v32 =	vsel vm5, $0x3CFF, v32  }
.Ltmp0:
0xcc: {  	s7 =	sshll.u32 s4, $0x9;
	s4 =	ssub.s32 $0x2, s4;
	v34 =	vor.u32 $0xF000, v0;
	v33 =	vsel vm4, $0x5D7F, v33;
	v32 =	vsel vm4, $0x3D7F, v32;
	(pc) =	sbr.rel .LBB2_1-.Ltmp0, $4  }
0xcd: {  	s30 =	simm.s32 $0x0;
	s6 =	sor.u32 s7, s6;
	s31 =	sshrl.u32 s4, $0x1;
	v63 =	vsel vm0, $0x7F7F, v43;
	v33 =	vsel vm3, $0x5DFF, v33;
	v32 =	vsel vm3, $0x3DFF, v32  }
0xce: {  	[smem:$0x7FF] =	sst s28;
	s8 =	sshrl.u32 s6, $0x3;
	s7 =	ssub.s32 s4, s31;
	v59 =	vsel vm0, $0x7F7E, v37;
	v33 =	vsel vm2, $0x5E7F, v33;
	v32 =	vsel vm2, $0x3E7F, v32  }
0xcf: {  	s5 =	sadd.s32 s5, s6;
	s4 =	sadd.s32 s1, s8;
	s8 =	simm.s32 $0x7A1400;
	v42 =	vsel vm1, $0x5EFF, v33;
	v33 =	vor.u32 $0xE800, v0;
	v32 =	vsel vm1, $0x3EFF, v32  }
0xd0: {  	s6 =	smax.u32 s7, $0x1;
	s7 =	simm.s32 $0x9;
	_ =	strace $0x80000047;
	v62 =	vsel vm0, $0x5F7F, v42;
	v61 =	vsel vm0, $0x3F7F, v32;
	v32 =	vor.u32 $0xE000, v0  }
.LBB2_15:
0xd1: {  	v36 =	vld [tilespmem:$0x1F0];
	_ =	sdelay $0x4  }
0xd2: {  	v36 =	vand.u32 $0x7F, v36  }
0xd3: {  	v37 =	vbroadcast v36, $0x8;
	_ =	sdelay $0x1  }
0xd4: {  	v38 =	vor.u32 v0, v37  }
0xd5: {  	_ =	swait.ge [sflag:s18], $0x2000  }
0xd6: {  	v40 =	vld [tilespmem:$0x1FF40]  }
0xd7: {  	[sflag:s18] =	ssyncset.done $0x0  }
0xd8: {  	[sflag:s18] =	ssyncadd.s32 $0xFFFFE000  }
0xd9: {  	v38 =	vld.idx.msk [tilespmem:v38+s10+$0x0], $0xffff;
	_ =	sdelay $0x2  }
0xda: {  	v39 =	vor.u32 v2, v37;
	_ =	sdelay $0x1  }
0xdb: {  	[tilespmem:v40+s19+$0x0] =	vst.idx.msk $0xffff, v38;
	v40 =	vld [tilespmem:$0x1FF50];
	_ =	sdelay $0x2  }
0xdc: {  	v38 =	vld.idx.msk [tilespmem:v39+s10+$0x0], $0xffff  }
0xdd: {  	v39 =	vor.u32 v4, v37;
	_ =	sdelay $0x1  }
0xde: {  	v42 =	vld [tilespmem:$0x1FF60];
	_ =	sdelay $0x1  }
0xdf: {  	[tilespmem:v40+s19+$0x0] =	vst.idx.msk $0xffff, v38  }
0xe0: {  	v38 =	vld.idx.msk [tilespmem:v39+s10+$0x0], $0xffff  }
0xe1: {  	v37 =	vor.u32 v6, v37;
	_ =	sdelay $0x1  }
0xe2: {  	v40 =	vld [tilespmem:$0x1FF70];
	_ =	sdelay $0x1  }
0xe3: {  	[tilespmem:v42+s19+$0x0] =	vst.idx.msk $0xffff, v38  }
0xe4: {  	v37 =	vld.idx.msk [tilespmem:v37+s10+$0x0], $0xffff;
	_ =	sdelay $0x2  }
0xe5: {  	v38 =	vbroadcast v36, $0x9;
	_ =	sdelay $0x1  }
0xe6: {  	v39 =	vor.u32 v8, v38;
	[tilespmem:v40+s19+$0x0] =	vst.idx.msk $0xffff, v37  }
0xe7: {  	_ =	swait.ge [sflag:s20], $0x2000  }
0xe8: {  	v40 =	vld [tilespmem:$0x1FF80]  }
0xe9: {  	[sflag:s20] =	ssyncset.done $0x0  }
0xea: {  	[sflag:s20] =	ssyncadd.s32 $0xFFFFE000  }
0xeb: {  	v37 =	vld.idx.msk [tilespmem:v39+s10+$0x0], $0xffff;
	_ =	sdelay $0x2  }
0xec: {  	v39 =	vor.u32 v9, v38;
	_ =	sdelay $0x1  }
0xed: {  	[tilespmem:v40+s19+$0x0] =	vst.idx.msk $0xffff, v37;
	v40 =	vld [tilespmem:$0x1FF90];
	_ =	sdelay $0x2  }
0xee: {  	v37 =	vld.idx.msk [tilespmem:v39+s10+$0x0], $0xffff  }
0xef: {  	v39 =	vor.u32 v10, v38;
	_ =	sdelay $0x1  }
0xf0: {  	v43 =	vld [tilespmem:$0x1FFA0];
	_ =	sdelay $0x1  }
0xf1: {  	[tilespmem:v40+s19+$0x0] =	vst.idx.msk $0xffff, v37  }
0xf2: {  	v37 =	vld.idx.msk [tilespmem:v39+s10+$0x0], $0xffff  }
0xf3: {  	v38 =	vor.u32 v11, v38;
	_ =	sdelay $0x1  }
0xf4: {  	v40 =	vld [tilespmem:$0x1FFB0];
	_ =	sdelay $0x1  }
0xf5: {  	[tilespmem:v43+s19+$0x0] =	vst.idx.msk $0xffff, v37  }
0xf6: {  	v37 =	vld.idx.msk [tilespmem:v38+s10+$0x0], $0xffff;
	_ =	sdelay $0x2  }
0xf7: {  	v38 =	vbroadcast v36, $0xA;
	_ =	sdelay $0x1  }
0xf8: {  	v39 =	vor.u32 v12, v38;
	[tilespmem:v40+s19+$0x0] =	vst.idx.msk $0xffff, v37  }
0xf9: {  	_ =	swait.ge [sflag:s21], $0x2000  }
0xfa: {  	v40 =	vld [tilespmem:$0x1FFC0]  }
0xfb: {  	[sflag:s21] =	ssyncset.done $0x0  }
0xfc: {  	[sflag:s21] =	ssyncadd.s32 $0xFFFFE000  }
0xfd: {  	v37 =	vld.idx.msk [tilespmem:v39+s10+$0x0], $0xffff;
	_ =	sdelay $0x2  }
0xfe: {  	v39 =	vor.u32 v13, v38;
	_ =	sdelay $0x1  }
0xff: {  	[tilespmem:v40+s19+$0x0] =	vst.idx.msk $0xffff, v37;
	v40 =	vld [tilespmem:$0x1FFD0];
	_ =	sdelay $0x2  }
0x100: {  	v37 =	vld.idx.msk [tilespmem:v39+s10+$0x0], $0xffff  }
0x101: {  	v39 =	vor.u32 v14, v38;
	_ =	sdelay $0x1  }
0x102: {  	v42 =	vld [tilespmem:$0x1FFE0];
	_ =	sdelay $0x1  }
0x103: {  	[tilespmem:v40+s19+$0x0] =	vst.idx.msk $0xffff, v37  }
0x104: {  	v37 =	vld.idx.msk [tilespmem:v39+s10+$0x0], $0xffff  }
0x105: {  	v38 =	vor.u32 v15, v38;
	_ =	sdelay $0x1  }
0x106: {  	v40 =	vld [tilespmem:$0x1FFF0];
	_ =	sdelay $0x1  }
0x107: {  	[tilespmem:v42+s19+$0x0] =	vst.idx.msk $0xffff, v37  }
0x108: {  	v37 =	vld.idx.msk [tilespmem:v38+s10+$0x0], $0xffff;
	_ =	sdelay $0x1  }
0x109: {  	v38 =	vbroadcast v36, $0xB;
	_ =	sdelay $0x1  }
0x10a: {  	v39 =	vor.u32 v16, v38  }
0x10b: {  	[tilespmem:v40+s19+$0x0] =	vst.idx.msk $0xffff, v37  }
0x10c: {  	_ =	swait.ge [sflag:s22], $0x2000  }
0x10d: {  	[sflag:s22] =	ssyncset.done $0x0  }
0x10e: {  	[sflag:s22] =	ssyncadd.s32 $0xFFFFE000  }
0x10f: {  	v43 =	vld.idx.msk [tilespmem:v39+s10+$0x0], $0xffff  }
0x110: {  	v42 =	vor.u32 v17, v38;
	_ =	sdelay $0x3  }
0x111: {  	[tilespmem:v44+s19+$0x0] =	vst.idx.msk $0xffff, v43  }
0x112: {  	v37 =	vld.idx.msk [tilespmem:v42+s10+$0x0], $0xffff  }
0x113: {  	v43 =	vor.u32 v18, v38;
	_ =	sdelay $0x3  }
0x114: {  	[tilespmem:v45+s19+$0x0] =	vst.idx.msk $0xffff, v37  }
0x115: {  	v37 =	vld.idx.msk [tilespmem:v43+s10+$0x0], $0xffff  }
0x116: {  	v38 =	vor.u32 v19, v38;
	_ =	sdelay $0x3  }
0x117: {  	[tilespmem:v46+s19+$0x0] =	vst.idx.msk $0xffff, v37  }
0x118: {  	v37 =	vld.idx.msk [tilespmem:v38+s10+$0x0], $0xffff;
	_ =	sdelay $0x1  }
0x119: {  	v38 =	vbroadcast v36, $0xC;
	_ =	sdelay $0x1  }
0x11a: {  	v42 =	vor.u32 v20, v38  }
0x11b: {  	[tilespmem:v47+s19+$0x0] =	vst.idx.msk $0xffff, v37  }
0x11c: {  	_ =	swait.ge [sflag:s23], $0x2000  }
0x11d: {  	[sflag:s23] =	ssyncset.done $0x0  }
0x11e: {  	[sflag:s23] =	ssyncadd.s32 $0xFFFFE000  }
0x11f: {  	v43 =	vld.idx.msk [tilespmem:v42+s10+$0x0], $0xffff  }
0x120: {  	v42 =	vor.u32 v21, v38;
	_ =	sdelay $0x3  }
0x121: {  	[tilespmem:v48+s19+$0x0] =	vst.idx.msk $0xffff, v43  }
0x122: {  	v37 =	vld.idx.msk [tilespmem:v42+s10+$0x0], $0xffff  }
0x123: {  	v43 =	vor.u32 v22, v38;
	_ =	sdelay $0x3  }
0x124: {  	[tilespmem:v49+s19+$0x0] =	vst.idx.msk $0xffff, v37  }
0x125: {  	v37 =	vld.idx.msk [tilespmem:v43+s10+$0x0], $0xffff  }
0x126: {  	v38 =	vor.u32 v23, v38;
	_ =	sdelay $0x3  }
0x127: {  	[tilespmem:v50+s19+$0x0] =	vst.idx.msk $0xffff, v37  }
0x128: {  	v37 =	vld.idx.msk [tilespmem:v38+s10+$0x0], $0xffff;
	_ =	sdelay $0x1  }
0x129: {  	v38 =	vbroadcast v36, $0xD;
	_ =	sdelay $0x1  }
0x12a: {  	v42 =	vor.u32 v24, v38  }
0x12b: {  	[tilespmem:v51+s19+$0x0] =	vst.idx.msk $0xffff, v37  }
0x12c: {  	_ =	swait.ge [sflag:s24], $0x2000  }
0x12d: {  	[sflag:s24] =	ssyncset.done $0x0  }
0x12e: {  	[sflag:s24] =	ssyncadd.s32 $0xFFFFE000  }
0x12f: {  	v43 =	vld.idx.msk [tilespmem:v42+s10+$0x0], $0xffff  }
0x130: {  	v42 =	vor.u32 v25, v38;
	_ =	sdelay $0x3  }
0x131: {  	[tilespmem:v52+s19+$0x0] =	vst.idx.msk $0xffff, v43  }
0x132: {  	v37 =	vld.idx.msk [tilespmem:v42+s10+$0x0], $0xffff  }
0x133: {  	v43 =	vor.u32 v26, v38;
	_ =	sdelay $0x3  }
0x134: {  	[tilespmem:v53+s19+$0x0] =	vst.idx.msk $0xffff, v37  }
0x135: {  	v37 =	vld.idx.msk [tilespmem:v43+s10+$0x0], $0xffff  }
0x136: {  	v38 =	vor.u32 v27, v38;
	_ =	sdelay $0x3  }
0x137: {  	[tilespmem:v54+s19+$0x0] =	vst.idx.msk $0xffff, v37  }
0x138: {  	v37 =	vld.idx.msk [tilespmem:v38+s10+$0x0], $0xffff;
	_ =	sdelay $0x1  }
0x139: {  	v38 =	vbroadcast v36, $0xE;
	_ =	sdelay $0x1  }
0x13a: {  	v42 =	vor.u32 v28, v38  }
0x13b: {  	[tilespmem:v55+s19+$0x0] =	vst.idx.msk $0xffff, v37  }
0x13c: {  	_ =	swait.ge [sflag:s25], $0x2000  }
0x13d: {  	[sflag:s25] =	ssyncset.done $0x0  }
0x13e: {  	[sflag:s25] =	ssyncadd.s32 $0xFFFFE000  }
0x13f: {  	v43 =	vld.idx.msk [tilespmem:v42+s10+$0x0], $0xffff  }
0x140: {  	v42 =	vor.u32 v29, v38;
	_ =	sdelay $0x3  }
0x141: {  	[tilespmem:v56+s19+$0x0] =	vst.idx.msk $0xffff, v43  }
0x142: {  	v37 =	vld.idx.msk [tilespmem:v42+s10+$0x0], $0xffff  }
0x143: {  	v43 =	vor.u32 v30, v38;
	_ =	sdelay $0x3  }
0x144: {  	[tilespmem:v57+s19+$0x0] =	vst.idx.msk $0xffff, v37  }
0x145: {  	v37 =	vld.idx.msk [tilespmem:v43+s10+$0x0], $0xffff  }
0x146: {  	v38 =	vor.u32 v31, v38;
	_ =	sdelay $0x3  }
0x147: {  	[tilespmem:v58+s19+$0x0] =	vst.idx.msk $0xffff, v37  }
0x148: {  	v37 =	vld.idx.msk [tilespmem:v38+s10+$0x0], $0xffff;
	_ =	sdelay $0x1  }
0x149: {  	v36 =	vbroadcast v36, $0xF;
	_ =	sdelay $0x1  }
0x14a: {  	v40 =	vor.u32 v32, v36  }
0x14b: {  	[tilespmem:v59+s19+$0x0] =	vst.idx.msk $0xffff, v37  }
0x14c: {  	_ =	swait.ge [sflag:s26], $0x2000  }
0x14d: {  	[sflag:s26] =	ssyncset.done $0x0  }
0x14e: {  	[sflag:s26] =	ssyncadd.s32 $0xFFFFE000  }
0x14f: {  	v41 =	vld.idx.msk [tilespmem:v40+s10+$0x0], $0xffff  }
0x150: {  	v42 =	vor.u32 v33, v36;
	_ =	sdelay $0x3  }
0x151: {  	[tilespmem:v60+s19+$0x0] =	vst.idx.msk $0xffff, v41  }
0x152: {  	v37 =	vld.idx.msk [tilespmem:v42+s10+$0x0], $0xffff  }
0x153: {  	v43 =	vor.u32 v34, v36;
	_ =	sdelay $0x3  }
0x154: {  	[tilespmem:v61+s19+$0x0] =	vst.idx.msk $0xffff, v37  }
0x155: {  	v37 =	vld.idx.msk [tilespmem:v43+s10+$0x0], $0xffff  }
0x156: {  	v36 =	vor.u32 v35, v36;
	_ =	sdelay $0x3  }
0x157: {  	[tilespmem:v62+s19+$0x0] =	vst.idx.msk $0xffff, v37  }
0x158: {  	v36 =	vld.idx.msk [tilespmem:v36+s10+$0x0], $0xffff;
	_ =	sdelay $0x2  }
0x159: {  	s30 =	sadd.s32 $0x1, s30  }
0x15a: {  	p0 =	sne.s32 s30, s6  }
.Ltmp1:
0x15b: {  	s1 =	simm.s32 $0x1000;
	[tilespmem:v63+s19+$0x0] =	vst.idx.msk $0xffff, v36;
	(pc) =	sbr.rel @!p0 .LBB2_16-.Ltmp1, $4  }
0x15c: {  	[hbm4b:s5+s1] =	stream.strided.scatter [tilespmem:s19], [sflag:$0x9], $0x8000, s29, s1, $0x38;
	[tilespmem:$0x18200] =	vst v63  }
0x15d: {  	_ =	swait.ge [sflag:s7], $0x8000  }
0x15e: {  	[sflag:s7] =	ssyncset.done $0x0  }
0x15f: {  	[sflag:s7] =	ssyncadd.s32 $0xFFFF8000  }
.LBB2_1:
.Ltmp2:
0x160: {  	s1 =	simm.s32 $0x0;
	(pc) =	sbr.rel .LBB2_2-.Ltmp2, $4  }
0x161: {  	[tilespmem:s1], [sflag:$0x9] =	stream.linear.gather [hbm4b:s4+s1], $0x200, $0x38;
	[tilespmem:$0x18200] =	vst v63  }
0x162: {  	_ =	swait.ge [sflag:s7], $0x200  }
0x163: {  	[sflag:s7] =	ssyncset.done $0x0  }
0x164: {  	s31 =	simm.s32 $0x0;
	s1 =	simm.s32 $0x0;
	[sflag:s7] =	ssyncadd.s32 $0xFFFFFE00  }
.LBB2_13:
0x165: {  	(v2sf) =	vpush v38, $0x6;
	_ =	sdelay $0xe  }
0x166: {  	s2 =	spop (v2sf)  }
0x167: {  	s2 =	sadd.s32 s0, s2  }
0x168: {  	[tilespmem:s16], [sflag:$0x7] =	stream.strided.gather [hbm4b:s2+s9], $0x2000, s8, s9, $0x38;
	[tilespmem:$0x18200] =	vst v63  }
.LBB2_14:
0x169: {  	v38 =	vadd.s32 s0, v38  }
0x16a: {  	(v2sf) =	vpush v38, $0x7  }
0x16b: {  	(v2sf) =	vpush v37, $0x8  }
0x16c: {  	(v2sf) =	vpush v36, $0x0;
	_ =	sdelay $0xc  }
0x16d: {  	s2 =	spop (v2sf)  }
0x16e: {  	s3 =	spop (v2sf)  }
0x16f: {  	s28 =	spop (v2sf)  }
0x170: {  	s28 =	sand.u32 $0x7F, s28  }
0x171: {  	s3 =	smov.u32 @p0 s28  }
0x172: {  	v39 =	vor.u32 s3, v0  }
0x173: {  	v40 =	vmov s1;
	[tilespmem:s17], [sflag:$0x8] =	stream.strided.gather [hbm4b:s2+s9], $0x2000, s8, s9, $0x38;
	[tilespmem:$0x18200] =	vst v63  }
0x174: {  	v41 =	vshll.u32 v40, $0x3;
	_ =	swait.ge [sflag:s18], $0x2000  }
0x175: {  	v40 =	vand.u32 $0x70, v40;
	v41 =	vand.u32 $0xC00, v41;
	[sflag:s18] =	ssyncset.done $0x0  }
0x176: {  	v40 =	vor.u32 v40, v41;
	[sflag:s18] =	ssyncadd.s32 $0xFFFFE000  }
0x177: {  	v41 =	vor.u32 v1, v40;
	v39 =	vld.idx.msk [tilespmem:v39+s10+$0x0], $0xffff  }
0x178: {  	v42 =	vor.u32 s3, v2;
	_ =	sdelay $0x1  }
0x179: {  	(v2sf) =	vpush v38, $0x8  }
0x17a: {  	(v2sf) =	vpush v37, $0x9  }
0x17b: {  	(v2sf) =	vpush v36, $0x1;
	[tilespmem:v41+s19+$0x0] =	vst.idx.msk $0xffff, v39  }
0x17c: {  	v41 =	vor.u32 v3, v40;
	v39 =	vld.idx.msk [tilespmem:v42+s10+$0x0], $0xffff  }
0x17d: {  	v42 =	vor.u32 s3, v4;
	_ =	sdelay $0x3  }
0x17e: {  	[tilespmem:v41+s19+$0x0] =	vst.idx.msk $0xffff, v39  }
0x17f: {  	v41 =	vor.u32 v5, v40;
	v39 =	vld.idx.msk [tilespmem:v42+s10+$0x0], $0xffff  }
0x180: {  	v42 =	vor.u32 s3, v6;
	_ =	sdelay $0x3  }
0x181: {  	[tilespmem:v41+s19+$0x0] =	vst.idx.msk $0xffff, v39  }
0x182: {  	s2 =	spop (v2sf);
	v40 =	vor.u32 v7, v40;
	v39 =	vld.idx.msk [tilespmem:v42+s10+$0x0], $0xffff  }
0x183: {  	s3 =	spop (v2sf)  }
0x184: {  	s28 =	spop (v2sf)  }
0x185: {  	s28 =	sand.u32 $0x7F, s28  }
0x186: {  	s3 =	smov.u32 @p0 s28  }
0x187: {  	s28 =	sadd.s32 $0x1, s1;
	[tilespmem:v40+s19+$0x0] =	vst.idx.msk $0xffff, v39;
	v39 =	vor.u32 s3, v8  }
0x188: {  	v40 =	vmov s28;
	[tilespmem:s10], [sflag:$0x1] =	stream.strided.gather [hbm4b:s2+s9], $0x2000, s8, s9, $0x38;
	[tilespmem:$0x18200] =	vst v63  }
0x189: {  	v41 =	vshll.u32 v40, $0x3;
	_ =	swait.ge [sflag:s20], $0x2000  }
0x18a: {  	v40 =	vand.u32 $0x71, v40;
	v41 =	vand.u32 $0xC00, v41;
	[sflag:s20] =	ssyncset.done $0x0  }
0x18b: {  	v40 =	vor.u32 v40, v41;
	[sflag:s20] =	ssyncadd.s32 $0xFFFFE000  }
0x18c: {  	v41 =	vor.u32 v1, v40;
	v39 =	vld.idx.msk [tilespmem:v39+s10+$0x0], $0xffff  }
0x18d: {  	v42 =	vor.u32 s3, v9;
	_ =	sdelay $0x1  }
0x18e: {  	(v2sf) =	vpush v38, $0x9  }
0x18f: {  	(v2sf) =	vpush v37, $0xA  }
0x190: {  	(v2sf) =	vpush v36, $0x2;
	[tilespmem:v41+s19+$0x0] =	vst.idx.msk $0xffff, v39  }
0x191: {  	v41 =	vor.u32 v3, v40;
	v39 =	vld.idx.msk [tilespmem:v42+s10+$0x0], $0xffff  }
0x192: {  	v42 =	vor.u32 s3, v10;
	_ =	sdelay $0x3  }
0x193: {  	[tilespmem:v41+s19+$0x0] =	vst.idx.msk $0xffff, v39  }
0x194: {  	v41 =	vor.u32 v5, v40;
	v39 =	vld.idx.msk [tilespmem:v42+s10+$0x0], $0xffff  }
0x195: {  	v42 =	vor.u32 s3, v11;
	_ =	sdelay $0x3  }
0x196: {  	[tilespmem:v41+s19+$0x0] =	vst.idx.msk $0xffff, v39  }
0x197: {  	v40 =	vor.u32 v7, v40;
	s2 =	spop (v2sf);
	v39 =	vld.idx.msk [tilespmem:v42+s10+$0x0], $0xffff  }
0x198: {  	s3 =	spop (v2sf)  }
0x199: {  	s28 =	spop (v2sf)  }
0x19a: {  	s28 =	sand.u32 $0x7F, s28  }
0x19b: {  	s3 =	smov.u32 @p0 s28  }
0x19c: {  	s28 =	sadd.s32 $0x2, s1;
	[tilespmem:v40+s19+$0x0] =	vst.idx.msk $0xffff, v39;
	v39 =	vor.u32 s3, v12  }
0x19d: {  	v40 =	vmov s28;
	[tilespmem:s11], [sflag:$0x2] =	stream.strided.gather [hbm4b:s2+s9], $0x2000, s8, s9, $0x38;
	[tilespmem:$0x18200] =	vst v63  }
0x19e: {  	v41 =	vshll.u32 v40, $0x3;
	_ =	swait.ge [sflag:s21], $0x2000  }
0x19f: {  	v40 =	vand.u32 $0x72, v40;
	v41 =	vand.u32 $0xC00, v41;
	[sflag:s21] =	ssyncset.done $0x0  }
0x1a0: {  	v40 =	vor.u32 v40, v41;
	[sflag:s21] =	ssyncadd.s32 $0xFFFFE000  }
0x1a1: {  	v41 =	vor.u32 v1, v40;
	v39 =	vld.idx.msk [tilespmem:v39+s10+$0x0], $0xffff  }
0x1a2: {  	v42 =	vor.u32 s3, v13;
	_ =	sdelay $0x1  }
0x1a3: {  	(v2sf) =	vpush v38, $0xA  }
0x1a4: {  	(v2sf) =	vpush v37, $0xB  }
0x1a5: {  	(v2sf) =	vpush v36, $0x3;
	[tilespmem:v41+s19+$0x0] =	vst.idx.msk $0xffff, v39  }
0x1a6: {  	v41 =	vor.u32 v3, v40;
	v39 =	vld.idx.msk [tilespmem:v42+s10+$0x0], $0xffff  }
0x1a7: {  	v42 =	vor.u32 s3, v14;
	_ =	sdelay $0x3  }
0x1a8: {  	[tilespmem:v41+s19+$0x0] =	vst.idx.msk $0xffff, v39  }
0x1a9: {  	v41 =	vor.u32 v5, v40;
	v39 =	vld.idx.msk [tilespmem:v42+s10+$0x0], $0xffff  }
0x1aa: {  	v42 =	vor.u32 s3, v15;
	_ =	sdelay $0x3  }
0x1ab: {  	[tilespmem:v41+s19+$0x0] =	vst.idx.msk $0xffff, v39  }
0x1ac: {  	v40 =	vor.u32 v7, v40;
	s2 =	spop (v2sf);
	v39 =	vld.idx.msk [tilespmem:v42+s10+$0x0], $0xffff  }
0x1ad: {  	s3 =	spop (v2sf)  }
0x1ae: {  	s28 =	spop (v2sf)  }
0x1af: {  	s28 =	sand.u32 $0x7F, s28  }
0x1b0: {  	s3 =	smov.u32 @p0 s28  }
0x1b1: {  	s28 =	sadd.s32 $0x3, s1;
	[tilespmem:v40+s19+$0x0] =	vst.idx.msk $0xffff, v39;
	v39 =	vor.u32 s3, v16  }
0x1b2: {  	v40 =	vmov s28;
	[tilespmem:s12], [sflag:$0x3] =	stream.strided.gather [hbm4b:s2+s9], $0x2000, s8, s9, $0x38;
	[tilespmem:$0x18200] =	vst v63  }
0x1b3: {  	v41 =	vshll.u32 v40, $0x3;
	_ =	swait.ge [sflag:s22], $0x2000  }
0x1b4: {  	v40 =	vand.u32 $0x73, v40;
	v41 =	vand.u32 $0xC00, v41;
	[sflag:s22] =	ssyncset.done $0x0  }
0x1b5: {  	v40 =	vor.u32 v40, v41;
	[sflag:s22] =	ssyncadd.s32 $0xFFFFE000  }
0x1b6: {  	v41 =	vor.u32 v1, v40;
	v39 =	vld.idx.msk [tilespmem:v39+s10+$0x0], $0xffff  }
0x1b7: {  	v42 =	vor.u32 s3, v17;
	_ =	sdelay $0x1  }
0x1b8: {  	(v2sf) =	vpush v38, $0xB  }
0x1b9: {  	(v2sf) =	vpush v37, $0xC  }
0x1ba: {  	(v2sf) =	vpush v36, $0x4;
	[tilespmem:v41+s19+$0x0] =	vst.idx.msk $0xffff, v39  }
0x1bb: {  	v41 =	vor.u32 v3, v40;
	v39 =	vld.idx.msk [tilespmem:v42+s10+$0x0], $0xffff  }
0x1bc: {  	v42 =	vor.u32 s3, v18;
	_ =	sdelay $0x3  }
0x1bd: {  	[tilespmem:v41+s19+$0x0] =	vst.idx.msk $0xffff, v39  }
0x1be: {  	v41 =	vor.u32 v5, v40;
	v39 =	vld.idx.msk [tilespmem:v42+s10+$0x0], $0xffff  }
0x1bf: {  	v42 =	vor.u32 s3, v19;
	_ =	sdelay $0x3  }
0x1c0: {  	[tilespmem:v41+s19+$0x0] =	vst.idx.msk $0xffff, v39  }
0x1c1: {  	v40 =	vor.u32 v7, v40;
	s2 =	spop (v2sf);
	v39 =	vld.idx.msk [tilespmem:v42+s10+$0x0], $0xffff  }
0x1c2: {  	s3 =	spop (v2sf)  }
0x1c3: {  	s28 =	spop (v2sf)  }
0x1c4: {  	s28 =	sand.u32 $0x7F, s28  }
0x1c5: {  	s3 =	smov.u32 @p0 s28  }
0x1c6: {  	s28 =	sadd.s32 $0x4, s1;
	[tilespmem:v40+s19+$0x0] =	vst.idx.msk $0xffff, v39;
	v39 =	vor.u32 s3, v20  }
0x1c7: {  	v40 =	vmov s28;
	[tilespmem:s13], [sflag:$0x4] =	stream.strided.gather [hbm4b:s2+s9], $0x2000, s8, s9, $0x38;
	[tilespmem:$0x18200] =	vst v63  }
0x1c8: {  	v41 =	vshll.u32 v40, $0x3;
	_ =	swait.ge [sflag:s23], $0x2000  }
0x1c9: {  	v40 =	vand.u32 $0x74, v40;
	v41 =	vand.u32 $0xC00, v41;
	[sflag:s23] =	ssyncset.done $0x0  }
0x1ca: {  	v40 =	vor.u32 v40, v41;
	[sflag:s23] =	ssyncadd.s32 $0xFFFFE000  }
0x1cb: {  	v41 =	vor.u32 v1, v40;
	v39 =	vld.idx.msk [tilespmem:v39+s10+$0x0], $0xffff  }
0x1cc: {  	v42 =	vor.u32 s3, v21;
	_ =	sdelay $0x1  }
0x1cd: {  	(v2sf) =	vpush v38, $0xC  }
0x1ce: {  	(v2sf) =	vpush v37, $0xD  }
0x1cf: {  	(v2sf) =	vpush v36, $0x5;
	[tilespmem:v41+s19+$0x0] =	vst.idx.msk $0xffff, v39  }
0x1d0: {  	v41 =	vor.u32 v3, v40;
	v39 =	vld.idx.msk [tilespmem:v42+s10+$0x0], $0xffff  }
0x1d1: {  	v42 =	vor.u32 s3, v22;
	_ =	sdelay $0x3  }
0x1d2: {  	[tilespmem:v41+s19+$0x0] =	vst.idx.msk $0xffff, v39  }
0x1d3: {  	v41 =	vor.u32 v5, v40;
	v39 =	vld.idx.msk [tilespmem:v42+s10+$0x0], $0xffff  }
0x1d4: {  	v42 =	vor.u32 s3, v23;
	_ =	sdelay $0x3  }
0x1d5: {  	[tilespmem:v41+s19+$0x0] =	vst.idx.msk $0xffff, v39  }
0x1d6: {  	v40 =	vor.u32 v7, v40;
	s2 =	spop (v2sf);
	v39 =	vld.idx.msk [tilespmem:v42+s10+$0x0], $0xffff  }
0x1d7: {  	s3 =	spop (v2sf)  }
0x1d8: {  	s28 =	spop (v2sf)  }
0x1d9: {  	s28 =	sand.u32 $0x7F, s28  }
0x1da: {  	s3 =	smov.u32 @p0 s28  }
0x1db: {  	s28 =	sadd.s32 $0x5, s1;
	[tilespmem:v40+s19+$0x0] =	vst.idx.msk $0xffff, v39;
	v39 =	vor.u32 s3, v24  }
0x1dc: {  	v40 =	vmov s28;
	[tilespmem:s14], [sflag:$0x5] =	stream.strided.gather [hbm4b:s2+s9], $0x2000, s8, s9, $0x38;
	[tilespmem:$0x18200] =	vst v63  }
0x1dd: {  	v41 =	vshll.u32 v40, $0x3;
	_ =	swait.ge [sflag:s24], $0x2000  }
0x1de: {  	v40 =	vand.u32 $0x75, v40;
	v41 =	vand.u32 $0xC00, v41;
	[sflag:s24] =	ssyncset.done $0x0  }
0x1df: {  	v40 =	vor.u32 v40, v41;
	[sflag:s24] =	ssyncadd.s32 $0xFFFFE000  }
0x1e0: {  	v41 =	vor.u32 v1, v40;
	v39 =	vld.idx.msk [tilespmem:v39+s10+$0x0], $0xffff  }
0x1e1: {  	v42 =	vor.u32 s3, v25;
	_ =	sdelay $0x1  }
0x1e2: {  	(v2sf) =	vpush v38, $0xD  }
0x1e3: {  	(v2sf) =	vpush v37, $0xE  }
0x1e4: {  	(v2sf) =	vpush v36, $0x6;
	[tilespmem:v41+s19+$0x0] =	vst.idx.msk $0xffff, v39  }
0x1e5: {  	v41 =	vor.u32 v3, v40;
	v39 =	vld.idx.msk [tilespmem:v42+s10+$0x0], $0xffff  }
0x1e6: {  	v42 =	vor.u32 s3, v26;
	_ =	sdelay $0x3  }
0x1e7: {  	[tilespmem:v41+s19+$0x0] =	vst.idx.msk $0xffff, v39  }
0x1e8: {  	v41 =	vor.u32 v5, v40;
	v39 =	vld.idx.msk [tilespmem:v42+s10+$0x0], $0xffff  }
0x1e9: {  	v42 =	vor.u32 s3, v27;
	_ =	sdelay $0x3  }
0x1ea: {  	[tilespmem:v41+s19+$0x0] =	vst.idx.msk $0xffff, v39  }
0x1eb: {  	v40 =	vor.u32 v7, v40;
	s2 =	spop (v2sf);
	v39 =	vld.idx.msk [tilespmem:v42+s10+$0x0], $0xffff  }
0x1ec: {  	s3 =	spop (v2sf)  }
0x1ed: {  	s28 =	spop (v2sf)  }
0x1ee: {  	s28 =	sand.u32 $0x7F, s28  }
0x1ef: {  	s3 =	smov.u32 @p0 s28  }
0x1f0: {  	s28 =	sadd.s32 $0x6, s1;
	[tilespmem:v40+s19+$0x0] =	vst.idx.msk $0xffff, v39;
	v39 =	vor.u32 s3, v28  }
0x1f1: {  	v40 =	vmov s28;
	[tilespmem:s15], [sflag:$0x6] =	stream.strided.gather [hbm4b:s2+s9], $0x2000, s8, s9, $0x38;
	[tilespmem:$0x18200] =	vst v63  }
0x1f2: {  	v41 =	vshll.u32 v40, $0x3;
	_ =	swait.ge [sflag:s25], $0x2000  }
0x1f3: {  	v40 =	vand.u32 $0x76, v40;
	v41 =	vand.u32 $0xC00, v41;
	[sflag:s25] =	ssyncset.done $0x0  }
0x1f4: {  	v40 =	vor.u32 v40, v41;
	[sflag:s25] =	ssyncadd.s32 $0xFFFFE000  }
0x1f5: {  	v41 =	vor.u32 v1, v40;
	v39 =	vld.idx.msk [tilespmem:v39+s10+$0x0], $0xffff  }
0x1f6: {  	v42 =	vor.u32 s3, v29;
	_ =	sdelay $0x1  }
0x1f7: {  	(v2sf) =	vpush v38, $0xE  }
0x1f8: {  	(v2sf) =	vpush v37, $0xF  }
0x1f9: {  	(v2sf) =	vpush v36, $0x7;
	[tilespmem:v41+s19+$0x0] =	vst.idx.msk $0xffff, v39  }
0x1fa: {  	v36 =	vld.idx.msk [tilespmem:v42+s10+$0x0], $0xffff;
	v42 =	vor.u32 v3, v40  }
0x1fb: {  	v43 =	vor.u32 s3, v30;
	_ =	sdelay $0x3  }
0x1fc: {  	[tilespmem:v42+s19+$0x0] =	vst.idx.msk $0xffff, v36  }
0x1fd: {  	v42 =	vor.u32 v5, v40;
	v36 =	vld.idx.msk [tilespmem:v43+s10+$0x0], $0xffff  }
0x1fe: {  	v43 =	vor.u32 s3, v31;
	_ =	sdelay $0x3  }
0x1ff: {  	[tilespmem:v42+s19+$0x0] =	vst.idx.msk $0xffff, v36  }
0x200: {  	v41 =	vor.u32 v7, v40;
	s2 =	spop (v2sf);
	v36 =	vld.idx.msk [tilespmem:v43+s10+$0x0], $0xffff  }
0x201: {  	s3 =	spop (v2sf)  }
0x202: {  	s28 =	spop (v2sf)  }
0x203: {  	s28 =	sand.u32 $0x7F, s28  }
0x204: {  	s3 =	smov.u32 @p0 s28  }
0x205: {  	s28 =	sadd.s32 $0x7, s1;
	[tilespmem:v41+s19+$0x0] =	vst.idx.msk $0xffff, v36;
	v36 =	vor.u32 s3, v32  }
0x206: {  	v42 =	vmov s28;
	[tilespmem:s16], [sflag:$0x7] =	stream.strided.gather [hbm4b:s2+s9], $0x2000, s8, s9, $0x38;
	[tilespmem:$0x18200] =	vst v63  }
0x207: {  	v43 =	vshll.u32 v42, $0x3;
	_ =	swait.ge [sflag:s26], $0x2000  }
0x208: {  	v37 =	vand.u32 $0x77, v42;
	v39 =	vand.u32 $0xC00, v43;
	[sflag:s26] =	ssyncset.done $0x0  }
0x209: {  	v37 =	vor.u32 v37, v39;
	[sflag:s26] =	ssyncadd.s32 $0xFFFFE000  }
0x20a: {  	v39 =	vor.u32 v1, v37;
	v36 =	vld.idx.msk [tilespmem:v36+s10+$0x0], $0xffff  }
0x20b: {  	v40 =	vor.u32 s3, v33;
	_ =	sdelay $0x3  }
0x20c: {  	[tilespmem:v39+s19+$0x0] =	vst.idx.msk $0xffff, v36  }
0x20d: {  	v39 =	vor.u32 v3, v37;
	v36 =	vld.idx.msk [tilespmem:v40+s10+$0x0], $0xffff  }
0x20e: {  	v40 =	vor.u32 s3, v34  }
0x20f: {  	(v2sf) =	vpush v38, $0xF;
	_ =	sdelay $0x2  }
0x210: {  	[tilespmem:v39+s19+$0x0] =	vst.idx.msk $0xffff, v36  }
0x211: {  	v42 =	vor.u32 v5, v37;
	v36 =	vld.idx.msk [tilespmem:v40+s10+$0x0], $0xffff  }
0x212: {  	v43 =	vor.u32 s3, v35;
	_ =	sdelay $0x3  }
0x213: {  	[tilespmem:v42+s19+$0x0] =	vst.idx.msk $0xffff, v36  }
0x214: {  	s1 =	sadd.s32 $0x10, s1;
	v37 =	vor.u32 v7, v37;
	v36 =	vld.idx.msk [tilespmem:v43+s10+$0x0], $0xffff  }
0x215: {  	p0 =	sne.s32 s1, $0x200  }
.Ltmp3:
0x216: {  	_ = 	snop;
	(pc) =	sbr.rel @!p0 .LBB2_15-.Ltmp3, $3  }
0x217: {  	_ =	sdelay $0x1  }
0x218: {  	s31 =	sadd.s32 $0x10, s31;
	s28 =	spop (v2sf);
	[tilespmem:v37+s19+$0x0] =	vst.idx.msk $0xffff, v36  }
0x219: {  	[tilespmem:s17], [sflag:$0x8] =	stream.strided.gather [hbm4b:s28+s9], $0x2000, s8, s9, $0x38;
	[tilespmem:$0x18200] =	vst v63  }
.LBB2_2:
0x21a: {  	v36 =	vld [tilespmem:s31+$0x0];
	s2 =	smax.u32 s1, $0x8  }
0x21b: {  	p0 =	seq.s32 s1, $0x0;
	v37 =	vld [tilespmem:s2+$0xFFFFFFF8]  }
.Ltmp4:
0x21c: {  	_ = 	snop;
	(pc) =	sbr.rel @p0 .LBB2_4-.Ltmp4, $2  }
0x21d: {  	_ =	sdelay $0x2  }
0x21e: {  	v38 =	vand.u32 $0xFFFFFF80, v36;
	v37 =	vand.u32 $0x7F, v37  }
0x21f: {  	v39 =	vbroadcast v37, $0x0;
	_ =	sdelay $0x1  }
0x220: {  	s2 =	sadd.s32 $0xFFFFFFF8, s1;
	v40 =	vor.u32 v0, v39  }
0x221: {  	v41 =	vmov s2  }
0x222: {  	_ =	swait.ge [sflag:s18], $0x2000;
	v42 =	vshll.u32 v41, $0x3  }
0x223: {  	[sflag:s18] =	ssyncset.done $0x0;
	v41 =	vand.u32 $0x78, v41;
	v42 =	vand.u32 $0xFFFFFC00, v42  }
0x224: {  	[sflag:s18] =	ssyncadd.s32 $0xFFFFE000;
	v41 =	vor.u32 v41, v42  }
0x225: {  	v42 =	vadd.s32 v1, v41;
	v40 =	vld.idx.msk [tilespmem:v40+s10+$0x0], $0xffff  }
0x226: {  	v43 =	vor.u32 v2, v39;
	_ =	sdelay $0x3  }
0x227: {  	[tilespmem:v42+s19+$0x0] =	vst.idx.msk $0xffff, v40  }
0x228: {  	v42 =	vadd.s32 v3, v41;
	v40 =	vld.idx.msk [tilespmem:v43+s10+$0x0], $0xffff  }
0x229: {  	(v2sf) =	vpush v38, $0x0;
	v43 =	vor.u32 v4, v39;
	_ =	sdelay $0x3  }
0x22a: {  	[tilespmem:v42+s19+$0x0] =	vst.idx.msk $0xffff, v40  }
0x22b: {  	v42 =	vadd.s32 v5, v41;
	v40 =	vld.idx.msk [tilespmem:v43+s10+$0x0], $0xffff  }
0x22c: {  	v39 =	vor.u32 v6, v39;
	_ =	sdelay $0x3  }
0x22d: {  	[tilespmem:v42+s19+$0x0] =	vst.idx.msk $0xffff, v40  }
0x22e: {  	v40 =	vadd.s32 v7, v41;
	v39 =	vld.idx.msk [tilespmem:v39+s10+$0x0], $0xffff;
	_ =	sdelay $0x2  }
0x22f: {  	v41 =	vbroadcast v37, $0x1  }
0x230: {  	s28 =	spop (v2sf)  }
0x231: {  	s3 =	sadd.s32 $0xFFFFFFF9, s1;
	s2 =	sadd.s32 s0, s28;
	[tilespmem:v40+s19+$0x0] =	vst.idx.msk $0xffff, v39;
	v39 =	vor.u32 v8, v41  }
0x232: {  	v40 =	vmov s3;
	[tilespmem:s10], [sflag:$0x1] =	stream.strided.gather [hbm4b:s2+s9], $0x2000, s8, s9, $0x38;
	[tilespmem:$0x18200] =	vst v63  }
0x233: {  	v42 =	vshll.u32 v40, $0x3;
	_ =	swait.ge [sflag:s20], $0x2000  }
0x234: {  	v40 =	vand.u32 $0x79, v40;
	v42 =	vand.u32 $0xFFFFFC00, v42;
	[sflag:s20] =	ssyncset.done $0x0  }
0x235: {  	v40 =	vor.u32 v40, v42;
	[sflag:s20] =	ssyncadd.s32 $0xFFFFE000  }
0x236: {  	v42 =	vadd.s32 v1, v40;
	v39 =	vld.idx.msk [tilespmem:v39+s10+$0x0], $0xffff  }
0x237: {  	v43 =	vor.u32 v9, v41;
	_ =	sdelay $0x3  }
0x238: {  	[tilespmem:v42+s19+$0x0] =	vst.idx.msk $0xffff, v39  }
0x239: {  	v42 =	vadd.s32 v3, v40;
	v39 =	vld.idx.msk [tilespmem:v43+s10+$0x0], $0xffff  }
0x23a: {  	v43 =	vor.u32 v10, v41;
	_ =	sdelay $0x3  }
0x23b: {  	[tilespmem:v42+s19+$0x0] =	vst.idx.msk $0xffff, v39  }
0x23c: {  	v42 =	vadd.s32 v5, v40;
	v39 =	vld.idx.msk [tilespmem:v43+s10+$0x0], $0xffff  }
0x23d: {  	v41 =	vor.u32 v11, v41;
	_ =	sdelay $0x3  }
0x23e: {  	[tilespmem:v42+s19+$0x0] =	vst.idx.msk $0xffff, v39  }
0x23f: {  	v40 =	vadd.s32 v7, v40;
	v39 =	vld.idx.msk [tilespmem:v41+s10+$0x0], $0xffff  }
.Ltmp5:
0x240: {  	_ = 	snop;
	(pc) =	sbr.rel .LBB2_5-.Ltmp5, $2  }
0x241: {  	_ =	sdelay $0x2  }
0x242: {  	[tilespmem:v40+s19+$0x0] =	vst.idx.msk $0xffff, v39  }
.LBB2_4:
0x243: {  	(v2sf) =	vpush v38, $0x0;
	_ =	sdelay $0xe  }
0x244: {  	s2 =	spop (v2sf)  }
0x245: {  	s2 =	sadd.s32 s0, s2  }
0x246: {  	[tilespmem:s10], [sflag:$0x1] =	stream.strided.gather [hbm4b:s2+s9], $0x2000, s8, s9, $0x38;
	[tilespmem:$0x18200] =	vst v63  }
.LBB2_5:
0x247: {  	(v2sf) =	vpush v38, $0x1;
	_ =	sdelay $0xc  }
.Ltmp6:
0x248: {  	_ = 	snop;
	(pc) =	sbr.rel @p0 .LBB2_7-.Ltmp6, $4  }
0x249: {  	_ = 	snop  }
0x24a: {  	s2 =	spop (v2sf)  }
0x24b: {  	s2 =	sadd.s32 s0, s2  }
0x24c: {  	[tilespmem:s11], [sflag:$0x2] =	stream.strided.gather [hbm4b:s2+s9], $0x2000, s8, s9, $0x38;
	[tilespmem:$0x18200] =	vst v63  }
0x24d: {  	v39 =	vbroadcast v37, $0x2;
	_ =	sdelay $0x1  }
0x24e: {  	s2 =	sadd.s32 $0xFFFFFFFA, s1;
	v40 =	vor.u32 v12, v39  }
0x24f: {  	v41 =	vmov s2  }
0x250: {  	_ =	swait.ge [sflag:s21], $0x2000;
	v42 =	vshll.u32 v41, $0x3  }
0x251: {  	[sflag:s21] =	ssyncset.done $0x0;
	v41 =	vand.u32 $0x7A, v41;
	v42 =	vand.u32 $0xFFFFFC00, v42  }
0x252: {  	[sflag:s21] =	ssyncadd.s32 $0xFFFFE000;
	v41 =	vor.u32 v41, v42  }
0x253: {  	v42 =	vadd.s32 v1, v41;
	v40 =	vld.idx.msk [tilespmem:v40+s10+$0x0], $0xffff  }
0x254: {  	v43 =	vor.u32 v13, v39;
	_ =	sdelay $0x3  }
0x255: {  	[tilespmem:v42+s19+$0x0] =	vst.idx.msk $0xffff, v40  }
0x256: {  	v42 =	vadd.s32 v3, v41;
	v40 =	vld.idx.msk [tilespmem:v43+s10+$0x0], $0xffff  }
0x257: {  	(v2sf) =	vpush v38, $0x2;
	v43 =	vor.u32 v14, v39;
	_ =	sdelay $0x3  }
0x258: {  	[tilespmem:v42+s19+$0x0] =	vst.idx.msk $0xffff, v40  }
0x259: {  	v42 =	vadd.s32 v5, v41;
	v40 =	vld.idx.msk [tilespmem:v43+s10+$0x0], $0xffff  }
0x25a: {  	v39 =	vor.u32 v15, v39;
	_ =	sdelay $0x3  }
0x25b: {  	[tilespmem:v42+s19+$0x0] =	vst.idx.msk $0xffff, v40  }
0x25c: {  	v40 =	vadd.s32 v7, v41;
	v39 =	vld.idx.msk [tilespmem:v39+s10+$0x0], $0xffff;
	_ =	sdelay $0x2  }
0x25d: {  	v41 =	vbroadcast v37, $0x3  }
0x25e: {  	s28 =	spop (v2sf)  }
0x25f: {  	s3 =	sadd.s32 $0xFFFFFFFB, s1;
	s2 =	sadd.s32 s0, s28;
	[tilespmem:v40+s19+$0x0] =	vst.idx.msk $0xffff, v39;
	v39 =	vor.u32 v16, v41  }
0x260: {  	v40 =	vmov s3;
	[tilespmem:s12], [sflag:$0x3] =	stream.strided.gather [hbm4b:s2+s9], $0x2000, s8, s9, $0x38;
	[tilespmem:$0x18200] =	vst v63  }
0x261: {  	v42 =	vshll.u32 v40, $0x3;
	_ =	swait.ge [sflag:s22], $0x2000  }
0x262: {  	v40 =	vand.u32 $0x7B, v40;
	v42 =	vand.u32 $0xFFFFFC00, v42;
	[sflag:s22] =	ssyncset.done $0x0  }
0x263: {  	v40 =	vor.u32 v40, v42;
	[sflag:s22] =	ssyncadd.s32 $0xFFFFE000  }
0x264: {  	v42 =	vadd.s32 v1, v40;
	v39 =	vld.idx.msk [tilespmem:v39+s10+$0x0], $0xffff  }
0x265: {  	v43 =	vor.u32 v17, v41;
	_ =	sdelay $0x3  }
0x266: {  	[tilespmem:v42+s19+$0x0] =	vst.idx.msk $0xffff, v39  }
0x267: {  	v42 =	vadd.s32 v3, v40;
	v39 =	vld.idx.msk [tilespmem:v43+s10+$0x0], $0xffff  }
0x268: {  	v43 =	vor.u32 v18, v41;
	_ =	sdelay $0x3  }
0x269: {  	[tilespmem:v42+s19+$0x0] =	vst.idx.msk $0xffff, v39  }
0x26a: {  	v42 =	vadd.s32 v5, v40;
	v39 =	vld.idx.msk [tilespmem:v43+s10+$0x0], $0xffff  }
0x26b: {  	v41 =	vor.u32 v19, v41;
	_ =	sdelay $0x3  }
0x26c: {  	[tilespmem:v42+s19+$0x0] =	vst.idx.msk $0xffff, v39  }
0x26d: {  	v40 =	vadd.s32 v7, v40;
	v39 =	vld.idx.msk [tilespmem:v41+s10+$0x0], $0xffff  }
.Ltmp7:
0x26e: {  	_ = 	snop;
	(pc) =	sbr.rel .LBB2_8-.Ltmp7, $2  }
0x26f: {  	_ =	sdelay $0x2  }
0x270: {  	[tilespmem:v40+s19+$0x0] =	vst.idx.msk $0xffff, v39  }
.LBB2_7:
0x271: {  	(v2sf) =	vpush v38, $0x2;
	_ =	sdelay $0xe  }
0x272: {  	s2 =	spop (v2sf)  }
0x273: {  	s2 =	sadd.s32 s0, s2  }
0x274: {  	[tilespmem:s12], [sflag:$0x3] =	stream.strided.gather [hbm4b:s2+s9], $0x2000, s8, s9, $0x38;
	[tilespmem:$0x18200] =	vst v63  }
.LBB2_8:
0x275: {  	(v2sf) =	vpush v38, $0x3;
	_ =	sdelay $0xc  }
.Ltmp8:
0x276: {  	_ = 	snop;
	(pc) =	sbr.rel @p0 .LBB2_10-.Ltmp8, $4  }
0x277: {  	_ = 	snop  }
0x278: {  	s2 =	spop (v2sf)  }
0x279: {  	s2 =	sadd.s32 s0, s2  }
0x27a: {  	[tilespmem:s13], [sflag:$0x4] =	stream.strided.gather [hbm4b:s2+s9], $0x2000, s8, s9, $0x38;
	[tilespmem:$0x18200] =	vst v63  }
0x27b: {  	v39 =	vbroadcast v37, $0x4;
	_ =	sdelay $0x1  }
0x27c: {  	s2 =	sadd.s32 $0xFFFFFFFC, s1;
	v40 =	vor.u32 v20, v39  }
0x27d: {  	v41 =	vmov s2  }
0x27e: {  	_ =	swait.ge [sflag:s23], $0x2000;
	v42 =	vshll.u32 v41, $0x3  }
0x27f: {  	[sflag:s23] =	ssyncset.done $0x0;
	v41 =	vand.u32 $0x7C, v41;
	v42 =	vand.u32 $0xFFFFFC00, v42  }
0x280: {  	[sflag:s23] =	ssyncadd.s32 $0xFFFFE000;
	v41 =	vor.u32 v41, v42  }
0x281: {  	v42 =	vadd.s32 v1, v41;
	v40 =	vld.idx.msk [tilespmem:v40+s10+$0x0], $0xffff  }
0x282: {  	v43 =	vor.u32 v21, v39;
	_ =	sdelay $0x3  }
0x283: {  	[tilespmem:v42+s19+$0x0] =	vst.idx.msk $0xffff, v40  }
0x284: {  	v42 =	vadd.s32 v3, v41;
	v40 =	vld.idx.msk [tilespmem:v43+s10+$0x0], $0xffff  }
0x285: {  	(v2sf) =	vpush v38, $0x4;
	v43 =	vor.u32 v22, v39;
	_ =	sdelay $0x3  }
0x286: {  	[tilespmem:v42+s19+$0x0] =	vst.idx.msk $0xffff, v40  }
0x287: {  	v42 =	vadd.s32 v5, v41;
	v40 =	vld.idx.msk [tilespmem:v43+s10+$0x0], $0xffff  }
0x288: {  	v39 =	vor.u32 v23, v39;
	_ =	sdelay $0x3  }
0x289: {  	[tilespmem:v42+s19+$0x0] =	vst.idx.msk $0xffff, v40  }
0x28a: {  	v40 =	vadd.s32 v7, v41;
	v39 =	vld.idx.msk [tilespmem:v39+s10+$0x0], $0xffff;
	_ =	sdelay $0x2  }
0x28b: {  	v41 =	vbroadcast v37, $0x5  }
0x28c: {  	s28 =	spop (v2sf)  }
0x28d: {  	s3 =	sadd.s32 $0xFFFFFFFD, s1;
	s2 =	sadd.s32 s0, s28;
	[tilespmem:v40+s19+$0x0] =	vst.idx.msk $0xffff, v39;
	v39 =	vor.u32 v24, v41  }
0x28e: {  	v40 =	vmov s3;
	[tilespmem:s14], [sflag:$0x5] =	stream.strided.gather [hbm4b:s2+s9], $0x2000, s8, s9, $0x38;
	[tilespmem:$0x18200] =	vst v63  }
0x28f: {  	v42 =	vshll.u32 v40, $0x3;
	_ =	swait.ge [sflag:s24], $0x2000  }
0x290: {  	v40 =	vand.u32 $0x7D, v40;
	v42 =	vand.u32 $0xFFFFFC00, v42;
	[sflag:s24] =	ssyncset.done $0x0  }
0x291: {  	v40 =	vor.u32 v40, v42;
	[sflag:s24] =	ssyncadd.s32 $0xFFFFE000  }
0x292: {  	v42 =	vadd.s32 v1, v40;
	v39 =	vld.idx.msk [tilespmem:v39+s10+$0x0], $0xffff  }
0x293: {  	v43 =	vor.u32 v25, v41;
	_ =	sdelay $0x3  }
0x294: {  	[tilespmem:v42+s19+$0x0] =	vst.idx.msk $0xffff, v39  }
0x295: {  	v42 =	vadd.s32 v3, v40;
	v39 =	vld.idx.msk [tilespmem:v43+s10+$0x0], $0xffff  }
0x296: {  	v43 =	vor.u32 v26, v41;
	_ =	sdelay $0x3  }
0x297: {  	[tilespmem:v42+s19+$0x0] =	vst.idx.msk $0xffff, v39  }
0x298: {  	v42 =	vadd.s32 v5, v40;
	v39 =	vld.idx.msk [tilespmem:v43+s10+$0x0], $0xffff  }
0x299: {  	v41 =	vor.u32 v27, v41;
	_ =	sdelay $0x3  }
0x29a: {  	[tilespmem:v42+s19+$0x0] =	vst.idx.msk $0xffff, v39  }
0x29b: {  	v40 =	vadd.s32 v7, v40;
	v39 =	vld.idx.msk [tilespmem:v41+s10+$0x0], $0xffff  }
.Ltmp9:
0x29c: {  	_ = 	snop;
	(pc) =	sbr.rel .LBB2_11-.Ltmp9, $2  }
0x29d: {  	_ =	sdelay $0x2  }
0x29e: {  	[tilespmem:v40+s19+$0x0] =	vst.idx.msk $0xffff, v39  }
.LBB2_10:
0x29f: {  	(v2sf) =	vpush v38, $0x4;
	_ =	sdelay $0xe  }
0x2a0: {  	s2 =	spop (v2sf)  }
0x2a1: {  	s2 =	sadd.s32 s0, s2  }
0x2a2: {  	[tilespmem:s14], [sflag:$0x5] =	stream.strided.gather [hbm4b:s2+s9], $0x2000, s8, s9, $0x38;
	[tilespmem:$0x18200] =	vst v63  }
.LBB2_11:
0x2a3: {  	(v2sf) =	vpush v38, $0x5;
	_ =	sdelay $0xc  }
.Ltmp10:
0x2a4: {  	_ = 	snop;
	(pc) =	sbr.rel @p0 .LBB2_13-.Ltmp10, $4  }
0x2a5: {  	_ = 	snop  }
0x2a6: {  	s2 =	spop (v2sf)  }
0x2a7: {  	s2 =	sadd.s32 s0, s2  }
0x2a8: {  	[tilespmem:s15], [sflag:$0x6] =	stream.strided.gather [hbm4b:s2+s9], $0x2000, s8, s9, $0x38;
	[tilespmem:$0x18200] =	vst v63  }
0x2a9: {  	v39 =	vbroadcast v37, $0x6;
	_ =	sdelay $0x1  }
0x2aa: {  	s2 =	sadd.s32 $0xFFFFFFFE, s1;
	v40 =	vor.u32 v28, v39  }
0x2ab: {  	v41 =	vmov s2  }
0x2ac: {  	_ =	swait.ge [sflag:s25], $0x2000;
	v42 =	vshll.u32 v41, $0x3  }
0x2ad: {  	[sflag:s25] =	ssyncset.done $0x0;
	v41 =	vand.u32 $0x7E, v41;
	v42 =	vand.u32 $0xFFFFFC00, v42  }
0x2ae: {  	[sflag:s25] =	ssyncadd.s32 $0xFFFFE000;
	v41 =	vor.u32 v41, v42  }
0x2af: {  	v42 =	vadd.s32 v1, v41;
	v40 =	vld.idx.msk [tilespmem:v40+s10+$0x0], $0xffff  }
0x2b0: {  	v43 =	vor.u32 v29, v39;
	_ =	sdelay $0x3  }
0x2b1: {  	[tilespmem:v42+s19+$0x0] =	vst.idx.msk $0xffff, v40  }
0x2b2: {  	v42 =	vadd.s32 v3, v41;
	v40 =	vld.idx.msk [tilespmem:v43+s10+$0x0], $0xffff  }
0x2b3: {  	(v2sf) =	vpush v38, $0x6;
	v43 =	vor.u32 v30, v39;
	_ =	sdelay $0x3  }
0x2b4: {  	[tilespmem:v42+s19+$0x0] =	vst.idx.msk $0xffff, v40  }
0x2b5: {  	v42 =	vadd.s32 v5, v41;
	v40 =	vld.idx.msk [tilespmem:v43+s10+$0x0], $0xffff  }
0x2b6: {  	v39 =	vor.u32 v31, v39;
	_ =	sdelay $0x3  }
0x2b7: {  	[tilespmem:v42+s19+$0x0] =	vst.idx.msk $0xffff, v40  }
0x2b8: {  	v40 =	vadd.s32 v7, v41;
	v39 =	vld.idx.msk [tilespmem:v39+s10+$0x0], $0xffff;
	_ =	sdelay $0x2  }
0x2b9: {  	v41 =	vbroadcast v37, $0x7  }
0x2ba: {  	s28 =	spop (v2sf)  }
0x2bb: {  	s3 =	sadd.s32 $0xFFFFFFFF, s1;
	s2 =	sadd.s32 s0, s28;
	[tilespmem:v40+s19+$0x0] =	vst.idx.msk $0xffff, v39;
	v39 =	vor.u32 v32, v41  }
0x2bc: {  	v40 =	vmov s3;
	[tilespmem:s16], [sflag:$0x7] =	stream.strided.gather [hbm4b:s2+s9], $0x2000, s8, s9, $0x38;
	[tilespmem:$0x18200] =	vst v63  }
0x2bd: {  	v42 =	vshll.u32 v40, $0x3;
	_ =	swait.ge [sflag:s26], $0x2000  }
0x2be: {  	v40 =	vand.u32 $0x7F, v40;
	v42 =	vand.u32 $0xFFFFFC00, v42;
	[sflag:s26] =	ssyncset.done $0x0  }
0x2bf: {  	v40 =	vor.u32 v40, v42;
	[sflag:s26] =	ssyncadd.s32 $0xFFFFE000  }
0x2c0: {  	v42 =	vadd.s32 v1, v40;
	v39 =	vld.idx.msk [tilespmem:v39+s10+$0x0], $0xffff  }
0x2c1: {  	v43 =	vor.u32 v33, v41;
	_ =	sdelay $0x3  }
0x2c2: {  	[tilespmem:v42+s19+$0x0] =	vst.idx.msk $0xffff, v39  }
0x2c3: {  	v42 =	vadd.s32 v3, v40;
	v39 =	vld.idx.msk [tilespmem:v43+s10+$0x0], $0xffff  }
0x2c4: {  	v43 =	vor.u32 v34, v41;
	_ =	sdelay $0x3  }
0x2c5: {  	[tilespmem:v42+s19+$0x0] =	vst.idx.msk $0xffff, v39  }
0x2c6: {  	v42 =	vadd.s32 v5, v40;
	v39 =	vld.idx.msk [tilespmem:v43+s10+$0x0], $0xffff  }
0x2c7: {  	v41 =	vor.u32 v35, v41;
	_ =	sdelay $0x3  }
0x2c8: {  	[tilespmem:v42+s19+$0x0] =	vst.idx.msk $0xffff, v39  }
0x2c9: {  	v40 =	vadd.s32 v7, v40;
	v39 =	vld.idx.msk [tilespmem:v41+s10+$0x0], $0xffff  }
.Ltmp11:
0x2ca: {  	_ = 	snop;
	(pc) =	sbr.rel .LBB2_14-.Ltmp11, $2  }
0x2cb: {  	_ =	sdelay $0x2  }
0x2cc: {  	[tilespmem:v40+s19+$0x0] =	vst.idx.msk $0xffff, v39  }
.LBB2_16:
0x2cd: {  	_ =	sfence.sel $0x180000  }
0x2ce: {  	[bflag:$0x0] =	sbarrier.arrive $0xFFFF  }
0x2cf: {  	_ =	strace $0x90000047  }
0x2d0: {  	s0 =	stileid.u32;
	[bflag:$0x2] =	sbarrier.arrive $0xFFFF  }
0x2d1: {  	p0 =	sne.s32 s0, $0x0;
	s0 =	rddreg [dreg:$0x3]  }
0x2d2: {  	s0 =	sadd.s32 @!p0 $0x100000, s0  }
0x2d3: {  	[sflag:s0] =	ssyncadd.tile.s32 @!p0 $0x1;
	_ =	shalt  }
.Lfunc_end2:
_tile_overlayer_lowered:
.L_overlay_start_2:
0x2d4: {  	(tag) =	ssettag $0x2  }
0x2d5: {  	s0 =	rddreg [dreg:$0x0];
	s2 =	stileid.u32  }
0x2d6: {  	s1 =	rddreg [dreg:$0x1];
	p0 =	sne.s32 s2, $0x0  }
0x2d7: {  	s3 =	rddreg [dreg:$0x2];
	[bflag:$0x3] =	sbarrier.arrive $0xFFFF;
	s2 =	simm.s32 @!p0 $0x1C09  }
0x2d8: {  	[timem:s3], [sflag:s2] =	dma.local @!p0 [hbm:s0], s1  }
0x2d9: {  	s0 =	simm.s32 @!p0 $0x9  }
0x2da: {  	_ =	swait.ge @!p0 [sflag:s0], s1  }
0x2db: {  	s1 =	ssub.s32 @!p0 $0x0, s1;
	[sflag:s0] =	ssyncset.done @!p0 $0x0  }
0x2dc: {  	[sflag:s0] =	ssyncadd.s32 @!p0 s1  }
0x2dd: {  	[bflag:$0x3] =	sbarrier.arrive $0xFFFF  }
0x2de: {  	_ =	shalt  }

</sc_bundles>
